<compile_context>
chip_gen: v7x
topology: tpu7x:2x2x1
jax: 0.10.2.dev20260603
libtpu: 0.0.44.dev20260713+nightly
codegen_flags: <defaults>
</compile_context>

<pallas_src>
import functools

import jax
import jax.numpy as jnp
from jax import lax
from jax.experimental import pallas as pl
from jax.experimental.pallas import tpu as pltpu
from jax.experimental.pallas import tpu_sc as plsc

_POINTER_OFFSET = 10

_BATCH, _DEC_LEN, _ENC_LEN, _DIM = 4, 2048, 2048, 1024
_NW = 32
_PER_W = _BATCH * _DEC_LEN // _NW
_W_PER_ROW = _DEC_LEN // _PER_W
_CHUNK = 16
_NBUF = 4
_INFLIGHT = 3
_NCHUNK = _PER_W // _CHUNK
_LANES = 16

_mesh = plsc.VectorSubcoreMesh(core_axis_name="c", subcore_axis_name="s",
                               num_cores=2, num_subcores=16)


@functools.partial(
    pl.kernel,
    out_type=[
        jax.ShapeDtypeStruct((_BATCH, _DEC_LEN), jnp.int32),
        jax.ShapeDtypeStruct((_BATCH * _DEC_LEN, _DIM), jnp.float32),
    ],
    mesh=_mesh,
    compiler_params=pltpu.CompilerParams(needs_layout_passes=False),
    scratch_types=[
        pltpu.VMEM((_DEC_LEN,), jnp.int32),
        pltpu.VMEM((_ENC_LEN,), jnp.int32),
        pltpu.VMEM((1, _PER_W), jnp.int32),
        pltpu.VMEM((_NBUF, _CHUNK, _DIM), jnp.float32),
        pltpu.SemaphoreType.DMA,
        pltpu.SemaphoreType.DMA,
    ],
)
def _pointer_head_sc(ids_hbm, enc_hbm, table_hbm,
                     ids_out_hbm, emb_out_hbm,
                     ids_v, enc_v, dec_v, rows_v, gsem, osem):
    wid = lax.axis_index("s") * 2 + lax.axis_index("c")
    batch_row = wid // _W_PER_ROW
    col = (wid % _W_PER_ROW) * _PER_W
    base = wid * _PER_W

    pltpu.sync_copy(ids_hbm.at[batch_row], ids_v)
    pltpu.sync_copy(enc_hbm.at[batch_row], enc_v)

    def compute_chunk(i):
        ids = ids_v[pl.ds(col + i * _LANES, _LANES)]
        is_tag = ids < _POINTER_OFFSET
        small = jnp.where(ids == 1, 2, jnp.where(ids == 2, 1, 0))
        tag_tok = jnp.where(
            ids < 3, small,
            jnp.where(ids < 7, ids + 50257,
                      jnp.where(ids < 9, ids + 50251, 50257)))
        enc_idx = jnp.minimum(jnp.maximum(ids - _POINTER_OFFSET, 0),
                              _ENC_LEN - 1)
        word_tok = plsc.load_gather(enc_v, [enc_idx])
        dec_v[0, pl.ds(i * _LANES, _LANES)] = jnp.where(is_tag, tag_tok,
                                                        word_tok)

    def gather(c):
        return pltpu.async_copy(
            table_hbm.at[dec_v.at[0, pl.ds(c * _CHUNK, _CHUNK)]],
            rows_v.at[c % _NBUF], gsem)

    gd = [None] * _NCHUNK
    od = [None] * _NCHUNK
    for c in range(_INFLIGHT):
        compute_chunk(c)
        gd[c] = gather(c)
    for c in range(_INFLIGHT, _NCHUNK):
        compute_chunk(c)
    pltpu.sync_copy(dec_v,
                    ids_out_hbm.at[pl.ds(batch_row, 1), pl.ds(col, _PER_W)])
    for c in range(_NCHUNK):
        gd[c].wait()
        od[c] = pltpu.async_copy(
            rows_v.at[c % _NBUF],
            emb_out_hbm.at[pl.ds(base + c * _CHUNK, _CHUNK)], osem)
        nxt = c + _INFLIGHT
        if nxt < _NCHUNK:
            if nxt >= _NBUF:
                od[nxt - _NBUF].wait()
            gd[nxt] = gather(nxt)
    for c in range(max(0, _NCHUNK - _NBUF), _NCHUNK):
        od[c].wait()


def kernel(input_ids, encoder_input_ids, table):
    dec, emb = _pointer_head_sc(input_ids, encoder_input_ids, table)
    return (dec, emb.reshape(_BATCH, _DEC_LEN, _DIM))

# --- scband reference (transcript-rebuilt; emitter-appended) ---
"""Pipeline reference for scband-pointer-head-55070070669599 (READ-ONLY COPY).

The authoritative reference and input builder live on the scoring server;
editing this copy changes nothing except your own understanding.
"""

import jax, jax.numpy as jnp
import numpy as np

POINTER_OFFSET = 10
TARGET2TOKEN = jnp.array([0, 2, 1, 50260, 50261, 50262, 50263, 50258, 50259, 50257], dtype=jnp.int32)
BATCH, DEC_LEN, ENC_LEN = 4, 2048, 2048
VOCAB, DIM = 50265, 1024


def setup_inputs(seed: int = 0) -> dict:
    key = jax.random.key(seed)
    k1, k2, k3 = jax.random.split(key, 3)
    input_ids = jax.random.randint(k1, (BATCH, DEC_LEN), 0, POINTER_OFFSET + ENC_LEN)
    encoder_input_ids = jax.random.randint(k2, (BATCH, ENC_LEN), 0, VOCAB)
    table = jax.random.normal(k3, (VOCAB, DIM), dtype=jnp.float32) * 0.02
    return {"input_ids": input_ids, "encoder_input_ids": encoder_input_ids, "table": table}


def reference(input_ids, encoder_input_ids, table):
    # PointerHead.prepare_decoder_input_ids
    mapping_token_mask = input_ids < POINTER_OFFSET
    mapped_tokens = jnp.where(input_ids >= POINTER_OFFSET, 0, input_ids)
    tag_mapped_tokens = jnp.take(TARGET2TOKEN, mapped_tokens, axis=0)
    encoder_input_ids_index = input_ids - POINTER_OFFSET
    encoder_input_ids_index = jnp.where(encoder_input_ids_index < 0, 0, encoder_input_ids_index)
    word_mapped_tokens = jnp.take_along_axis(encoder_input_ids, encoder_input_ids_index, axis=1)
    decoder_input_ids = jnp.where(mapping_token_mask, tag_mapped_tokens, word_mapped_tokens).astype(jnp.int32)
    # embedding lookup with the head's shared embedding table
    embedded = jnp.take(table, decoder_input_ids, axis=0)
    return (decoder_input_ids, embedded)

if __name__ == "__main__":
    import jax
    _d = setup_inputs()
    print(jax.jit(kernel)(*tuple(_d.values())))

</pallas_src>

<mosaic_0001>
#map = affine_map<(d0, d1) -> (0, 0)>
module attributes {stable_mosaic.version = 14 : i64} {
  func.func @_pointer_head_sc(%arg0: i32, %arg1: i32, %arg2: memref<4x2048xi32, #tpu.memory_space<hbm>>, %arg3: memref<4x2048xi32, #tpu.memory_space<hbm>>, %arg4: memref<50265x1024xf32, #tpu.memory_space<hbm>>, %arg5: memref<4x2048xi32, #tpu.memory_space<hbm>>, %arg6: memref<8192x1024xf32, #tpu.memory_space<hbm>>, %arg7: memref<2048xi32, #tpu.memory_space<vmem>>, %arg8: memref<2048xi32, #tpu.memory_space<vmem>>, %arg9: memref<1x256xi32, #tpu.memory_space<vmem>>, %arg10: memref<4x16x1024xf32, #tpu.memory_space<vmem>>, %arg11: memref<!tpu.dma_semaphore, #tpu.memory_space<semaphore_mem>>, %arg12: memref<!tpu.dma_semaphore, #tpu.memory_space<semaphore_mem>>) attributes {dimension_semantics = [#tpu.dimension_semantics<core_parallel>, #tpu.dimension_semantics<subcore_parallel>], iteration_bounds = array<i64: 2, 16>, scalar_prefetch = 0 : i64, scratch_operands = 6 : i64, tpu.core_type = #tpu.core_type<sc_vector_subcore>, window_params = [{transform_indices = #map}, {transform_indices = #map}, {transform_indices = #map}, {transform_indices = #map}, {transform_indices = #map}]} {
    %mul3A = arith.constant 2 : i32
    %mul3A_0 = arith.muli %arg1, %mul3A : i32
    %add3A = arith.addi %mul3A_0, %arg0 : i32
    %jit3A = arith.constant 8 : i32
    %div3A = arith.divsi %add3A, %jit3A : i32
    %sign3A = arith.constant 0 : i32
    %sign3A_1 = arith.cmpi sgt, %add3A, %sign3A : i32
    %sign3A_2 = arith.extui %sign3A_1 : i1 to i32
    %sign3A_3 = arith.constant 0 : i32
    %sign3A_4 = arith.cmpi slt, %add3A, %sign3A_3 : i32
    %sign3A_5 = arith.extui %sign3A_4 : i1 to i32
    %sign3A_6 = arith.subi %sign3A_2, %sign3A_5 : i32
    %sign3A_7 = arith.constant 0 : i32
    %sign3A_8 = arith.cmpi sgt, %jit3A, %sign3A_7 : i32
    %sign3A_9 = arith.extui %sign3A_8 : i1 to i32
    %sign3A_10 = arith.constant 0 : i32
    %sign3A_11 = arith.cmpi slt, %jit3A, %sign3A_10 : i32
    %sign3A_12 = arith.extui %sign3A_11 : i1 to i32
    %sign3A_13 = arith.subi %sign3A_9, %sign3A_12 : i32
    %ne3A = arith.cmpi ne, %sign3A_6, %sign3A_13 : i32
    %rem3A = arith.remsi %add3A, %jit3A : i32
    %ne3A_14 = arith.constant 0 : i32
    %ne3A_15 = arith.cmpi ne, %rem3A, %ne3A_14 : i32
    %and3A = arith.andi %ne3A, %ne3A_15 : i1
    %sub3A = arith.constant 1 : i32
    %sub3A_16 = arith.subi %div3A, %sub3A : i32
    %select_n3A = arith.select %and3A, %sub3A_16, %div3A : i32
    %jit3A_17 = arith.constant 8 : i32
    %eq3A = arith.constant 0 : i32
    %eq3A_18 = arith.cmpi eq, %jit3A_17, %eq3A : i32
    %jit3A_19 = arith.constant 1 : i32
    %select_n3A_20 = arith.select %eq3A_18, %jit3A_19, %jit3A_17 : i32
    %rem3A_21 = arith.remsi %add3A, %select_n3A_20 : i32
    %ne3A_22 = arith.constant 0 : i32
    %ne3A_23 = arith.cmpi ne, %rem3A_21, %ne3A_22 : i32
    %lt3A = arith.constant 0 : i32
    %lt3A_24 = arith.cmpi slt, %rem3A_21, %lt3A : i32
    %lt3A_25 = arith.constant 0 : i32
    %lt3A_26 = arith.cmpi slt, %select_n3A_20, %lt3A_25 : i32
    %ne3A_27 = arith.xori %lt3A_24, %lt3A_26 : i1
    %and3A_28 = arith.andi %ne3A_27, %ne3A_23 : i1
    %add3A_29 = arith.addi %rem3A_21, %select_n3A_20 : i32
    %select_n3A_30 = arith.select %and3A_28, %add3A_29, %rem3A_21 : i32
    %mul3A_31 = arith.constant 256 : i32
    %mul3A_32 = arith.muli %select_n3A_30, %mul3A_31 : i32
    %mul3A_33 = arith.constant 256 : i32
    %mul3A_34 = arith.muli %add3A, %mul3A_33 : i32
    "tpu.region"() ({
      %run_scoped3A = tpu.sem_alloc : memref<!tpu.dma_semaphore, #tpu.memory_space<semaphore_mem>>
      %dma_start3A_1755 = arith.constant 0 : i32
      %dma_start3A_1756 = tpu.memref_slice %arg2[%select_n3A, %dma_start3A_1755] : memref<4x2048xi32, #tpu.memory_space<hbm>> -> memref<1x2048xi32, #tpu.memory_space<hbm>>
      %dma_start3A_1757 = tpu.memref_squeeze %dma_start3A_1756 : memref<1x2048xi32, #tpu.memory_space<hbm>> -> memref<2048xi32, #tpu.memory_space<hbm>>
      %dma_start3A_1758 = arith.constant 0 : i32
      %dma_start3A_1759 = tpu.memref_slice %arg2[%select_n3A, %dma_start3A_1758] : memref<4x2048xi32, #tpu.memory_space<hbm>> -> memref<1x2048xi32, #tpu.memory_space<hbm>>
      %dma_start3A_1760 = tpu.memref_squeeze %dma_start3A_1759 : memref<1x2048xi32, #tpu.memory_space<hbm>> -> memref<2048xi32, #tpu.memory_space<hbm>>
      tpu.enqueue_dma source(%dma_start3A_1760 : memref<2048xi32, #tpu.memory_space<hbm>>) target(%arg7 : memref<2048xi32, #tpu.memory_space<vmem>>) target_semaphore(%run_scoped3A : memref<!tpu.dma_semaphore, #tpu.memory_space<semaphore_mem>>)
      %dma_wait3A_1761 = arith.constant 0 : i32
      %dma_wait3A_1762 = tpu.memref_slice %arg2[%select_n3A, %dma_wait3A_1761] : memref<4x2048xi32, #tpu.memory_space<hbm>> -> memref<1x2048xi32, #tpu.memory_space<hbm>>
      %dma_wait3A_1763 = tpu.memref_squeeze %dma_wait3A_1762 : memref<1x2048xi32, #tpu.memory_space<hbm>> -> memref<2048xi32, #tpu.memory_space<hbm>>
      %dma_wait3A_1764 = arith.constant 0 : i32
      %dma_wait3A_1765 = tpu.memref_slice %arg2[%select_n3A, %dma_wait3A_1764] : memref<4x2048xi32, #tpu.memory_space<hbm>> -> memref<1x2048xi32, #tpu.memory_space<hbm>>
      %dma_wait3A_1766 = tpu.memref_squeeze %dma_wait3A_1765 : memref<1x2048xi32, #tpu.memory_space<hbm>> -> memref<2048xi32, #tpu.memory_space<hbm>>
      tpu.wait_dma2 semaphore(%run_scoped3A : memref<!tpu.dma_semaphore, #tpu.memory_space<semaphore_mem>>) src(%dma_wait3A_1766 : memref<2048xi32, #tpu.memory_space<hbm>>) dst(%arg7 : memref<2048xi32, #tpu.memory_space<vmem>>)
      tpu.yield
    }) : () -> ()
    "tpu.region"() ({
      %run_scoped3A = tpu.sem_alloc : memref<!tpu.dma_semaphore, #tpu.memory_space<semaphore_mem>>
      %dma_start3A_1755 = arith.constant 0 : i32
      %dma_start3A_1756 = tpu.memref_slice %arg3[%select_n3A, %dma_start3A_1755] : memref<4x2048xi32, #tpu.memory_space<hbm>> -> memref<1x2048xi32, #tpu.memory_space<hbm>>
      %dma_start3A_1757 = tpu.memref_squeeze %dma_start3A_1756 : memref<1x2048xi32, #tpu.memory_space<hbm>> -> memref<2048xi32, #tpu.memory_space<hbm>>
      %dma_start3A_1758 = arith.constant 0 : i32
      %dma_start3A_1759 = tpu.memref_slice %arg3[%select_n3A, %dma_start3A_1758] : memref<4x2048xi32, #tpu.memory_space<hbm>> -> memref<1x2048xi32, #tpu.memory_space<hbm>>
      %dma_start3A_1760 = tpu.memref_squeeze %dma_start3A_1759 : memref<1x2048xi32, #tpu.memory_space<hbm>> -> memref<2048xi32, #tpu.memory_space<hbm>>
      tpu.enqueue_dma source(%dma_start3A_1760 : memref<2048xi32, #tpu.memory_space<hbm>>) target(%arg8 : memref<2048xi32, #tpu.memory_space<vmem>>) target_semaphore(%run_scoped3A : memref<!tpu.dma_semaphore, #tpu.memory_space<semaphore_mem>>)
      %dma_wait3A_1761 = arith.constant 0 : i32
      %dma_wait3A_1762 = tpu.memref_slice %arg3[%select_n3A, %dma_wait3A_1761] : memref<4x2048xi32, #tpu.memory_space<hbm>> -> memref<1x2048xi32, #tpu.memory_space<hbm>>
      %dma_wait3A_1763 = tpu.memref_squeeze %dma_wait3A_1762 : memref<1x2048xi32, #tpu.memory_space<hbm>> -> memref<2048xi32, #tpu.memory_space<hbm>>
      %dma_wait3A_1764 = arith.constant 0 : i32
      %dma_wait3A_1765 = tpu.memref_slice %arg3[%select_n3A, %dma_wait3A_1764] : memref<4x2048xi32, #tpu.memory_space<hbm>> -> memref<1x2048xi32, #tpu.memory_space<hbm>>
      %dma_wait3A_1766 = tpu.memref_squeeze %dma_wait3A_1765 : memref<1x2048xi32, #tpu.memory_space<hbm>> -> memref<2048xi32, #tpu.memory_space<hbm>>
      tpu.wait_dma2 semaphore(%run_scoped3A : memref<!tpu.dma_semaphore, #tpu.memory_space<semaphore_mem>>) src(%dma_wait3A_1766 : memref<2048xi32, #tpu.memory_space<hbm>>) dst(%arg8 : memref<2048xi32, #tpu.memory_space<vmem>>)
      tpu.yield
    }) : () -> ()
    %add3A_35 = arith.constant 0 : i32
    %add3A_36 = arith.addi %mul3A_32, %add3A_35 : i32
    %get3A = arith.index_cast %add3A_36 : i32 to index
    %get3A_37 = tpu.vector_load %arg7[%get3A] {strides = array<i32>} : memref<2048xi32, #tpu.memory_space<vmem>>, vector<16xi32>,
    %lt3A_38 = arith.constant 10 : i32
    %lt3A_39 = vector.broadcast %lt3A_38 : i32 to vector<16xi32>
    %lt3A_40 = arith.cmpi slt, %get3A_37, %lt3A_39 : vector<16xi32>
    %eq3A_41 = arith.constant 1 : i32
    %eq3A_42 = vector.broadcast %eq3A_41 : i32 to vector<16xi32>
    %eq3A_43 = arith.cmpi eq, %get3A_37, %eq3A_42 : vector<16xi32>
    %eq3A_44 = arith.constant 2 : i32
    %eq3A_45 = vector.broadcast %eq3A_44 : i32 to vector<16xi32>
    %eq3A_46 = arith.cmpi eq, %get3A_37, %eq3A_45 : vector<16xi32>
    %jit3A_47 = arith.constant 1 : i32
    %jit3A_48 = arith.constant 0 : i32
    %broadcast_in_dim3A = vector.broadcast %jit3A_47 : i32 to vector<16xi32>
    %broadcast_in_dim3A_49 = vector.broadcast %jit3A_48 : i32 to vector<16xi32>
    %select_n3A_50 = arith.select %eq3A_46, %broadcast_in_dim3A, %broadcast_in_dim3A_49 : vector<16xi1>, vector<16xi32>
    %jit3A_51 = arith.constant 2 : i32
    %broadcast_in_dim3A_52 = vector.broadcast %jit3A_51 : i32 to vector<16xi32>
    %select_n3A_53 = arith.select %eq3A_43, %broadcast_in_dim3A_52, %select_n3A_50 : vector<16xi1>, vector<16xi32>
    %lt3A_54 = arith.constant 3 : i32
    %lt3A_55 = vector.broadcast %lt3A_54 : i32 to vector<16xi32>
    %lt3A_56 = arith.cmpi slt, %get3A_37, %lt3A_55 : vector<16xi32>
    %lt3A_57 = arith.constant 7 : i32
    %lt3A_58 = vector.broadcast %lt3A_57 : i32 to vector<16xi32>
    %lt3A_59 = arith.cmpi slt, %get3A_37, %lt3A_58 : vector<16xi32>
    %add3A_60 = arith.constant 50257 : i32
    %add3A_61 = vector.broadcast %add3A_60 : i32 to vector<16xi32>
    %add3A_62 = arith.addi %get3A_37, %add3A_61 : vector<16xi32>
    %lt3A_63 = arith.constant 9 : i32
    %lt3A_64 = vector.broadcast %lt3A_63 : i32 to vector<16xi32>
    %lt3A_65 = arith.cmpi slt, %get3A_37, %lt3A_64 : vector<16xi32>
    %add3A_66 = arith.constant 50251 : i32
    %add3A_67 = vector.broadcast %add3A_66 : i32 to vector<16xi32>
    %add3A_68 = arith.addi %get3A_37, %add3A_67 : vector<16xi32>
    %jit3A_69 = arith.constant 50257 : i32
    %broadcast_in_dim3A_70 = vector.broadcast %jit3A_69 : i32 to vector<16xi32>
    %select_n3A_71 = arith.select %lt3A_65, %add3A_68, %broadcast_in_dim3A_70 : vector<16xi1>, vector<16xi32>
    %select_n3A_72 = arith.select %lt3A_59, %add3A_62, %select_n3A_71 : vector<16xi1>, vector<16xi32>
    %select_n3A_73 = arith.select %lt3A_56, %select_n3A_53, %select_n3A_72 : vector<16xi1>, vector<16xi32>
    %sub3A_74 = arith.constant 10 : i32
    %sub3A_75 = vector.broadcast %sub3A_74 : i32 to vector<16xi32>
    %sub3A_76 = arith.subi %get3A_37, %sub3A_75 : vector<16xi32>
    %max3A = arith.constant 0 : i32
    %max3A_77 = vector.broadcast %max3A : i32 to vector<16xi32>
    %max3A_78 = arith.maxsi %sub3A_76, %max3A_77 : vector<16xi32>
    %min3A = arith.constant 2047 : i32
    %min3A_79 = vector.broadcast %min3A : i32 to vector<16xi32>
    %min3A_80 = arith.minsi %max3A_78, %min3A_79 : vector<16xi32>
    %gather3A = tpu.vector_load_idx %arg8[%min3A_80] : memref<2048xi32, #tpu.memory_space<vmem>>[vector<16xi32>], vector<16xi32>,
    %select_n3A_81 = arith.select %lt3A_40, %select_n3A_73, %gather3A : vector<16xi1>, vector<16xi32>
    %swap3A = arith.constant 0 : i32
    %swap3A_82 = arith.index_cast %swap3A : i32 to index
    %swap3A_83 = arith.constant 0 : index
    %swap3A_84 = tpu.vector_load %arg9[%swap3A_82, %swap3A_83] {strides = array<i32>} : memref<1x256xi32, #tpu.memory_space<vmem>>, vector<16xi32>,
    tpu.vector_store %arg9[%swap3A_82, %swap3A_83], %select_n3A_81 {strides = array<i32>} : memref<1x256xi32, #tpu.memory_space<vmem>>, vector<16xi32>,
    %dma_start3A = arith.constant 0 : i32
    %dma_start3A_85 = arith.constant 0 : i32
    %dma_start3A_86 = arith.constant 0 : i32
    %dma_start3A_87 = arith.constant 0 : i32
    %dma_start3A_88 = tpu.memref_slice %arg10[%dma_start3A_85, %dma_start3A_86, %dma_start3A_87] : memref<4x16x1024xf32, #tpu.memory_space<vmem>> -> memref<1x16x1024xf32, #tpu.memory_space<vmem>>
    %dma_start3A_89 = tpu.memref_squeeze %dma_start3A_88 : memref<1x16x1024xf32, #tpu.memory_space<vmem>> -> memref<16x1024xf32, #tpu.memory_space<vmem>>
    %dma_start3A_90 = arith.constant 0 : i32
    %dma_start3A_91 = tpu.memref_slice %arg9[%dma_start3A, %dma_start3A_90] : memref<1x256xi32, #tpu.memory_space<vmem>> -> memref<1x16xi32, #tpu.memory_space<vmem>>
    %dma_start3A_92 = tpu.memref_squeeze %dma_start3A_91 : memref<1x16xi32, #tpu.memory_space<vmem>> -> memref<16xi32, #tpu.memory_space<vmem>>
    %dma_start3A_93 = arith.constant 0 : i32
    %dma_start3A_94 = arith.constant 0 : i32
    %dma_start3A_95 = tpu.memref_slice %arg4[%dma_start3A_93, %dma_start3A_94] : memref<50265x1024xf32, #tpu.memory_space<hbm>> -> memref<50265x1024xf32, #tpu.memory_space<hbm>>
    tpu.enqueue_indirect_dma source(%dma_start3A_95 : memref<50265x1024xf32, #tpu.memory_space<hbm>>) target(%dma_start3A_89 : memref<16x1024xf32, #tpu.memory_space<vmem>>) offsets(%dma_start3A_92 : memref<16xi32, #tpu.memory_space<vmem>>) semaphore(%arg11 : memref<!tpu.dma_semaphore, #tpu.memory_space<semaphore_mem>>)
    %add3A_96 = arith.constant 16 : i32
    %add3A_97 = arith.addi %mul3A_32, %add3A_96 : i32
    %get3A_98 = arith.index_cast %add3A_97 : i32 to index
    %get3A_99 = tpu.vector_load %arg7[%get3A_98] {strides = array<i32>} : memref<2048xi32, #tpu.memory_space<vmem>>, vector<16xi32>,
    %lt3A_100 = arith.constant 10 : i32
    %lt3A_101 = vector.broadcast %lt3A_100 : i32 to vector<16xi32>
    %lt3A_102 = arith.cmpi slt, %get3A_99, %lt3A_101 : vector<16xi32>
    %eq3A_103 = arith.constant 1 : i32
    %eq3A_104 = vector.broadcast %eq3A_103 : i32 to vector<16xi32>
    %eq3A_105 = arith.cmpi eq, %get3A_99, %eq3A_104 : vector<16xi32>
    %eq3A_106 = arith.constant 2 : i32
    %eq3A_107 = vector.broadcast %eq3A_106 : i32 to vector<16xi32>
    %eq3A_108 = arith.cmpi eq, %get3A_99, %eq3A_107 : vector<16xi32>
    %jit3A_109 = arith.constant 1 : i32
    %jit3A_110 = arith.constant 0 : i32
    %broadcast_in_dim3A_111 = vector.broadcast %jit3A_109 : i32 to vector<16xi32>
    %broadcast_in_dim3A_112 = vector.broadcast %jit3A_110 : i32 to vector<16xi32>
    %select_n3A_113 = arith.select %eq3A_108, %broadcast_in_dim3A_111, %broadcast_in_dim3A_112 : vector<16xi1>, vector<16xi32>
    %jit3A_114 = arith.constant 2 : i32
    %broadcast_in_dim3A_115 = vector.broadcast %jit3A_114 : i32 to vector<16xi32>
    %select_n3A_116 = arith.select %eq3A_105, %broadcast_in_dim3A_115, %select_n3A_113 : vector<16xi1>, vector<16xi32>
    %lt3A_117 = arith.constant 3 : i32
    %lt3A_118 = vector.broadcast %lt3A_117 : i32 to vector<16xi32>
    %lt3A_119 = arith.cmpi slt, %get3A_99, %lt3A_118 : vector<16xi32>
    %lt3A_120 = arith.constant 7 : i32
    %lt3A_121 = vector.broadcast %lt3A_120 : i32 to vector<16xi32>
    %lt3A_122 = arith.cmpi slt, %get3A_99, %lt3A_121 : vector<16xi32>
    %add3A_123 = arith.constant 50257 : i32
    %add3A_124 = vector.broadcast %add3A_123 : i32 to vector<16xi32>
    %add3A_125 = arith.addi %get3A_99, %add3A_124 : vector<16xi32>
    %lt3A_126 = arith.constant 9 : i32
    %lt3A_127 = vector.broadcast %lt3A_126 : i32 to vector<16xi32>
    %lt3A_128 = arith.cmpi slt, %get3A_99, %lt3A_127 : vector<16xi32>
    %add3A_129 = arith.constant 50251 : i32
    %add3A_130 = vector.broadcast %add3A_129 : i32 to vector<16xi32>
    %add3A_131 = arith.addi %get3A_99, %add3A_130 : vector<16xi32>
    %jit3A_132 = arith.constant 50257 : i32
    %broadcast_in_dim3A_133 = vector.broadcast %jit3A_132 : i32 to vector<16xi32>
    %select_n3A_134 = arith.select %lt3A_128, %add3A_131, %broadcast_in_dim3A_133 : vector<16xi1>, vector<16xi32>
    %select_n3A_135 = arith.select %lt3A_122, %add3A_125, %select_n3A_134 : vector<16xi1>, vector<16xi32>
    %select_n3A_136 = arith.select %lt3A_119, %select_n3A_116, %select_n3A_135 : vector<16xi1>, vector<16xi32>
    %sub3A_137 = arith.constant 10 : i32
    %sub3A_138 = vector.broadcast %sub3A_137 : i32 to vector<16xi32>
    %sub3A_139 = arith.subi %get3A_99, %sub3A_138 : vector<16xi32>
    %max3A_140 = arith.constant 0 : i32
    %max3A_141 = vector.broadcast %max3A_140 : i32 to vector<16xi32>
    %max3A_142 = arith.maxsi %sub3A_139, %max3A_141 : vector<16xi32>
    %min3A_143 = arith.constant 2047 : i32
    %min3A_144 = vector.broadcast %min3A_143 : i32 to vector<16xi32>
    %min3A_145 = arith.minsi %max3A_142, %min3A_144 : vector<16xi32>
    %gather3A_146 = tpu.vector_load_idx %arg8[%min3A_145] : memref<2048xi32, #tpu.memory_space<vmem>>[vector<16xi32>], vector<16xi32>,
    %select_n3A_147 = arith.select %lt3A_102, %select_n3A_136, %gather3A_146 : vector<16xi1>, vector<16xi32>
    %swap3A_148 = arith.constant 0 : i32
    %swap3A_149 = arith.index_cast %swap3A_148 : i32 to index
    %swap3A_150 = arith.constant 16 : index
    %swap3A_151 = tpu.vector_load %arg9[%swap3A_149, %swap3A_150] {strides = array<i32>} : memref<1x256xi32, #tpu.memory_space<vmem>>, vector<16xi32>,
    tpu.vector_store %arg9[%swap3A_149, %swap3A_150], %select_n3A_147 {strides = array<i32>} : memref<1x256xi32, #tpu.memory_space<vmem>>, vector<16xi32>,
    %dma_start3A_152 = arith.constant 0 : i32
    %dma_start3A_153 = arith.constant 1 : i32
    %dma_start3A_154 = arith.constant 0 : i32
    %dma_start3A_155 = arith.constant 0 : i32
    %dma_start3A_156 = tpu.memref_slice %arg10[%dma_start3A_153, %dma_start3A_154, %dma_start3A_155] : memref<4x16x1024xf32, #tpu.memory_space<vmem>> -> memref<1x16x1024xf32, #tpu.memory_space<vmem>>
    %dma_start3A_157 = tpu.memref_squeeze %dma_start3A_156 : memref<1x16x1024xf32, #tpu.memory_space<vmem>> -> memref<16x1024xf32, #tpu.memory_space<vmem>>
    %dma_start3A_158 = arith.constant 16 : i32
    %dma_start3A_159 = tpu.memref_slice %arg9[%dma_start3A_152, %dma_start3A_158] : memref<1x256xi32, #tpu.memory_space<vmem>> -> memref<1x16xi32, #tpu.memory_space<vmem>>
    %dma_start3A_160 = tpu.memref_squeeze %dma_start3A_159 : memref<1x16xi32, #tpu.memory_space<vmem>> -> memref<16xi32, #tpu.memory_space<vmem>>
    %dma_start3A_161 = arith.constant 0 : i32
    %dma_start3A_162 = arith.constant 0 : i32
    %dma_start3A_163 = tpu.memref_slice %arg4[%dma_start3A_161, %dma_start3A_162] : memref<50265x1024xf32, #tpu.memory_space<hbm>> -> memref<50265x1024xf32, #tpu.memory_space<hbm>>
    tpu.enqueue_indirect_dma source(%dma_start3A_163 : memref<50265x1024xf32, #tpu.memory_space<hbm>>) target(%dma_start3A_157 : memref<16x1024xf32, #tpu.memory_space<vmem>>) offsets(%dma_start3A_160 : memref<16xi32, #tpu.memory_space<vmem>>) semaphore(%arg11 : memref<!tpu.dma_semaphore, #tpu.memory_space<semaphore_mem>>)
    %add3A_164 = arith.constant 32 : i32
    %add3A_165 = arith.addi %mul3A_32, %add3A_164 : i32
    %get3A_166 = arith.index_cast %add3A_165 : i32 to index
    %get3A_167 = tpu.vector_load %arg7[%get3A_166] {strides = array<i32>} : memref<2048xi32, #tpu.memory_space<vmem>>, vector<16xi32>,
    %lt3A_168 = arith.constant 10 : i32
    %lt3A_169 = vector.broadcast %lt3A_168 : i32 to vector<16xi32>
    %lt3A_170 = arith.cmpi slt, %get3A_167, %lt3A_169 : vector<16xi32>
    %eq3A_171 = arith.constant 1 : i32
    %eq3A_172 = vector.broadcast %eq3A_171 : i32 to vector<16xi32>
    %eq3A_173 = arith.cmpi eq, %get3A_167, %eq3A_172 : vector<16xi32>
    %eq3A_174 = arith.constant 2 : i32
    %eq3A_175 = vector.broadcast %eq3A_174 : i32 to vector<16xi32>
    %eq3A_176 = arith.cmpi eq, %get3A_167, %eq3A_175 : vector<16xi32>
    %jit3A_177 = arith.constant 1 : i32
    %jit3A_178 = arith.constant 0 : i32
    %broadcast_in_dim3A_179 = vector.broadcast %jit3A_177 : i32 to vector<16xi32>
    %broadcast_in_dim3A_180 = vector.broadcast %jit3A_178 : i32 to vector<16xi32>
    %select_n3A_181 = arith.select %eq3A_176, %broadcast_in_dim3A_179, %broadcast_in_dim3A_180 : vector<16xi1>, vector<16xi32>
    %jit3A_182 = arith.constant 2 : i32
    %broadcast_in_dim3A_183 = vector.broadcast %jit3A_182 : i32 to vector<16xi32>
    %select_n3A_184 = arith.select %eq3A_173, %broadcast_in_dim3A_183, %select_n3A_181 : vector<16xi1>, vector<16xi32>
    %lt3A_185 = arith.constant 3 : i32
    %lt3A_186 = vector.broadcast %lt3A_185 : i32 to vector<16xi32>
    %lt3A_187 = arith.cmpi slt, %get3A_167, %lt3A_186 : vector<16xi32>
    %lt3A_188 = arith.constant 7 : i32
    %lt3A_189 = vector.broadcast %lt3A_188 : i32 to vector<16xi32>
    %lt3A_190 = arith.cmpi slt, %get3A_167, %lt3A_189 : vector<16xi32>
    %add3A_191 = arith.constant 50257 : i32
    %add3A_192 = vector.broadcast %add3A_191 : i32 to vector<16xi32>
    %add3A_193 = arith.addi %get3A_167, %add3A_192 : vector<16xi32>
    %lt3A_194 = arith.constant 9 : i32
    %lt3A_195 = vector.broadcast %lt3A_194 : i32 to vector<16xi32>
    %lt3A_196 = arith.cmpi slt, %get3A_167, %lt3A_195 : vector<16xi32>
    %add3A_197 = arith.constant 50251 : i32
    %add3A_198 = vector.broadcast %add3A_197 : i32 to vector<16xi32>
    %add3A_199 = arith.addi %get3A_167, %add3A_198 : vector<16xi32>
    %jit3A_200 = arith.constant 50257 : i32
    %broadcast_in_dim3A_201 = vector.broadcast %jit3A_200 : i32 to vector<16xi32>
    %select_n3A_202 = arith.select %lt3A_196, %add3A_199, %broadcast_in_dim3A_201 : vector<16xi1>, vector<16xi32>
    %select_n3A_203 = arith.select %lt3A_190, %add3A_193, %select_n3A_202 : vector<16xi1>, vector<16xi32>
    %select_n3A_204 = arith.select %lt3A_187, %select_n3A_184, %select_n3A_203 : vector<16xi1>, vector<16xi32>
    %sub3A_205 = arith.constant 10 : i32
    %sub3A_206 = vector.broadcast %sub3A_205 : i32 to vector<16xi32>
    %sub3A_207 = arith.subi %get3A_167, %sub3A_206 : vector<16xi32>
    %max3A_208 = arith.constant 0 : i32
    %max3A_209 = vector.broadcast %max3A_208 : i32 to vector<16xi32>
    %max3A_210 = arith.maxsi %sub3A_207, %max3A_209 : vector<16xi32>
    %min3A_211 = arith.constant 2047 : i32
    %min3A_212 = vector.broadcast %min3A_211 : i32 to vector<16xi32>
    %min3A_213 = arith.minsi %max3A_210, %min3A_212 : vector<16xi32>
    %gather3A_214 = tpu.vector_load_idx %arg8[%min3A_213] : memref<2048xi32, #tpu.memory_space<vmem>>[vector<16xi32>], vector<16xi32>,
    %select_n3A_215 = arith.select %lt3A_170, %select_n3A_204, %gather3A_214 : vector<16xi1>, vector<16xi32>
    %swap3A_216 = arith.constant 0 : i32
    %swap3A_217 = arith.index_cast %swap3A_216 : i32 to index
    %swap3A_218 = arith.constant 32 : index
    %swap3A_219 = tpu.vector_load %arg9[%swap3A_217, %swap3A_218] {strides = array<i32>} : memref<1x256xi32, #tpu.memory_space<vmem>>, vector<16xi32>,
    tpu.vector_store %arg9[%swap3A_217, %swap3A_218], %select_n3A_215 {strides = array<i32>} : memref<1x256xi32, #tpu.memory_space<vmem>>, vector<16xi32>,
    %dma_start3A_220 = arith.constant 0 : i32
    %dma_start3A_221 = arith.constant 2 : i32
    %dma_start3A_222 = arith.constant 0 : i32
    %dma_start3A_223 = arith.constant 0 : i32
    %dma_start3A_224 = tpu.memref_slice %arg10[%dma_start3A_221, %dma_start3A_222, %dma_start3A_223] : memref<4x16x1024xf32, #tpu.memory_space<vmem>> -> memref<1x16x1024xf32, #tpu.memory_space<vmem>>
    %dma_start3A_225 = tpu.memref_squeeze %dma_start3A_224 : memref<1x16x1024xf32, #tpu.memory_space<vmem>> -> memref<16x1024xf32, #tpu.memory_space<vmem>>
    %dma_start3A_226 = arith.constant 32 : i32
    %dma_start3A_227 = tpu.memref_slice %arg9[%dma_start3A_220, %dma_start3A_226] : memref<1x256xi32, #tpu.memory_space<vmem>> -> memref<1x16xi32, #tpu.memory_space<vmem>>
    %dma_start3A_228 = tpu.memref_squeeze %dma_start3A_227 : memref<1x16xi32, #tpu.memory_space<vmem>> -> memref<16xi32, #tpu.memory_space<vmem>>
    %dma_start3A_229 = arith.constant 0 : i32
    %dma_start3A_230 = arith.constant 0 : i32
    %dma_start3A_231 = tpu.memref_slice %arg4[%dma_start3A_229, %dma_start3A_230] : memref<50265x1024xf32, #tpu.memory_space<hbm>> -> memref<50265x1024xf32, #tpu.memory_space<hbm>>
    tpu.enqueue_indirect_dma source(%dma_start3A_231 : memref<50265x1024xf32, #tpu.memory_space<hbm>>) target(%dma_start3A_225 : memref<16x1024xf32, #tpu.memory_space<vmem>>) offsets(%dma_start3A_228 : memref<16xi32, #tpu.memory_space<vmem>>) semaphore(%arg11 : memref<!tpu.dma_semaphore, #tpu.memory_space<semaphore_mem>>)
    %add3A_232 = arith.constant 48 : i32
    %add3A_233 = arith.addi %mul3A_32, %add3A_232 : i32
    %get3A_234 = arith.index_cast %add3A_233 : i32 to index
    %get3A_235 = tpu.vector_load %arg7[%get3A_234] {strides = array<i32>} : memref<2048xi32, #tpu.memory_space<vmem>>, vector<16xi32>,
    %lt3A_236 = arith.constant 10 : i32
    %lt3A_237 = vector.broadcast %lt3A_236 : i32 to vector<16xi32>
    %lt3A_238 = arith.cmpi slt, %get3A_235, %lt3A_237 : vector<16xi32>
    %eq3A_239 = arith.constant 1 : i32
    %eq3A_240 = vector.broadcast %eq3A_239 : i32 to vector<16xi32>
    %eq3A_241 = arith.cmpi eq, %get3A_235, %eq3A_240 : vector<16xi32>
    %eq3A_242 = arith.constant 2 : i32
    %eq3A_243 = vector.broadcast %eq3A_242 : i32 to vector<16xi32>
    %eq3A_244 = arith.cmpi eq, %get3A_235, %eq3A_243 : vector<16xi32>
    %jit3A_245 = arith.constant 1 : i32
    %jit3A_246 = arith.constant 0 : i32
    %broadcast_in_dim3A_247 = vector.broadcast %jit3A_245 : i32 to vector<16xi32>
    %broadcast_in_dim3A_248 = vector.broadcast %jit3A_246 : i32 to vector<16xi32>
    %select_n3A_249 = arith.select %eq3A_244, %broadcast_in_dim3A_247, %broadcast_in_dim3A_248 : vector<16xi1>, vector<16xi32>
    %jit3A_250 = arith.constant 2 : i32
    %broadcast_in_dim3A_251 = vector.broadcast %jit3A_250 : i32 to vector<16xi32>
    %select_n3A_252 = arith.select %eq3A_241, %broadcast_in_dim3A_251, %select_n3A_249 : vector<16xi1>, vector<16xi32>
    %lt3A_253 = arith.constant 3 : i32
    %lt3A_254 = vector.broadcast %lt3A_253 : i32 to vector<16xi32>
    %lt3A_255 = arith.cmpi slt, %get3A_235, %lt3A_254 : vector<16xi32>
    %lt3A_256 = arith.constant 7 : i32
    %lt3A_257 = vector.broadcast %lt3A_256 : i32 to vector<16xi32>
    %lt3A_258 = arith.cmpi slt, %get3A_235, %lt3A_257 : vector<16xi32>
    %add3A_259 = arith.constant 50257 : i32
    %add3A_260 = vector.broadcast %add3A_259 : i32 to vector<16xi32>
    %add3A_261 = arith.addi %get3A_235, %add3A_260 : vector<16xi32>
    %lt3A_262 = arith.constant 9 : i32
    %lt3A_263 = vector.broadcast %lt3A_262 : i32 to vector<16xi32>
    %lt3A_264 = arith.cmpi slt, %get3A_235, %lt3A_263 : vector<16xi32>
    %add3A_265 = arith.constant 50251 : i32
    %add3A_266 = vector.broadcast %add3A_265 : i32 to vector<16xi32>
    %add3A_267 = arith.addi %get3A_235, %add3A_266 : vector<16xi32>
    %jit3A_268 = arith.constant 50257 : i32
    %broadcast_in_dim3A_269 = vector.broadcast %jit3A_268 : i32 to vector<16xi32>
    %select_n3A_270 = arith.select %lt3A_264, %add3A_267, %broadcast_in_dim3A_269 : vector<16xi1>, vector<16xi32>
    %select_n3A_271 = arith.select %lt3A_258, %add3A_261, %select_n3A_270 : vector<16xi1>, vector<16xi32>
    %select_n3A_272 = arith.select %lt3A_255, %select_n3A_252, %select_n3A_271 : vector<16xi1>, vector<16xi32>
    %sub3A_273 = arith.constant 10 : i32
    %sub3A_274 = vector.broadcast %sub3A_273 : i32 to vector<16xi32>
    %sub3A_275 = arith.subi %get3A_235, %sub3A_274 : vector<16xi32>
    %max3A_276 = arith.constant 0 : i32
    %max3A_277 = vector.broadcast %max3A_276 : i32 to vector<16xi32>
    %max3A_278 = arith.maxsi %sub3A_275, %max3A_277 : vector<16xi32>
    %min3A_279 = arith.constant 2047 : i32
    %min3A_280 = vector.broadcast %min3A_279 : i32 to vector<16xi32>
    %min3A_281 = arith.minsi %max3A_278, %min3A_280 : vector<16xi32>
    %gather3A_282 = tpu.vector_load_idx %arg8[%min3A_281] : memref<2048xi32, #tpu.memory_space<vmem>>[vector<16xi32>], vector<16xi32>,
    %select_n3A_283 = arith.select %lt3A_238, %select_n3A_272, %gather3A_282 : vector<16xi1>, vector<16xi32>
    %swap3A_284 = arith.constant 0 : i32
    %swap3A_285 = arith.index_cast %swap3A_284 : i32 to index
    %swap3A_286 = arith.constant 48 : index
    %swap3A_287 = tpu.vector_load %arg9[%swap3A_285, %swap3A_286] {strides = array<i32>} : memref<1x256xi32, #tpu.memory_space<vmem>>, vector<16xi32>,
    tpu.vector_store %arg9[%swap3A_285, %swap3A_286], %select_n3A_283 {strides = array<i32>} : memref<1x256xi32, #tpu.memory_space<vmem>>, vector<16xi32>,
    %add3A_288 = arith.constant 64 : i32
    %add3A_289 = arith.addi %mul3A_32, %add3A_288 : i32
    %get3A_290 = arith.index_cast %add3A_289 : i32 to index
    %get3A_291 = tpu.vector_load %arg7[%get3A_290] {strides = array<i32>} : memref<2048xi32, #tpu.memory_space<vmem>>, vector<16xi32>,
    %lt3A_292 = arith.constant 10 : i32
    %lt3A_293 = vector.broadcast %lt3A_292 : i32 to vector<16xi32>
    %lt3A_294 = arith.cmpi slt, %get3A_291, %lt3A_293 : vector<16xi32>
    %eq3A_295 = arith.constant 1 : i32
    %eq3A_296 = vector.broadcast %eq3A_295 : i32 to vector<16xi32>
    %eq3A_297 = arith.cmpi eq, %get3A_291, %eq3A_296 : vector<16xi32>
    %eq3A_298 = arith.constant 2 : i32
    %eq3A_299 = vector.broadcast %eq3A_298 : i32 to vector<16xi32>
    %eq3A_300 = arith.cmpi eq, %get3A_291, %eq3A_299 : vector<16xi32>
    %jit3A_301 = arith.constant 1 : i32
    %jit3A_302 = arith.constant 0 : i32
    %broadcast_in_dim3A_303 = vector.broadcast %jit3A_301 : i32 to vector<16xi32>
    %broadcast_in_dim3A_304 = vector.broadcast %jit3A_302 : i32 to vector<16xi32>
    %select_n3A_305 = arith.select %eq3A_300, %broadcast_in_dim3A_303, %broadcast_in_dim3A_304 : vector<16xi1>, vector<16xi32>
    %jit3A_306 = arith.constant 2 : i32
    %broadcast_in_dim3A_307 = vector.broadcast %jit3A_306 : i32 to vector<16xi32>
    %select_n3A_308 = arith.select %eq3A_297, %broadcast_in_dim3A_307, %select_n3A_305 : vector<16xi1>, vector<16xi32>
    %lt3A_309 = arith.constant 3 : i32
    %lt3A_310 = vector.broadcast %lt3A_309 : i32 to vector<16xi32>
    %lt3A_311 = arith.cmpi slt, %get3A_291, %lt3A_310 : vector<16xi32>
    %lt3A_312 = arith.constant 7 : i32
    %lt3A_313 = vector.broadcast %lt3A_312 : i32 to vector<16xi32>
    %lt3A_314 = arith.cmpi slt, %get3A_291, %lt3A_313 : vector<16xi32>
    %add3A_315 = arith.constant 50257 : i32
    %add3A_316 = vector.broadcast %add3A_315 : i32 to vector<16xi32>
    %add3A_317 = arith.addi %get3A_291, %add3A_316 : vector<16xi32>
    %lt3A_318 = arith.constant 9 : i32
    %lt3A_319 = vector.broadcast %lt3A_318 : i32 to vector<16xi32>
    %lt3A_320 = arith.cmpi slt, %get3A_291, %lt3A_319 : vector<16xi32>
    %add3A_321 = arith.constant 50251 : i32
    %add3A_322 = vector.broadcast %add3A_321 : i32 to vector<16xi32>
    %add3A_323 = arith.addi %get3A_291, %add3A_322 : vector<16xi32>
    %jit3A_324 = arith.constant 50257 : i32
    %broadcast_in_dim3A_325 = vector.broadcast %jit3A_324 : i32 to vector<16xi32>
    %select_n3A_326 = arith.select %lt3A_320, %add3A_323, %broadcast_in_dim3A_325 : vector<16xi1>, vector<16xi32>
    %select_n3A_327 = arith.select %lt3A_314, %add3A_317, %select_n3A_326 : vector<16xi1>, vector<16xi32>
    %select_n3A_328 = arith.select %lt3A_311, %select_n3A_308, %select_n3A_327 : vector<16xi1>, vector<16xi32>
    %sub3A_329 = arith.constant 10 : i32
    %sub3A_330 = vector.broadcast %sub3A_329 : i32 to vector<16xi32>
    %sub3A_331 = arith.subi %get3A_291, %sub3A_330 : vector<16xi32>
    %max3A_332 = arith.constant 0 : i32
    %max3A_333 = vector.broadcast %max3A_332 : i32 to vector<16xi32>
    %max3A_334 = arith.maxsi %sub3A_331, %max3A_333 : vector<16xi32>
    %min3A_335 = arith.constant 2047 : i32
    %min3A_336 = vector.broadcast %min3A_335 : i32 to vector<16xi32>
    %min3A_337 = arith.minsi %max3A_334, %min3A_336 : vector<16xi32>
    %gather3A_338 = tpu.vector_load_idx %arg8[%min3A_337] : memref<2048xi32, #tpu.memory_space<vmem>>[vector<16xi32>], vector<16xi32>,
    %select_n3A_339 = arith.select %lt3A_294, %select_n3A_328, %gather3A_338 : vector<16xi1>, vector<16xi32>
    %swap3A_340 = arith.constant 0 : i32
    %swap3A_341 = arith.index_cast %swap3A_340 : i32 to index
    %swap3A_342 = arith.constant 64 : index
    %swap3A_343 = tpu.vector_load %arg9[%swap3A_341, %swap3A_342] {strides = array<i32>} : memref<1x256xi32, #tpu.memory_space<vmem>>, vector<16xi32>,
    tpu.vector_store %arg9[%swap3A_341, %swap3A_342], %select_n3A_339 {strides = array<i32>} : memref<1x256xi32, #tpu.memory_space<vmem>>, vector<16xi32>,
    %add3A_344 = arith.constant 80 : i32
    %add3A_345 = arith.addi %mul3A_32, %add3A_344 : i32
    %get3A_346 = arith.index_cast %add3A_345 : i32 to index
    %get3A_347 = tpu.vector_load %arg7[%get3A_346] {strides = array<i32>} : memref<2048xi32, #tpu.memory_space<vmem>>, vector<16xi32>,
    %lt3A_348 = arith.constant 10 : i32
    %lt3A_349 = vector.broadcast %lt3A_348 : i32 to vector<16xi32>
    %lt3A_350 = arith.cmpi slt, %get3A_347, %lt3A_349 : vector<16xi32>
    %eq3A_351 = arith.constant 1 : i32
    %eq3A_352 = vector.broadcast %eq3A_351 : i32 to vector<16xi32>
    %eq3A_353 = arith.cmpi eq, %get3A_347, %eq3A_352 : vector<16xi32>
    %eq3A_354 = arith.constant 2 : i32
    %eq3A_355 = vector.broadcast %eq3A_354 : i32 to vector<16xi32>
    %eq3A_356 = arith.cmpi eq, %get3A_347, %eq3A_355 : vector<16xi32>
    %jit3A_357 = arith.constant 1 : i32
    %jit3A_358 = arith.constant 0 : i32
    %broadcast_in_dim3A_359 = vector.broadcast %jit3A_357 : i32 to vector<16xi32>
    %broadcast_in_dim3A_360 = vector.broadcast %jit3A_358 : i32 to vector<16xi32>
    %select_n3A_361 = arith.select %eq3A_356, %broadcast_in_dim3A_359, %broadcast_in_dim3A_360 : vector<16xi1>, vector<16xi32>
    %jit3A_362 = arith.constant 2 : i32
    %broadcast_in_dim3A_363 = vector.broadcast %jit3A_362 : i32 to vector<16xi32>
    %select_n3A_364 = arith.select %eq3A_353, %broadcast_in_dim3A_363, %select_n3A_361 : vector<16xi1>, vector<16xi32>
    %lt3A_365 = arith.constant 3 : i32
    %lt3A_366 = vector.broadcast %lt3A_365 : i32 to vector<16xi32>
    %lt3A_367 = arith.cmpi slt, %get3A_347, %lt3A_366 : vector<16xi32>
    %lt3A_368 = arith.constant 7 : i32
    %lt3A_369 = vector.broadcast %lt3A_368 : i32 to vector<16xi32>
    %lt3A_370 = arith.cmpi slt, %get3A_347, %lt3A_369 : vector<16xi32>
    %add3A_371 = arith.constant 50257 : i32
    %add3A_372 = vector.broadcast %add3A_371 : i32 to vector<16xi32>
    %add3A_373 = arith.addi %get3A_347, %add3A_372 : vector<16xi32>
    %lt3A_374 = arith.constant 9 : i32
    %lt3A_375 = vector.broadcast %lt3A_374 : i32 to vector<16xi32>
    %lt3A_376 = arith.cmpi slt, %get3A_347, %lt3A_375 : vector<16xi32>
    %add3A_377 = arith.constant 50251 : i32
    %add3A_378 = vector.broadcast %add3A_377 : i32 to vector<16xi32>
    %add3A_379 = arith.addi %get3A_347, %add3A_378 : vector<16xi32>
    %jit3A_380 = arith.constant 50257 : i32
    %broadcast_in_dim3A_381 = vector.broadcast %jit3A_380 : i32 to vector<16xi32>
    %select_n3A_382 = arith.select %lt3A_376, %add3A_379, %broadcast_in_dim3A_381 : vector<16xi1>, vector<16xi32>
    %select_n3A_383 = arith.select %lt3A_370, %add3A_373, %select_n3A_382 : vector<16xi1>, vector<16xi32>
    %select_n3A_384 = arith.select %lt3A_367, %select_n3A_364, %select_n3A_383 : vector<16xi1>, vector<16xi32>
    %sub3A_385 = arith.constant 10 : i32
    %sub3A_386 = vector.broadcast %sub3A_385 : i32 to vector<16xi32>
    %sub3A_387 = arith.subi %get3A_347, %sub3A_386 : vector<16xi32>
    %max3A_388 = arith.constant 0 : i32
    %max3A_389 = vector.broadcast %max3A_388 : i32 to vector<16xi32>
    %max3A_390 = arith.maxsi %sub3A_387, %max3A_389 : vector<16xi32>
    %min3A_391 = arith.constant 2047 : i32
    %min3A_392 = vector.broadcast %min3A_391 : i32 to vector<16xi32>
    %min3A_393 = arith.minsi %max3A_390, %min3A_392 : vector<16xi32>
    %gather3A_394 = tpu.vector_load_idx %arg8[%min3A_393] : memref<2048xi32, #tpu.memory_space<vmem>>[vector<16xi32>], vector<16xi32>,
    %select_n3A_395 = arith.select %lt3A_350, %select_n3A_384, %gather3A_394 : vector<16xi1>, vector<16xi32>
    %swap3A_396 = arith.constant 0 : i32
    %swap3A_397 = arith.index_cast %swap3A_396 : i32 to index
    %swap3A_398 = arith.constant 80 : index
    %swap3A_399 = tpu.vector_load %arg9[%swap3A_397, %swap3A_398] {strides = array<i32>} : memref<1x256xi32, #tpu.memory_space<vmem>>, vector<16xi32>,
    tpu.vector_store %arg9[%swap3A_397, %swap3A_398], %select_n3A_395 {strides = array<i32>} : memref<1x256xi32, #tpu.memory_space<vmem>>, vector<16xi32>,
    %add3A_400 = arith.constant 96 : i32
    %add3A_401 = arith.addi %mul3A_32, %add3A_400 : i32
    %get3A_402 = arith.index_cast %add3A_401 : i32 to index
    %get3A_403 = tpu.vector_load %arg7[%get3A_402] {strides = array<i32>} : memref<2048xi32, #tpu.memory_space<vmem>>, vector<16xi32>,
    %lt3A_404 = arith.constant 10 : i32
    %lt3A_405 = vector.broadcast %lt3A_404 : i32 to vector<16xi32>
    %lt3A_406 = arith.cmpi slt, %get3A_403, %lt3A_405 : vector<16xi32>
    %eq3A_407 = arith.constant 1 : i32
    %eq3A_408 = vector.broadcast %eq3A_407 : i32 to vector<16xi32>
    %eq3A_409 = arith.cmpi eq, %get3A_403, %eq3A_408 : vector<16xi32>
    %eq3A_410 = arith.constant 2 : i32
    %eq3A_411 = vector.broadcast %eq3A_410 : i32 to vector<16xi32>
    %eq3A_412 = arith.cmpi eq, %get3A_403, %eq3A_411 : vector<16xi32>
    %jit3A_413 = arith.constant 1 : i32
    %jit3A_414 = arith.constant 0 : i32
    %broadcast_in_dim3A_415 = vector.broadcast %jit3A_413 : i32 to vector<16xi32>
    %broadcast_in_dim3A_416 = vector.broadcast %jit3A_414 : i32 to vector<16xi32>
    %select_n3A_417 = arith.select %eq3A_412, %broadcast_in_dim3A_415, %broadcast_in_dim3A_416 : vector<16xi1>, vector<16xi32>
    %jit3A_418 = arith.constant 2 : i32
    %broadcast_in_dim3A_419 = vector.broadcast %jit3A_418 : i32 to vector<16xi32>
    %select_n3A_420 = arith.select %eq3A_409, %broadcast_in_dim3A_419, %select_n3A_417 : vector<16xi1>, vector<16xi32>
    %lt3A_421 = arith.constant 3 : i32
    %lt3A_422 = vector.broadcast %lt3A_421 : i32 to vector<16xi32>
    %lt3A_423 = arith.cmpi slt, %get3A_403, %lt3A_422 : vector<16xi32>
    %lt3A_424 = arith.constant 7 : i32
    %lt3A_425 = vector.broadcast %lt3A_424 : i32 to vector<16xi32>
    %lt3A_426 = arith.cmpi slt, %get3A_403, %lt3A_425 : vector<16xi32>
    %add3A_427 = arith.constant 50257 : i32
    %add3A_428 = vector.broadcast %add3A_427 : i32 to vector<16xi32>
    %add3A_429 = arith.addi %get3A_403, %add3A_428 : vector<16xi32>
    %lt3A_430 = arith.constant 9 : i32
    %lt3A_431 = vector.broadcast %lt3A_430 : i32 to vector<16xi32>
    %lt3A_432 = arith.cmpi slt, %get3A_403, %lt3A_431 : vector<16xi32>
    %add3A_433 = arith.constant 50251 : i32
    %add3A_434 = vector.broadcast %add3A_433 : i32 to vector<16xi32>
    %add3A_435 = arith.addi %get3A_403, %add3A_434 : vector<16xi32>
    %jit3A_436 = arith.constant 50257 : i32
    %broadcast_in_dim3A_437 = vector.broadcast %jit3A_436 : i32 to vector<16xi32>
    %select_n3A_438 = arith.select %lt3A_432, %add3A_435, %broadcast_in_dim3A_437 : vector<16xi1>, vector<16xi32>
    %select_n3A_439 = arith.select %lt3A_426, %add3A_429, %select_n3A_438 : vector<16xi1>, vector<16xi32>
    %select_n3A_440 = arith.select %lt3A_423, %select_n3A_420, %select_n3A_439 : vector<16xi1>, vector<16xi32>
    %sub3A_441 = arith.constant 10 : i32
    %sub3A_442 = vector.broadcast %sub3A_441 : i32 to vector<16xi32>
    %sub3A_443 = arith.subi %get3A_403, %sub3A_442 : vector<16xi32>
    %max3A_444 = arith.constant 0 : i32
    %max3A_445 = vector.broadcast %max3A_444 : i32 to vector<16xi32>
    %max3A_446 = arith.maxsi %sub3A_443, %max3A_445 : vector<16xi32>
    %min3A_447 = arith.constant 2047 : i32
    %min3A_448 = vector.broadcast %min3A_447 : i32 to vector<16xi32>
    %min3A_449 = arith.minsi %max3A_446, %min3A_448 : vector<16xi32>
    %gather3A_450 = tpu.vector_load_idx %arg8[%min3A_449] : memref<2048xi32, #tpu.memory_space<vmem>>[vector<16xi32>], vector<16xi32>,
    %select_n3A_451 = arith.select %lt3A_406, %select_n3A_440, %gather3A_450 : vector<16xi1>, vector<16xi32>
    %swap3A_452 = arith.constant 0 : i32
    %swap3A_453 = arith.index_cast %swap3A_452 : i32 to index
    %swap3A_454 = arith.constant 96 : index
    %swap3A_455 = tpu.vector_load %arg9[%swap3A_453, %swap3A_454] {strides = array<i32>} : memref<1x256xi32, #tpu.memory_space<vmem>>, vector<16xi32>,
    tpu.vector_store %arg9[%swap3A_453, %swap3A_454], %select_n3A_451 {strides = array<i32>} : memref<1x256xi32, #tpu.memory_space<vmem>>, vector<16xi32>,
    %add3A_456 = arith.constant 112 : i32
    %add3A_457 = arith.addi %mul3A_32, %add3A_456 : i32
    %get3A_458 = arith.index_cast %add3A_457 : i32 to index
    %get3A_459 = tpu.vector_load %arg7[%get3A_458] {strides = array<i32>} : memref<2048xi32, #tpu.memory_space<vmem>>, vector<16xi32>,
    %lt3A_460 = arith.constant 10 : i32
    %lt3A_461 = vector.broadcast %lt3A_460 : i32 to vector<16xi32>
    %lt3A_462 = arith.cmpi slt, %get3A_459, %lt3A_461 : vector<16xi32>
    %eq3A_463 = arith.constant 1 : i32
    %eq3A_464 = vector.broadcast %eq3A_463 : i32 to vector<16xi32>
    %eq3A_465 = arith.cmpi eq, %get3A_459, %eq3A_464 : vector<16xi32>
    %eq3A_466 = arith.constant 2 : i32
    %eq3A_467 = vector.broadcast %eq3A_466 : i32 to vector<16xi32>
    %eq3A_468 = arith.cmpi eq, %get3A_459, %eq3A_467 : vector<16xi32>
    %jit3A_469 = arith.constant 1 : i32
    %jit3A_470 = arith.constant 0 : i32
    %broadcast_in_dim3A_471 = vector.broadcast %jit3A_469 : i32 to vector<16xi32>
    %broadcast_in_dim3A_472 = vector.broadcast %jit3A_470 : i32 to vector<16xi32>
    %select_n3A_473 = arith.select %eq3A_468, %broadcast_in_dim3A_471, %broadcast_in_dim3A_472 : vector<16xi1>, vector<16xi32>
    %jit3A_474 = arith.constant 2 : i32
    %broadcast_in_dim3A_475 = vector.broadcast %jit3A_474 : i32 to vector<16xi32>
    %select_n3A_476 = arith.select %eq3A_465, %broadcast_in_dim3A_475, %select_n3A_473 : vector<16xi1>, vector<16xi32>
    %lt3A_477 = arith.constant 3 : i32
    %lt3A_478 = vector.broadcast %lt3A_477 : i32 to vector<16xi32>
    %lt3A_479 = arith.cmpi slt, %get3A_459, %lt3A_478 : vector<16xi32>
    %lt3A_480 = arith.constant 7 : i32
    %lt3A_481 = vector.broadcast %lt3A_480 : i32 to vector<16xi32>
    %lt3A_482 = arith.cmpi slt, %get3A_459, %lt3A_481 : vector<16xi32>
    %add3A_483 = arith.constant 50257 : i32
    %add3A_484 = vector.broadcast %add3A_483 : i32 to vector<16xi32>
    %add3A_485 = arith.addi %get3A_459, %add3A_484 : vector<16xi32>
    %lt3A_486 = arith.constant 9 : i32
    %lt3A_487 = vector.broadcast %lt3A_486 : i32 to vector<16xi32>
    %lt3A_488 = arith.cmpi slt, %get3A_459, %lt3A_487 : vector<16xi32>
    %add3A_489 = arith.constant 50251 : i32
    %add3A_490 = vector.broadcast %add3A_489 : i32 to vector<16xi32>
    %add3A_491 = arith.addi %get3A_459, %add3A_490 : vector<16xi32>
    %jit3A_492 = arith.constant 50257 : i32
    %broadcast_in_dim3A_493 = vector.broadcast %jit3A_492 : i32 to vector<16xi32>
    %select_n3A_494 = arith.select %lt3A_488, %add3A_491, %broadcast_in_dim3A_493 : vector<16xi1>, vector<16xi32>
    %select_n3A_495 = arith.select %lt3A_482, %add3A_485, %select_n3A_494 : vector<16xi1>, vector<16xi32>
    %select_n3A_496 = arith.select %lt3A_479, %select_n3A_476, %select_n3A_495 : vector<16xi1>, vector<16xi32>
    %sub3A_497 = arith.constant 10 : i32
    %sub3A_498 = vector.broadcast %sub3A_497 : i32 to vector<16xi32>
    %sub3A_499 = arith.subi %get3A_459, %sub3A_498 : vector<16xi32>
    %max3A_500 = arith.constant 0 : i32
    %max3A_501 = vector.broadcast %max3A_500 : i32 to vector<16xi32>
    %max3A_502 = arith.maxsi %sub3A_499, %max3A_501 : vector<16xi32>
    %min3A_503 = arith.constant 2047 : i32
    %min3A_504 = vector.broadcast %min3A_503 : i32 to vector<16xi32>
    %min3A_505 = arith.minsi %max3A_502, %min3A_504 : vector<16xi32>
    %gather3A_506 = tpu.vector_load_idx %arg8[%min3A_505] : memref<2048xi32, #tpu.memory_space<vmem>>[vector<16xi32>], vector<16xi32>,
    %select_n3A_507 = arith.select %lt3A_462, %select_n3A_496, %gather3A_506 : vector<16xi1>, vector<16xi32>
    %swap3A_508 = arith.constant 0 : i32
    %swap3A_509 = arith.index_cast %swap3A_508 : i32 to index
    %swap3A_510 = arith.constant 112 : index
    %swap3A_511 = tpu.vector_load %arg9[%swap3A_509, %swap3A_510] {strides = array<i32>} : memref<1x256xi32, #tpu.memory_space<vmem>>, vector<16xi32>,
    tpu.vector_store %arg9[%swap3A_509, %swap3A_510], %select_n3A_507 {strides = array<i32>} : memref<1x256xi32, #tpu.memory_space<vmem>>, vector<16xi32>,
    %add3A_512 = arith.constant 128 : i32
    %add3A_513 = arith.addi %mul3A_32, %add3A_512 : i32
    %get3A_514 = arith.index_cast %add3A_513 : i32 to index
    %get3A_515 = tpu.vector_load %arg7[%get3A_514] {strides = array<i32>} : memref<2048xi32, #tpu.memory_space<vmem>>, vector<16xi32>,
    %lt3A_516 = arith.constant 10 : i32
    %lt3A_517 = vector.broadcast %lt3A_516 : i32 to vector<16xi32>
    %lt3A_518 = arith.cmpi slt, %get3A_515, %lt3A_517 : vector<16xi32>
    %eq3A_519 = arith.constant 1 : i32
    %eq3A_520 = vector.broadcast %eq3A_519 : i32 to vector<16xi32>
    %eq3A_521 = arith.cmpi eq, %get3A_515, %eq3A_520 : vector<16xi32>
    %eq3A_522 = arith.constant 2 : i32
    %eq3A_523 = vector.broadcast %eq3A_522 : i32 to vector<16xi32>
    %eq3A_524 = arith.cmpi eq, %get3A_515, %eq3A_523 : vector<16xi32>
    %jit3A_525 = arith.constant 1 : i32
    %jit3A_526 = arith.constant 0 : i32
    %broadcast_in_dim3A_527 = vector.broadcast %jit3A_525 : i32 to vector<16xi32>
    %broadcast_in_dim3A_528 = vector.broadcast %jit3A_526 : i32 to vector<16xi32>
    %select_n3A_529 = arith.select %eq3A_524, %broadcast_in_dim3A_527, %broadcast_in_dim3A_528 : vector<16xi1>, vector<16xi32>
    %jit3A_530 = arith.constant 2 : i32
    %broadcast_in_dim3A_531 = vector.broadcast %jit3A_530 : i32 to vector<16xi32>
    %select_n3A_532 = arith.select %eq3A_521, %broadcast_in_dim3A_531, %select_n3A_529 : vector<16xi1>, vector<16xi32>
    %lt3A_533 = arith.constant 3 : i32
    %lt3A_534 = vector.broadcast %lt3A_533 : i32 to vector<16xi32>
    %lt3A_535 = arith.cmpi slt, %get3A_515, %lt3A_534 : vector<16xi32>
    %lt3A_536 = arith.constant 7 : i32
    %lt3A_537 = vector.broadcast %lt3A_536 : i32 to vector<16xi32>
    %lt3A_538 = arith.cmpi slt, %get3A_515, %lt3A_537 : vector<16xi32>
    %add3A_539 = arith.constant 50257 : i32
    %add3A_540 = vector.broadcast %add3A_539 : i32 to vector<16xi32>
    %add3A_541 = arith.addi %get3A_515, %add3A_540 : vector<16xi32>
    %lt3A_542 = arith.constant 9 : i32
    %lt3A_543 = vector.broadcast %lt3A_542 : i32 to vector<16xi32>
    %lt3A_544 = arith.cmpi slt, %get3A_515, %lt3A_543 : vector<16xi32>
    %add3A_545 = arith.constant 50251 : i32
    %add3A_546 = vector.broadcast %add3A_545 : i32 to vector<16xi32>
    %add3A_547 = arith.addi %get3A_515, %add3A_546 : vector<16xi32>
    %jit3A_548 = arith.constant 50257 : i32
    %broadcast_in_dim3A_549 = vector.broadcast %jit3A_548 : i32 to vector<16xi32>
    %select_n3A_550 = arith.select %lt3A_544, %add3A_547, %broadcast_in_dim3A_549 : vector<16xi1>, vector<16xi32>
    %select_n3A_551 = arith.select %lt3A_538, %add3A_541, %select_n3A_550 : vector<16xi1>, vector<16xi32>
    %select_n3A_552 = arith.select %lt3A_535, %select_n3A_532, %select_n3A_551 : vector<16xi1>, vector<16xi32>
    %sub3A_553 = arith.constant 10 : i32
    %sub3A_554 = vector.broadcast %sub3A_553 : i32 to vector<16xi32>
    %sub3A_555 = arith.subi %get3A_515, %sub3A_554 : vector<16xi32>
    %max3A_556 = arith.constant 0 : i32
    %max3A_557 = vector.broadcast %max3A_556 : i32 to vector<16xi32>
    %max3A_558 = arith.maxsi %sub3A_555, %max3A_557 : vector<16xi32>
    %min3A_559 = arith.constant 2047 : i32
    %min3A_560 = vector.broadcast %min3A_559 : i32 to vector<16xi32>
    %min3A_561 = arith.minsi %max3A_558, %min3A_560 : vector<16xi32>
    %gather3A_562 = tpu.vector_load_idx %arg8[%min3A_561] : memref<2048xi32, #tpu.memory_space<vmem>>[vector<16xi32>], vector<16xi32>,
    %select_n3A_563 = arith.select %lt3A_518, %select_n3A_552, %gather3A_562 : vector<16xi1>, vector<16xi32>
    %swap3A_564 = arith.constant 0 : i32
    %swap3A_565 = arith.index_cast %swap3A_564 : i32 to index
    %swap3A_566 = arith.constant 128 : index
    %swap3A_567 = tpu.vector_load %arg9[%swap3A_565, %swap3A_566] {strides = array<i32>} : memref<1x256xi32, #tpu.memory_space<vmem>>, vector<16xi32>,
    tpu.vector_store %arg9[%swap3A_565, %swap3A_566], %select_n3A_563 {strides = array<i32>} : memref<1x256xi32, #tpu.memory_space<vmem>>, vector<16xi32>,
    %add3A_568 = arith.constant 144 : i32
    %add3A_569 = arith.addi %mul3A_32, %add3A_568 : i32
    %get3A_570 = arith.index_cast %add3A_569 : i32 to index
    %get3A_571 = tpu.vector_load %arg7[%get3A_570] {strides = array<i32>} : memref<2048xi32, #tpu.memory_space<vmem>>, vector<16xi32>,
    %lt3A_572 = arith.constant 10 : i32
    %lt3A_573 = vector.broadcast %lt3A_572 : i32 to vector<16xi32>
    %lt3A_574 = arith.cmpi slt, %get3A_571, %lt3A_573 : vector<16xi32>
    %eq3A_575 = arith.constant 1 : i32
    %eq3A_576 = vector.broadcast %eq3A_575 : i32 to vector<16xi32>
    %eq3A_577 = arith.cmpi eq, %get3A_571, %eq3A_576 : vector<16xi32>
    %eq3A_578 = arith.constant 2 : i32
    %eq3A_579 = vector.broadcast %eq3A_578 : i32 to vector<16xi32>
    %eq3A_580 = arith.cmpi eq, %get3A_571, %eq3A_579 : vector<16xi32>
    %jit3A_581 = arith.constant 1 : i32
    %jit3A_582 = arith.constant 0 : i32
    %broadcast_in_dim3A_583 = vector.broadcast %jit3A_581 : i32 to vector<16xi32>
    %broadcast_in_dim3A_584 = vector.broadcast %jit3A_582 : i32 to vector<16xi32>
    %select_n3A_585 = arith.select %eq3A_580, %broadcast_in_dim3A_583, %broadcast_in_dim3A_584 : vector<16xi1>, vector<16xi32>
    %jit3A_586 = arith.constant 2 : i32
    %broadcast_in_dim3A_587 = vector.broadcast %jit3A_586 : i32 to vector<16xi32>
    %select_n3A_588 = arith.select %eq3A_577, %broadcast_in_dim3A_587, %select_n3A_585 : vector<16xi1>, vector<16xi32>
    %lt3A_589 = arith.constant 3 : i32
    %lt3A_590 = vector.broadcast %lt3A_589 : i32 to vector<16xi32>
    %lt3A_591 = arith.cmpi slt, %get3A_571, %lt3A_590 : vector<16xi32>
    %lt3A_592 = arith.constant 7 : i32
    %lt3A_593 = vector.broadcast %lt3A_592 : i32 to vector<16xi32>
    %lt3A_594 = arith.cmpi slt, %get3A_571, %lt3A_593 : vector<16xi32>
    %add3A_595 = arith.constant 50257 : i32
    %add3A_596 = vector.broadcast %add3A_595 : i32 to vector<16xi32>
    %add3A_597 = arith.addi %get3A_571, %add3A_596 : vector<16xi32>
    %lt3A_598 = arith.constant 9 : i32
    %lt3A_599 = vector.broadcast %lt3A_598 : i32 to vector<16xi32>
    %lt3A_600 = arith.cmpi slt, %get3A_571, %lt3A_599 : vector<16xi32>
    %add3A_601 = arith.constant 50251 : i32
    %add3A_602 = vector.broadcast %add3A_601 : i32 to vector<16xi32>
    %add3A_603 = arith.addi %get3A_571, %add3A_602 : vector<16xi32>
    %jit3A_604 = arith.constant 50257 : i32
    %broadcast_in_dim3A_605 = vector.broadcast %jit3A_604 : i32 to vector<16xi32>
    %select_n3A_606 = arith.select %lt3A_600, %add3A_603, %broadcast_in_dim3A_605 : vector<16xi1>, vector<16xi32>
    %select_n3A_607 = arith.select %lt3A_594, %add3A_597, %select_n3A_606 : vector<16xi1>, vector<16xi32>
    %select_n3A_608 = arith.select %lt3A_591, %select_n3A_588, %select_n3A_607 : vector<16xi1>, vector<16xi32>
    %sub3A_609 = arith.constant 10 : i32
    %sub3A_610 = vector.broadcast %sub3A_609 : i32 to vector<16xi32>
    %sub3A_611 = arith.subi %get3A_571, %sub3A_610 : vector<16xi32>
    %max3A_612 = arith.constant 0 : i32
    %max3A_613 = vector.broadcast %max3A_612 : i32 to vector<16xi32>
    %max3A_614 = arith.maxsi %sub3A_611, %max3A_613 : vector<16xi32>
    %min3A_615 = arith.constant 2047 : i32
    %min3A_616 = vector.broadcast %min3A_615 : i32 to vector<16xi32>
    %min3A_617 = arith.minsi %max3A_614, %min3A_616 : vector<16xi32>
    %gather3A_618 = tpu.vector_load_idx %arg8[%min3A_617] : memref<2048xi32, #tpu.memory_space<vmem>>[vector<16xi32>], vector<16xi32>,
    %select_n3A_619 = arith.select %lt3A_574, %select_n3A_608, %gather3A_618 : vector<16xi1>, vector<16xi32>
    %swap3A_620 = arith.constant 0 : i32
    %swap3A_621 = arith.index_cast %swap3A_620 : i32 to index
    %swap3A_622 = arith.constant 144 : index
    %swap3A_623 = tpu.vector_load %arg9[%swap3A_621, %swap3A_622] {strides = array<i32>} : memref<1x256xi32, #tpu.memory_space<vmem>>, vector<16xi32>,
    tpu.vector_store %arg9[%swap3A_621, %swap3A_622], %select_n3A_619 {strides = array<i32>} : memref<1x256xi32, #tpu.memory_space<vmem>>, vector<16xi32>,
    %add3A_624 = arith.constant 160 : i32
    %add3A_625 = arith.addi %mul3A_32, %add3A_624 : i32
    %get3A_626 = arith.index_cast %add3A_625 : i32 to index
    %get3A_627 = tpu.vector_load %arg7[%get3A_626] {strides = array<i32>} : memref<2048xi32, #tpu.memory_space<vmem>>, vector<16xi32>,
    %lt3A_628 = arith.constant 10 : i32
    %lt3A_629 = vector.broadcast %lt3A_628 : i32 to vector<16xi32>
    %lt3A_630 = arith.cmpi slt, %get3A_627, %lt3A_629 : vector<16xi32>
    %eq3A_631 = arith.constant 1 : i32
    %eq3A_632 = vector.broadcast %eq3A_631 : i32 to vector<16xi32>
    %eq3A_633 = arith.cmpi eq, %get3A_627, %eq3A_632 : vector<16xi32>
    %eq3A_634 = arith.constant 2 : i32
    %eq3A_635 = vector.broadcast %eq3A_634 : i32 to vector<16xi32>
    %eq3A_636 = arith.cmpi eq, %get3A_627, %eq3A_635 : vector<16xi32>
    %jit3A_637 = arith.constant 1 : i32
    %jit3A_638 = arith.constant 0 : i32
    %broadcast_in_dim3A_639 = vector.broadcast %jit3A_637 : i32 to vector<16xi32>
    %broadcast_in_dim3A_640 = vector.broadcast %jit3A_638 : i32 to vector<16xi32>
    %select_n3A_641 = arith.select %eq3A_636, %broadcast_in_dim3A_639, %broadcast_in_dim3A_640 : vector<16xi1>, vector<16xi32>
    %jit3A_642 = arith.constant 2 : i32
    %broadcast_in_dim3A_643 = vector.broadcast %jit3A_642 : i32 to vector<16xi32>
    %select_n3A_644 = arith.select %eq3A_633, %broadcast_in_dim3A_643, %select_n3A_641 : vector<16xi1>, vector<16xi32>
    %lt3A_645 = arith.constant 3 : i32
    %lt3A_646 = vector.broadcast %lt3A_645 : i32 to vector<16xi32>
    %lt3A_647 = arith.cmpi slt, %get3A_627, %lt3A_646 : vector<16xi32>
    %lt3A_648 = arith.constant 7 : i32
    %lt3A_649 = vector.broadcast %lt3A_648 : i32 to vector<16xi32>
    %lt3A_650 = arith.cmpi slt, %get3A_627, %lt3A_649 : vector<16xi32>
    %add3A_651 = arith.constant 50257 : i32
    %add3A_652 = vector.broadcast %add3A_651 : i32 to vector<16xi32>
    %add3A_653 = arith.addi %get3A_627, %add3A_652 : vector<16xi32>
    %lt3A_654 = arith.constant 9 : i32
    %lt3A_655 = vector.broadcast %lt3A_654 : i32 to vector<16xi32>
    %lt3A_656 = arith.cmpi slt, %get3A_627, %lt3A_655 : vector<16xi32>
    %add3A_657 = arith.constant 50251 : i32
    %add3A_658 = vector.broadcast %add3A_657 : i32 to vector<16xi32>
    %add3A_659 = arith.addi %get3A_627, %add3A_658 : vector<16xi32>
    %jit3A_660 = arith.constant 50257 : i32
    %broadcast_in_dim3A_661 = vector.broadcast %jit3A_660 : i32 to vector<16xi32>
    %select_n3A_662 = arith.select %lt3A_656, %add3A_659, %broadcast_in_dim3A_661 : vector<16xi1>, vector<16xi32>
    %select_n3A_663 = arith.select %lt3A_650, %add3A_653, %select_n3A_662 : vector<16xi1>, vector<16xi32>
    %select_n3A_664 = arith.select %lt3A_647, %select_n3A_644, %select_n3A_663 : vector<16xi1>, vector<16xi32>
    %sub3A_665 = arith.constant 10 : i32
    %sub3A_666 = vector.broadcast %sub3A_665 : i32 to vector<16xi32>
    %sub3A_667 = arith.subi %get3A_627, %sub3A_666 : vector<16xi32>
    %max3A_668 = arith.constant 0 : i32
    %max3A_669 = vector.broadcast %max3A_668 : i32 to vector<16xi32>
    %max3A_670 = arith.maxsi %sub3A_667, %max3A_669 : vector<16xi32>
    %min3A_671 = arith.constant 2047 : i32
    %min3A_672 = vector.broadcast %min3A_671 : i32 to vector<16xi32>
    %min3A_673 = arith.minsi %max3A_670, %min3A_672 : vector<16xi32>
    %gather3A_674 = tpu.vector_load_idx %arg8[%min3A_673] : memref<2048xi32, #tpu.memory_space<vmem>>[vector<16xi32>], vector<16xi32>,
    %select_n3A_675 = arith.select %lt3A_630, %select_n3A_664, %gather3A_674 : vector<16xi1>, vector<16xi32>
    %swap3A_676 = arith.constant 0 : i32
    %swap3A_677 = arith.index_cast %swap3A_676 : i32 to index
    %swap3A_678 = arith.constant 160 : index
    %swap3A_679 = tpu.vector_load %arg9[%swap3A_677, %swap3A_678] {strides = array<i32>} : memref<1x256xi32, #tpu.memory_space<vmem>>, vector<16xi32>,
    tpu.vector_store %arg9[%swap3A_677, %swap3A_678], %select_n3A_675 {strides = array<i32>} : memref<1x256xi32, #tpu.memory_space<vmem>>, vector<16xi32>,
    %add3A_680 = arith.constant 176 : i32
    %add3A_681 = arith.addi %mul3A_32, %add3A_680 : i32
    %get3A_682 = arith.index_cast %add3A_681 : i32 to index
    %get3A_683 = tpu.vector_load %arg7[%get3A_682] {strides = array<i32>} : memref<2048xi32, #tpu.memory_space<vmem>>, vector<16xi32>,
    %lt3A_684 = arith.constant 10 : i32
    %lt3A_685 = vector.broadcast %lt3A_684 : i32 to vector<16xi32>
    %lt3A_686 = arith.cmpi slt, %get3A_683, %lt3A_685 : vector<16xi32>
    %eq3A_687 = arith.constant 1 : i32
    %eq3A_688 = vector.broadcast %eq3A_687 : i32 to vector<16xi32>
    %eq3A_689 = arith.cmpi eq, %get3A_683, %eq3A_688 : vector<16xi32>
    %eq3A_690 = arith.constant 2 : i32
    %eq3A_691 = vector.broadcast %eq3A_690 : i32 to vector<16xi32>
    %eq3A_692 = arith.cmpi eq, %get3A_683, %eq3A_691 : vector<16xi32>
    %jit3A_693 = arith.constant 1 : i32
    %jit3A_694 = arith.constant 0 : i32
    %broadcast_in_dim3A_695 = vector.broadcast %jit3A_693 : i32 to vector<16xi32>
    %broadcast_in_dim3A_696 = vector.broadcast %jit3A_694 : i32 to vector<16xi32>
    %select_n3A_697 = arith.select %eq3A_692, %broadcast_in_dim3A_695, %broadcast_in_dim3A_696 : vector<16xi1>, vector<16xi32>
    %jit3A_698 = arith.constant 2 : i32
    %broadcast_in_dim3A_699 = vector.broadcast %jit3A_698 : i32 to vector<16xi32>
    %select_n3A_700 = arith.select %eq3A_689, %broadcast_in_dim3A_699, %select_n3A_697 : vector<16xi1>, vector<16xi32>
    %lt3A_701 = arith.constant 3 : i32
    %lt3A_702 = vector.broadcast %lt3A_701 : i32 to vector<16xi32>
    %lt3A_703 = arith.cmpi slt, %get3A_683, %lt3A_702 : vector<16xi32>
    %lt3A_704 = arith.constant 7 : i32
    %lt3A_705 = vector.broadcast %lt3A_704 : i32 to vector<16xi32>
    %lt3A_706 = arith.cmpi slt, %get3A_683, %lt3A_705 : vector<16xi32>
    %add3A_707 = arith.constant 50257 : i32
    %add3A_708 = vector.broadcast %add3A_707 : i32 to vector<16xi32>
    %add3A_709 = arith.addi %get3A_683, %add3A_708 : vector<16xi32>
    %lt3A_710 = arith.constant 9 : i32
    %lt3A_711 = vector.broadcast %lt3A_710 : i32 to vector<16xi32>
    %lt3A_712 = arith.cmpi slt, %get3A_683, %lt3A_711 : vector<16xi32>
    %add3A_713 = arith.constant 50251 : i32
    %add3A_714 = vector.broadcast %add3A_713 : i32 to vector<16xi32>
    %add3A_715 = arith.addi %get3A_683, %add3A_714 : vector<16xi32>
    %jit3A_716 = arith.constant 50257 : i32
    %broadcast_in_dim3A_717 = vector.broadcast %jit3A_716 : i32 to vector<16xi32>
    %select_n3A_718 = arith.select %lt3A_712, %add3A_715, %broadcast_in_dim3A_717 : vector<16xi1>, vector<16xi32>
    %select_n3A_719 = arith.select %lt3A_706, %add3A_709, %select_n3A_718 : vector<16xi1>, vector<16xi32>
    %select_n3A_720 = arith.select %lt3A_703, %select_n3A_700, %select_n3A_719 : vector<16xi1>, vector<16xi32>
    %sub3A_721 = arith.constant 10 : i32
    %sub3A_722 = vector.broadcast %sub3A_721 : i32 to vector<16xi32>
    %sub3A_723 = arith.subi %get3A_683, %sub3A_722 : vector<16xi32>
    %max3A_724 = arith.constant 0 : i32
    %max3A_725 = vector.broadcast %max3A_724 : i32 to vector<16xi32>
    %max3A_726 = arith.maxsi %sub3A_723, %max3A_725 : vector<16xi32>
    %min3A_727 = arith.constant 2047 : i32
    %min3A_728 = vector.broadcast %min3A_727 : i32 to vector<16xi32>
    %min3A_729 = arith.minsi %max3A_726, %min3A_728 : vector<16xi32>
    %gather3A_730 = tpu.vector_load_idx %arg8[%min3A_729] : memref<2048xi32, #tpu.memory_space<vmem>>[vector<16xi32>], vector<16xi32>,
    %select_n3A_731 = arith.select %lt3A_686, %select_n3A_720, %gather3A_730 : vector<16xi1>, vector<16xi32>
    %swap3A_732 = arith.constant 0 : i32
    %swap3A_733 = arith.index_cast %swap3A_732 : i32 to index
    %swap3A_734 = arith.constant 176 : index
    %swap3A_735 = tpu.vector_load %arg9[%swap3A_733, %swap3A_734] {strides = array<i32>} : memref<1x256xi32, #tpu.memory_space<vmem>>, vector<16xi32>,
    tpu.vector_store %arg9[%swap3A_733, %swap3A_734], %select_n3A_731 {strides = array<i32>} : memref<1x256xi32, #tpu.memory_space<vmem>>, vector<16xi32>,
    %add3A_736 = arith.constant 192 : i32
    %add3A_737 = arith.addi %mul3A_32, %add3A_736 : i32
    %get3A_738 = arith.index_cast %add3A_737 : i32 to index
    %get3A_739 = tpu.vector_load %arg7[%get3A_738] {strides = array<i32>} : memref<2048xi32, #tpu.memory_space<vmem>>, vector<16xi32>,
    %lt3A_740 = arith.constant 10 : i32
    %lt3A_741 = vector.broadcast %lt3A_740 : i32 to vector<16xi32>
    %lt3A_742 = arith.cmpi slt, %get3A_739, %lt3A_741 : vector<16xi32>
    %eq3A_743 = arith.constant 1 : i32
    %eq3A_744 = vector.broadcast %eq3A_743 : i32 to vector<16xi32>
    %eq3A_745 = arith.cmpi eq, %get3A_739, %eq3A_744 : vector<16xi32>
    %eq3A_746 = arith.constant 2 : i32
    %eq3A_747 = vector.broadcast %eq3A_746 : i32 to vector<16xi32>
    %eq3A_748 = arith.cmpi eq, %get3A_739, %eq3A_747 : vector<16xi32>
    %jit3A_749 = arith.constant 1 : i32
    %jit3A_750 = arith.constant 0 : i32
    %broadcast_in_dim3A_751 = vector.broadcast %jit3A_749 : i32 to vector<16xi32>
    %broadcast_in_dim3A_752 = vector.broadcast %jit3A_750 : i32 to vector<16xi32>
    %select_n3A_753 = arith.select %eq3A_748, %broadcast_in_dim3A_751, %broadcast_in_dim3A_752 : vector<16xi1>, vector<16xi32>
    %jit3A_754 = arith.constant 2 : i32
    %broadcast_in_dim3A_755 = vector.broadcast %jit3A_754 : i32 to vector<16xi32>
    %select_n3A_756 = arith.select %eq3A_745, %broadcast_in_dim3A_755, %select_n3A_753 : vector<16xi1>, vector<16xi32>
    %lt3A_757 = arith.constant 3 : i32
    %lt3A_758 = vector.broadcast %lt3A_757 : i32 to vector<16xi32>
    %lt3A_759 = arith.cmpi slt, %get3A_739, %lt3A_758 : vector<16xi32>
    %lt3A_760 = arith.constant 7 : i32
    %lt3A_761 = vector.broadcast %lt3A_760 : i32 to vector<16xi32>
    %lt3A_762 = arith.cmpi slt, %get3A_739, %lt3A_761 : vector<16xi32>
    %add3A_763 = arith.constant 50257 : i32
    %add3A_764 = vector.broadcast %add3A_763 : i32 to vector<16xi32>
    %add3A_765 = arith.addi %get3A_739, %add3A_764 : vector<16xi32>
    %lt3A_766 = arith.constant 9 : i32
    %lt3A_767 = vector.broadcast %lt3A_766 : i32 to vector<16xi32>
    %lt3A_768 = arith.cmpi slt, %get3A_739, %lt3A_767 : vector<16xi32>
    %add3A_769 = arith.constant 50251 : i32
    %add3A_770 = vector.broadcast %add3A_769 : i32 to vector<16xi32>
    %add3A_771 = arith.addi %get3A_739, %add3A_770 : vector<16xi32>
    %jit3A_772 = arith.constant 50257 : i32
    %broadcast_in_dim3A_773 = vector.broadcast %jit3A_772 : i32 to vector<16xi32>
    %select_n3A_774 = arith.select %lt3A_768, %add3A_771, %broadcast_in_dim3A_773 : vector<16xi1>, vector<16xi32>
    %select_n3A_775 = arith.select %lt3A_762, %add3A_765, %select_n3A_774 : vector<16xi1>, vector<16xi32>
    %select_n3A_776 = arith.select %lt3A_759, %select_n3A_756, %select_n3A_775 : vector<16xi1>, vector<16xi32>
    %sub3A_777 = arith.constant 10 : i32
    %sub3A_778 = vector.broadcast %sub3A_777 : i32 to vector<16xi32>
    %sub3A_779 = arith.subi %get3A_739, %sub3A_778 : vector<16xi32>
    %max3A_780 = arith.constant 0 : i32
    %max3A_781 = vector.broadcast %max3A_780 : i32 to vector<16xi32>
    %max3A_782 = arith.maxsi %sub3A_779, %max3A_781 : vector<16xi32>
    %min3A_783 = arith.constant 2047 : i32
    %min3A_784 = vector.broadcast %min3A_783 : i32 to vector<16xi32>
    %min3A_785 = arith.minsi %max3A_782, %min3A_784 : vector<16xi32>
    %gather3A_786 = tpu.vector_load_idx %arg8[%min3A_785] : memref<2048xi32, #tpu.memory_space<vmem>>[vector<16xi32>], vector<16xi32>,
    %select_n3A_787 = arith.select %lt3A_742, %select_n3A_776, %gather3A_786 : vector<16xi1>, vector<16xi32>
    %swap3A_788 = arith.constant 0 : i32
    %swap3A_789 = arith.index_cast %swap3A_788 : i32 to index
    %swap3A_790 = arith.constant 192 : index
    %swap3A_791 = tpu.vector_load %arg9[%swap3A_789, %swap3A_790] {strides = array<i32>} : memref<1x256xi32, #tpu.memory_space<vmem>>, vector<16xi32>,
    tpu.vector_store %arg9[%swap3A_789, %swap3A_790], %select_n3A_787 {strides = array<i32>} : memref<1x256xi32, #tpu.memory_space<vmem>>, vector<16xi32>,
    %add3A_792 = arith.constant 208 : i32
    %add3A_793 = arith.addi %mul3A_32, %add3A_792 : i32
    %get3A_794 = arith.index_cast %add3A_793 : i32 to index
    %get3A_795 = tpu.vector_load %arg7[%get3A_794] {strides = array<i32>} : memref<2048xi32, #tpu.memory_space<vmem>>, vector<16xi32>,
    %lt3A_796 = arith.constant 10 : i32
    %lt3A_797 = vector.broadcast %lt3A_796 : i32 to vector<16xi32>
    %lt3A_798 = arith.cmpi slt, %get3A_795, %lt3A_797 : vector<16xi32>
    %eq3A_799 = arith.constant 1 : i32
    %eq3A_800 = vector.broadcast %eq3A_799 : i32 to vector<16xi32>
    %eq3A_801 = arith.cmpi eq, %get3A_795, %eq3A_800 : vector<16xi32>
    %eq3A_802 = arith.constant 2 : i32
    %eq3A_803 = vector.broadcast %eq3A_802 : i32 to vector<16xi32>
    %eq3A_804 = arith.cmpi eq, %get3A_795, %eq3A_803 : vector<16xi32>
    %jit3A_805 = arith.constant 1 : i32
    %jit3A_806 = arith.constant 0 : i32
    %broadcast_in_dim3A_807 = vector.broadcast %jit3A_805 : i32 to vector<16xi32>
    %broadcast_in_dim3A_808 = vector.broadcast %jit3A_806 : i32 to vector<16xi32>
    %select_n3A_809 = arith.select %eq3A_804, %broadcast_in_dim3A_807, %broadcast_in_dim3A_808 : vector<16xi1>, vector<16xi32>
    %jit3A_810 = arith.constant 2 : i32
    %broadcast_in_dim3A_811 = vector.broadcast %jit3A_810 : i32 to vector<16xi32>
    %select_n3A_812 = arith.select %eq3A_801, %broadcast_in_dim3A_811, %select_n3A_809 : vector<16xi1>, vector<16xi32>
    %lt3A_813 = arith.constant 3 : i32
    %lt3A_814 = vector.broadcast %lt3A_813 : i32 to vector<16xi32>
    %lt3A_815 = arith.cmpi slt, %get3A_795, %lt3A_814 : vector<16xi32>
    %lt3A_816 = arith.constant 7 : i32
    %lt3A_817 = vector.broadcast %lt3A_816 : i32 to vector<16xi32>
    %lt3A_818 = arith.cmpi slt, %get3A_795, %lt3A_817 : vector<16xi32>
    %add3A_819 = arith.constant 50257 : i32
    %add3A_820 = vector.broadcast %add3A_819 : i32 to vector<16xi32>
    %add3A_821 = arith.addi %get3A_795, %add3A_820 : vector<16xi32>
    %lt3A_822 = arith.constant 9 : i32
    %lt3A_823 = vector.broadcast %lt3A_822 : i32 to vector<16xi32>
    %lt3A_824 = arith.cmpi slt, %get3A_795, %lt3A_823 : vector<16xi32>
    %add3A_825 = arith.constant 50251 : i32
    %add3A_826 = vector.broadcast %add3A_825 : i32 to vector<16xi32>
    %add3A_827 = arith.addi %get3A_795, %add3A_826 : vector<16xi32>
    %jit3A_828 = arith.constant 50257 : i32
    %broadcast_in_dim3A_829 = vector.broadcast %jit3A_828 : i32 to vector<16xi32>
    %select_n3A_830 = arith.select %lt3A_824, %add3A_827, %broadcast_in_dim3A_829 : vector<16xi1>, vector<16xi32>
    %select_n3A_831 = arith.select %lt3A_818, %add3A_821, %select_n3A_830 : vector<16xi1>, vector<16xi32>
    %select_n3A_832 = arith.select %lt3A_815, %select_n3A_812, %select_n3A_831 : vector<16xi1>, vector<16xi32>
    %sub3A_833 = arith.constant 10 : i32
    %sub3A_834 = vector.broadcast %sub3A_833 : i32 to vector<16xi32>
    %sub3A_835 = arith.subi %get3A_795, %sub3A_834 : vector<16xi32>
    %max3A_836 = arith.constant 0 : i32
    %max3A_837 = vector.broadcast %max3A_836 : i32 to vector<16xi32>
    %max3A_838 = arith.maxsi %sub3A_835, %max3A_837 : vector<16xi32>
    %min3A_839 = arith.constant 2047 : i32
    %min3A_840 = vector.broadcast %min3A_839 : i32 to vector<16xi32>
    %min3A_841 = arith.minsi %max3A_838, %min3A_840 : vector<16xi32>
    %gather3A_842 = tpu.vector_load_idx %arg8[%min3A_841] : memref<2048xi32, #tpu.memory_space<vmem>>[vector<16xi32>], vector<16xi32>,
    %select_n3A_843 = arith.select %lt3A_798, %select_n3A_832, %gather3A_842 : vector<16xi1>, vector<16xi32>
    %swap3A_844 = arith.constant 0 : i32
    %swap3A_845 = arith.index_cast %swap3A_844 : i32 to index
    %swap3A_846 = arith.constant 208 : index
    %swap3A_847 = tpu.vector_load %arg9[%swap3A_845, %swap3A_846] {strides = array<i32>} : memref<1x256xi32, #tpu.memory_space<vmem>>, vector<16xi32>,
    tpu.vector_store %arg9[%swap3A_845, %swap3A_846], %select_n3A_843 {strides = array<i32>} : memref<1x256xi32, #tpu.memory_space<vmem>>, vector<16xi32>,
    %add3A_848 = arith.constant 224 : i32
    %add3A_849 = arith.addi %mul3A_32, %add3A_848 : i32
    %get3A_850 = arith.index_cast %add3A_849 : i32 to index
    %get3A_851 = tpu.vector_load %arg7[%get3A_850] {strides = array<i32>} : memref<2048xi32, #tpu.memory_space<vmem>>, vector<16xi32>,
    %lt3A_852 = arith.constant 10 : i32
    %lt3A_853 = vector.broadcast %lt3A_852 : i32 to vector<16xi32>
    %lt3A_854 = arith.cmpi slt, %get3A_851, %lt3A_853 : vector<16xi32>
    %eq3A_855 = arith.constant 1 : i32
    %eq3A_856 = vector.broadcast %eq3A_855 : i32 to vector<16xi32>
    %eq3A_857 = arith.cmpi eq, %get3A_851, %eq3A_856 : vector<16xi32>
    %eq3A_858 = arith.constant 2 : i32
    %eq3A_859 = vector.broadcast %eq3A_858 : i32 to vector<16xi32>
    %eq3A_860 = arith.cmpi eq, %get3A_851, %eq3A_859 : vector<16xi32>
    %jit3A_861 = arith.constant 1 : i32
    %jit3A_862 = arith.constant 0 : i32
    %broadcast_in_dim3A_863 = vector.broadcast %jit3A_861 : i32 to vector<16xi32>
    %broadcast_in_dim3A_864 = vector.broadcast %jit3A_862 : i32 to vector<16xi32>
    %select_n3A_865 = arith.select %eq3A_860, %broadcast_in_dim3A_863, %broadcast_in_dim3A_864 : vector<16xi1>, vector<16xi32>
    %jit3A_866 = arith.constant 2 : i32
    %broadcast_in_dim3A_867 = vector.broadcast %jit3A_866 : i32 to vector<16xi32>
    %select_n3A_868 = arith.select %eq3A_857, %broadcast_in_dim3A_867, %select_n3A_865 : vector<16xi1>, vector<16xi32>
    %lt3A_869 = arith.constant 3 : i32
    %lt3A_870 = vector.broadcast %lt3A_869 : i32 to vector<16xi32>
    %lt3A_871 = arith.cmpi slt, %get3A_851, %lt3A_870 : vector<16xi32>
    %lt3A_872 = arith.constant 7 : i32
    %lt3A_873 = vector.broadcast %lt3A_872 : i32 to vector<16xi32>
    %lt3A_874 = arith.cmpi slt, %get3A_851, %lt3A_873 : vector<16xi32>
    %add3A_875 = arith.constant 50257 : i32
    %add3A_876 = vector.broadcast %add3A_875 : i32 to vector<16xi32>
    %add3A_877 = arith.addi %get3A_851, %add3A_876 : vector<16xi32>
    %lt3A_878 = arith.constant 9 : i32
    %lt3A_879 = vector.broadcast %lt3A_878 : i32 to vector<16xi32>
    %lt3A_880 = arith.cmpi slt, %get3A_851, %lt3A_879 : vector<16xi32>
    %add3A_881 = arith.constant 50251 : i32
    %add3A_882 = vector.broadcast %add3A_881 : i32 to vector<16xi32>
    %add3A_883 = arith.addi %get3A_851, %add3A_882 : vector<16xi32>
    %jit3A_884 = arith.constant 50257 : i32
    %broadcast_in_dim3A_885 = vector.broadcast %jit3A_884 : i32 to vector<16xi32>
    %select_n3A_886 = arith.select %lt3A_880, %add3A_883, %broadcast_in_dim3A_885 : vector<16xi1>, vector<16xi32>
    %select_n3A_887 = arith.select %lt3A_874, %add3A_877, %select_n3A_886 : vector<16xi1>, vector<16xi32>
    %select_n3A_888 = arith.select %lt3A_871, %select_n3A_868, %select_n3A_887 : vector<16xi1>, vector<16xi32>
    %sub3A_889 = arith.constant 10 : i32
    %sub3A_890 = vector.broadcast %sub3A_889 : i32 to vector<16xi32>
    %sub3A_891 = arith.subi %get3A_851, %sub3A_890 : vector<16xi32>
    %max3A_892 = arith.constant 0 : i32
    %max3A_893 = vector.broadcast %max3A_892 : i32 to vector<16xi32>
    %max3A_894 = arith.maxsi %sub3A_891, %max3A_893 : vector<16xi32>
    %min3A_895 = arith.constant 2047 : i32
    %min3A_896 = vector.broadcast %min3A_895 : i32 to vector<16xi32>
    %min3A_897 = arith.minsi %max3A_894, %min3A_896 : vector<16xi32>
    %gather3A_898 = tpu.vector_load_idx %arg8[%min3A_897] : memref<2048xi32, #tpu.memory_space<vmem>>[vector<16xi32>], vector<16xi32>,
    %select_n3A_899 = arith.select %lt3A_854, %select_n3A_888, %gather3A_898 : vector<16xi1>, vector<16xi32>
    %swap3A_900 = arith.constant 0 : i32
    %swap3A_901 = arith.index_cast %swap3A_900 : i32 to index
    %swap3A_902 = arith.constant 224 : index
    %swap3A_903 = tpu.vector_load %arg9[%swap3A_901, %swap3A_902] {strides = array<i32>} : memref<1x256xi32, #tpu.memory_space<vmem>>, vector<16xi32>,
    tpu.vector_store %arg9[%swap3A_901, %swap3A_902], %select_n3A_899 {strides = array<i32>} : memref<1x256xi32, #tpu.memory_space<vmem>>, vector<16xi32>,
    %add3A_904 = arith.constant 240 : i32
    %add3A_905 = arith.addi %mul3A_32, %add3A_904 : i32
    %get3A_906 = arith.index_cast %add3A_905 : i32 to index
    %get3A_907 = tpu.vector_load %arg7[%get3A_906] {strides = array<i32>} : memref<2048xi32, #tpu.memory_space<vmem>>, vector<16xi32>,
    %lt3A_908 = arith.constant 10 : i32
    %lt3A_909 = vector.broadcast %lt3A_908 : i32 to vector<16xi32>
    %lt3A_910 = arith.cmpi slt, %get3A_907, %lt3A_909 : vector<16xi32>
    %eq3A_911 = arith.constant 1 : i32
    %eq3A_912 = vector.broadcast %eq3A_911 : i32 to vector<16xi32>
    %eq3A_913 = arith.cmpi eq, %get3A_907, %eq3A_912 : vector<16xi32>
    %eq3A_914 = arith.constant 2 : i32
    %eq3A_915 = vector.broadcast %eq3A_914 : i32 to vector<16xi32>
    %eq3A_916 = arith.cmpi eq, %get3A_907, %eq3A_915 : vector<16xi32>
    %jit3A_917 = arith.constant 1 : i32
    %jit3A_918 = arith.constant 0 : i32
    %broadcast_in_dim3A_919 = vector.broadcast %jit3A_917 : i32 to vector<16xi32>
    %broadcast_in_dim3A_920 = vector.broadcast %jit3A_918 : i32 to vector<16xi32>
    %select_n3A_921 = arith.select %eq3A_916, %broadcast_in_dim3A_919, %broadcast_in_dim3A_920 : vector<16xi1>, vector<16xi32>
    %jit3A_922 = arith.constant 2 : i32
    %broadcast_in_dim3A_923 = vector.broadcast %jit3A_922 : i32 to vector<16xi32>
    %select_n3A_924 = arith.select %eq3A_913, %broadcast_in_dim3A_923, %select_n3A_921 : vector<16xi1>, vector<16xi32>
    %lt3A_925 = arith.constant 3 : i32
    %lt3A_926 = vector.broadcast %lt3A_925 : i32 to vector<16xi32>
    %lt3A_927 = arith.cmpi slt, %get3A_907, %lt3A_926 : vector<16xi32>
    %lt3A_928 = arith.constant 7 : i32
    %lt3A_929 = vector.broadcast %lt3A_928 : i32 to vector<16xi32>
    %lt3A_930 = arith.cmpi slt, %get3A_907, %lt3A_929 : vector<16xi32>
    %add3A_931 = arith.constant 50257 : i32
    %add3A_932 = vector.broadcast %add3A_931 : i32 to vector<16xi32>
    %add3A_933 = arith.addi %get3A_907, %add3A_932 : vector<16xi32>
    %lt3A_934 = arith.constant 9 : i32
    %lt3A_935 = vector.broadcast %lt3A_934 : i32 to vector<16xi32>
    %lt3A_936 = arith.cmpi slt, %get3A_907, %lt3A_935 : vector<16xi32>
    %add3A_937 = arith.constant 50251 : i32
    %add3A_938 = vector.broadcast %add3A_937 : i32 to vector<16xi32>
    %add3A_939 = arith.addi %get3A_907, %add3A_938 : vector<16xi32>
    %jit3A_940 = arith.constant 50257 : i32
    %broadcast_in_dim3A_941 = vector.broadcast %jit3A_940 : i32 to vector<16xi32>
    %select_n3A_942 = arith.select %lt3A_936, %add3A_939, %broadcast_in_dim3A_941 : vector<16xi1>, vector<16xi32>
    %select_n3A_943 = arith.select %lt3A_930, %add3A_933, %select_n3A_942 : vector<16xi1>, vector<16xi32>
    %select_n3A_944 = arith.select %lt3A_927, %select_n3A_924, %select_n3A_943 : vector<16xi1>, vector<16xi32>
    %sub3A_945 = arith.constant 10 : i32
    %sub3A_946 = vector.broadcast %sub3A_945 : i32 to vector<16xi32>
    %sub3A_947 = arith.subi %get3A_907, %sub3A_946 : vector<16xi32>
    %max3A_948 = arith.constant 0 : i32
    %max3A_949 = vector.broadcast %max3A_948 : i32 to vector<16xi32>
    %max3A_950 = arith.maxsi %sub3A_947, %max3A_949 : vector<16xi32>
    %min3A_951 = arith.constant 2047 : i32
    %min3A_952 = vector.broadcast %min3A_951 : i32 to vector<16xi32>
    %min3A_953 = arith.minsi %max3A_950, %min3A_952 : vector<16xi32>
    %gather3A_954 = tpu.vector_load_idx %arg8[%min3A_953] : memref<2048xi32, #tpu.memory_space<vmem>>[vector<16xi32>], vector<16xi32>,
    %select_n3A_955 = arith.select %lt3A_910, %select_n3A_944, %gather3A_954 : vector<16xi1>, vector<16xi32>
    %swap3A_956 = arith.constant 0 : i32
    %swap3A_957 = arith.index_cast %swap3A_956 : i32 to index
    %swap3A_958 = arith.constant 240 : index
    %swap3A_959 = tpu.vector_load %arg9[%swap3A_957, %swap3A_958] {strides = array<i32>} : memref<1x256xi32, #tpu.memory_space<vmem>>, vector<16xi32>,
    tpu.vector_store %arg9[%swap3A_957, %swap3A_958], %select_n3A_955 {strides = array<i32>} : memref<1x256xi32, #tpu.memory_space<vmem>>, vector<16xi32>,
    "tpu.region"() ({
      %run_scoped3A = tpu.sem_alloc : memref<!tpu.dma_semaphore, #tpu.memory_space<semaphore_mem>>
      %dma_start3A_1755 = tpu.memref_slice %arg5[%select_n3A, %mul3A_32] : memref<4x2048xi32, #tpu.memory_space<hbm>> -> memref<1x256xi32, #tpu.memory_space<hbm>>
      %dma_start3A_1756 = tpu.memref_slice %arg5[%select_n3A, %mul3A_32] : memref<4x2048xi32, #tpu.memory_space<hbm>> -> memref<1x256xi32, #tpu.memory_space<hbm>>
      tpu.enqueue_dma source(%arg9 : memref<1x256xi32, #tpu.memory_space<vmem>>) target(%dma_start3A_1756 : memref<1x256xi32, #tpu.memory_space<hbm>>) target_semaphore(%run_scoped3A : memref<!tpu.dma_semaphore, #tpu.memory_space<semaphore_mem>>)
      %dma_wait3A_1757 = tpu.memref_slice %arg5[%select_n3A, %mul3A_32] : memref<4x2048xi32, #tpu.memory_space<hbm>> -> memref<1x256xi32, #tpu.memory_space<hbm>>
      %dma_wait3A_1758 = tpu.memref_slice %arg5[%select_n3A, %mul3A_32] : memref<4x2048xi32, #tpu.memory_space<hbm>> -> memref<1x256xi32, #tpu.memory_space<hbm>>
      tpu.wait_dma2 semaphore(%run_scoped3A : memref<!tpu.dma_semaphore, #tpu.memory_space<semaphore_mem>>) src(%arg9 : memref<1x256xi32, #tpu.memory_space<vmem>>) dst(%dma_wait3A_1758 : memref<1x256xi32, #tpu.memory_space<hbm>>)
      tpu.yield
    }) : () -> ()
    %dma_wait3A = arith.constant 0 : i32
    %dma_wait3A_960 = arith.constant 0 : i32
    %dma_wait3A_961 = arith.constant 0 : i32
    %dma_wait3A_962 = arith.constant 0 : i32
    %dma_wait3A_963 = tpu.memref_slice %arg10[%dma_wait3A_960, %dma_wait3A_961, %dma_wait3A_962] : memref<4x16x1024xf32, #tpu.memory_space<vmem>> -> memref<1x16x1024xf32, #tpu.memory_space<vmem>>
    %dma_wait3A_964 = tpu.memref_squeeze %dma_wait3A_963 : memref<1x16x1024xf32, #tpu.memory_space<vmem>> -> memref<16x1024xf32, #tpu.memory_space<vmem>>
    %dma_wait3A_965 = arith.constant 0 : i32
    %dma_wait3A_966 = tpu.memref_slice %arg9[%dma_wait3A, %dma_wait3A_965] : memref<1x256xi32, #tpu.memory_space<vmem>> -> memref<1x16xi32, #tpu.memory_space<vmem>>
    %dma_wait3A_967 = tpu.memref_squeeze %dma_wait3A_966 : memref<1x16xi32, #tpu.memory_space<vmem>> -> memref<16xi32, #tpu.memory_space<vmem>>
    %dma_wait3A_968 = arith.constant 0 : i32
    %dma_wait3A_969 = arith.constant 0 : i32
    %dma_wait3A_970 = tpu.memref_slice %arg4[%dma_wait3A_968, %dma_wait3A_969] : memref<50265x1024xf32, #tpu.memory_space<hbm>> -> memref<50265x1024xf32, #tpu.memory_space<hbm>>
    tpu.wait_indirect_dma semaphore(%arg11 : memref<!tpu.dma_semaphore, #tpu.memory_space<semaphore_mem>>) src(%dma_wait3A_970 : memref<50265x1024xf32, #tpu.memory_space<hbm>>) dst(%dma_wait3A_964 : memref<16x1024xf32, #tpu.memory_space<vmem>>)
    %add3A_971 = arith.constant 0 : i32
    %add3A_972 = arith.addi %mul3A_34, %add3A_971 : i32
    %dma_start3A_973 = arith.constant 0 : i32
    %dma_start3A_974 = arith.constant 0 : i32
    %dma_start3A_975 = arith.constant 0 : i32
    %dma_start3A_976 = tpu.memref_slice %arg10[%dma_start3A_973, %dma_start3A_974, %dma_start3A_975] : memref<4x16x1024xf32, #tpu.memory_space<vmem>> -> memref<1x16x1024xf32, #tpu.memory_space<vmem>>
    %dma_start3A_977 = tpu.memref_squeeze %dma_start3A_976 : memref<1x16x1024xf32, #tpu.memory_space<vmem>> -> memref<16x1024xf32, #tpu.memory_space<vmem>>
    %dma_start3A_978 = arith.constant 0 : i32
    %dma_start3A_979 = tpu.memref_slice %arg6[%add3A_972, %dma_start3A_978] : memref<8192x1024xf32, #tpu.memory_space<hbm>> -> memref<16x1024xf32, #tpu.memory_space<hbm>>
    %dma_start3A_980 = arith.constant 0 : i32
    %dma_start3A_981 = tpu.memref_slice %arg6[%add3A_972, %dma_start3A_980] : memref<8192x1024xf32, #tpu.memory_space<hbm>> -> memref<16x1024xf32, #tpu.memory_space<hbm>>
    %dma_start3A_982 = arith.constant 0 : i32
    %dma_start3A_983 = arith.constant 0 : i32
    %dma_start3A_984 = tpu.memref_slice %arg10[%dma_start3A_973, %dma_start3A_982, %dma_start3A_983] : memref<4x16x1024xf32, #tpu.memory_space<vmem>> -> memref<1x16x1024xf32, #tpu.memory_space<vmem>>
    %dma_start3A_985 = tpu.memref_squeeze %dma_start3A_984 : memref<1x16x1024xf32, #tpu.memory_space<vmem>> -> memref<16x1024xf32, #tpu.memory_space<vmem>>
    tpu.enqueue_dma source(%dma_start3A_985 : memref<16x1024xf32, #tpu.memory_space<vmem>>) target(%dma_start3A_981 : memref<16x1024xf32, #tpu.memory_space<hbm>>) target_semaphore(%arg12 : memref<!tpu.dma_semaphore, #tpu.memory_space<semaphore_mem>>)
    %dma_start3A_986 = arith.constant 0 : i32
    %dma_start3A_987 = arith.constant 3 : i32
    %dma_start3A_988 = arith.constant 0 : i32
    %dma_start3A_989 = arith.constant 0 : i32
    %dma_start3A_990 = tpu.memref_slice %arg10[%dma_start3A_987, %dma_start3A_988, %dma_start3A_989] : memref<4x16x1024xf32, #tpu.memory_space<vmem>> -> memref<1x16x1024xf32, #tpu.memory_space<vmem>>
    %dma_start3A_991 = tpu.memref_squeeze %dma_start3A_990 : memref<1x16x1024xf32, #tpu.memory_space<vmem>> -> memref<16x1024xf32, #tpu.memory_space<vmem>>
    %dma_start3A_992 = arith.constant 48 : i32
    %dma_start3A_993 = tpu.memref_slice %arg9[%dma_start3A_986, %dma_start3A_992] : memref<1x256xi32, #tpu.memory_space<vmem>> -> memref<1x16xi32, #tpu.memory_space<vmem>>
    %dma_start3A_994 = tpu.memref_squeeze %dma_start3A_993 : memref<1x16xi32, #tpu.memory_space<vmem>> -> memref<16xi32, #tpu.memory_space<vmem>>
    %dma_start3A_995 = arith.constant 0 : i32
    %dma_start3A_996 = arith.constant 0 : i32
    %dma_start3A_997 = tpu.memref_slice %arg4[%dma_start3A_995, %dma_start3A_996] : memref<50265x1024xf32, #tpu.memory_space<hbm>> -> memref<50265x1024xf32, #tpu.memory_space<hbm>>
    tpu.enqueue_indirect_dma source(%dma_start3A_997 : memref<50265x1024xf32, #tpu.memory_space<hbm>>) target(%dma_start3A_991 : memref<16x1024xf32, #tpu.memory_space<vmem>>) offsets(%dma_start3A_994 : memref<16xi32, #tpu.memory_space<vmem>>) semaphore(%arg11 : memref<!tpu.dma_semaphore, #tpu.memory_space<semaphore_mem>>)
    %dma_wait3A_998 = arith.constant 0 : i32
    %dma_wait3A_999 = arith.constant 1 : i32
    %dma_wait3A_1000 = arith.constant 0 : i32
    %dma_wait3A_1001 = arith.constant 0 : i32
    %dma_wait3A_1002 = tpu.memref_slice %arg10[%dma_wait3A_999, %dma_wait3A_1000, %dma_wait3A_1001] : memref<4x16x1024xf32, #tpu.memory_space<vmem>> -> memref<1x16x1024xf32, #tpu.memory_space<vmem>>
    %dma_wait3A_1003 = tpu.memref_squeeze %dma_wait3A_1002 : memref<1x16x1024xf32, #tpu.memory_space<vmem>> -> memref<16x1024xf32, #tpu.memory_space<vmem>>
    %dma_wait3A_1004 = arith.constant 16 : i32
    %dma_wait3A_1005 = tpu.memref_slice %arg9[%dma_wait3A_998, %dma_wait3A_1004] : memref<1x256xi32, #tpu.memory_space<vmem>> -> memref<1x16xi32, #tpu.memory_space<vmem>>
    %dma_wait3A_1006 = tpu.memref_squeeze %dma_wait3A_1005 : memref<1x16xi32, #tpu.memory_space<vmem>> -> memref<16xi32, #tpu.memory_space<vmem>>
    %dma_wait3A_1007 = arith.constant 0 : i32
    %dma_wait3A_1008 = arith.constant 0 : i32
    %dma_wait3A_1009 = tpu.memref_slice %arg4[%dma_wait3A_1007, %dma_wait3A_1008] : memref<50265x1024xf32, #tpu.memory_space<hbm>> -> memref<50265x1024xf32, #tpu.memory_space<hbm>>
    tpu.wait_indirect_dma semaphore(%arg11 : memref<!tpu.dma_semaphore, #tpu.memory_space<semaphore_mem>>) src(%dma_wait3A_1009 : memref<50265x1024xf32, #tpu.memory_space<hbm>>) dst(%dma_wait3A_1003 : memref<16x1024xf32, #tpu.memory_space<vmem>>)
    %add3A_1010 = arith.constant 16 : i32
    %add3A_1011 = arith.addi %mul3A_34, %add3A_1010 : i32
    %dma_start3A_1012 = arith.constant 1 : i32
    %dma_start3A_1013 = arith.constant 0 : i32
    %dma_start3A_1014 = arith.constant 0 : i32
    %dma_start3A_1015 = tpu.memref_slice %arg10[%dma_start3A_1012, %dma_start3A_1013, %dma_start3A_1014] : memref<4x16x1024xf32, #tpu.memory_space<vmem>> -> memref<1x16x1024xf32, #tpu.memory_space<vmem>>
    %dma_start3A_1016 = tpu.memref_squeeze %dma_start3A_1015 : memref<1x16x1024xf32, #tpu.memory_space<vmem>> -> memref<16x1024xf32, #tpu.memory_space<vmem>>
    %dma_start3A_1017 = arith.constant 0 : i32
    %dma_start3A_1018 = tpu.memref_slice %arg6[%add3A_1011, %dma_start3A_1017] : memref<8192x1024xf32, #tpu.memory_space<hbm>> -> memref<16x1024xf32, #tpu.memory_space<hbm>>
    %dma_start3A_1019 = arith.constant 0 : i32
    %dma_start3A_1020 = tpu.memref_slice %arg6[%add3A_1011, %dma_start3A_1019] : memref<8192x1024xf32, #tpu.memory_space<hbm>> -> memref<16x1024xf32, #tpu.memory_space<hbm>>
    %dma_start3A_1021 = arith.constant 0 : i32
    %dma_start3A_1022 = arith.constant 0 : i32
    %dma_start3A_1023 = tpu.memref_slice %arg10[%dma_start3A_1012, %dma_start3A_1021, %dma_start3A_1022] : memref<4x16x1024xf32, #tpu.memory_space<vmem>> -> memref<1x16x1024xf32, #tpu.memory_space<vmem>>
    %dma_start3A_1024 = tpu.memref_squeeze %dma_start3A_1023 : memref<1x16x1024xf32, #tpu.memory_space<vmem>> -> memref<16x1024xf32, #tpu.memory_space<vmem>>
    tpu.enqueue_dma source(%dma_start3A_1024 : memref<16x1024xf32, #tpu.memory_space<vmem>>) target(%dma_start3A_1020 : memref<16x1024xf32, #tpu.memory_space<hbm>>) target_semaphore(%arg12 : memref<!tpu.dma_semaphore, #tpu.memory_space<semaphore_mem>>)
    %dma_wait3A_1025 = arith.constant 0 : i32
    %dma_wait3A_1026 = arith.constant 0 : i32
    %dma_wait3A_1027 = arith.constant 0 : i32
    %dma_wait3A_1028 = tpu.memref_slice %arg10[%dma_wait3A_1025, %dma_wait3A_1026, %dma_wait3A_1027] : memref<4x16x1024xf32, #tpu.memory_space<vmem>> -> memref<1x16x1024xf32, #tpu.memory_space<vmem>>
    %dma_wait3A_1029 = tpu.memref_squeeze %dma_wait3A_1028 : memref<1x16x1024xf32, #tpu.memory_space<vmem>> -> memref<16x1024xf32, #tpu.memory_space<vmem>>
    %dma_wait3A_1030 = arith.constant 0 : i32
    %dma_wait3A_1031 = tpu.memref_slice %arg6[%add3A_972, %dma_wait3A_1030] : memref<8192x1024xf32, #tpu.memory_space<hbm>> -> memref<16x1024xf32, #tpu.memory_space<hbm>>
    %dma_wait3A_1032 = arith.constant 0 : i32
    %dma_wait3A_1033 = tpu.memref_slice %arg6[%add3A_972, %dma_wait3A_1032] : memref<8192x1024xf32, #tpu.memory_space<hbm>> -> memref<16x1024xf32, #tpu.memory_space<hbm>>
    %dma_wait3A_1034 = arith.constant 0 : i32
    %dma_wait3A_1035 = arith.constant 0 : i32
    %dma_wait3A_1036 = tpu.memref_slice %arg10[%dma_wait3A_1025, %dma_wait3A_1034, %dma_wait3A_1035] : memref<4x16x1024xf32, #tpu.memory_space<vmem>> -> memref<1x16x1024xf32, #tpu.memory_space<vmem>>
    %dma_wait3A_1037 = tpu.memref_squeeze %dma_wait3A_1036 : memref<1x16x1024xf32, #tpu.memory_space<vmem>> -> memref<16x1024xf32, #tpu.memory_space<vmem>>
    tpu.wait_dma2 semaphore(%arg12 : memref<!tpu.dma_semaphore, #tpu.memory_space<semaphore_mem>>) src(%dma_wait3A_1037 : memref<16x1024xf32, #tpu.memory_space<vmem>>) dst(%dma_wait3A_1033 : memref<16x1024xf32, #tpu.memory_space<hbm>>)
    %dma_start3A_1038 = arith.constant 0 : i32
    %dma_start3A_1039 = arith.constant 0 : i32
    %dma_start3A_1040 = arith.constant 0 : i32
    %dma_start3A_1041 = arith.constant 0 : i32
    %dma_start3A_1042 = tpu.memref_slice %arg10[%dma_start3A_1039, %dma_start3A_1040, %dma_start3A_1041] : memref<4x16x1024xf32, #tpu.memory_space<vmem>> -> memref<1x16x1024xf32, #tpu.memory_space<vmem>>
    %dma_start3A_1043 = tpu.memref_squeeze %dma_start3A_1042 : memref<1x16x1024xf32, #tpu.memory_space<vmem>> -> memref<16x1024xf32, #tpu.memory_space<vmem>>
    %dma_start3A_1044 = arith.constant 64 : i32
    %dma_start3A_1045 = tpu.memref_slice %arg9[%dma_start3A_1038, %dma_start3A_1044] : memref<1x256xi32, #tpu.memory_space<vmem>> -> memref<1x16xi32, #tpu.memory_space<vmem>>
    %dma_start3A_1046 = tpu.memref_squeeze %dma_start3A_1045 : memref<1x16xi32, #tpu.memory_space<vmem>> -> memref<16xi32, #tpu.memory_space<vmem>>
    %dma_start3A_1047 = arith.constant 0 : i32
    %dma_start3A_1048 = arith.constant 0 : i32
    %dma_start3A_1049 = tpu.memref_slice %arg4[%dma_start3A_1047, %dma_start3A_1048] : memref<50265x1024xf32, #tpu.memory_space<hbm>> -> memref<50265x1024xf32, #tpu.memory_space<hbm>>
    tpu.enqueue_indirect_dma source(%dma_start3A_1049 : memref<50265x1024xf32, #tpu.memory_space<hbm>>) target(%dma_start3A_1043 : memref<16x1024xf32, #tpu.memory_space<vmem>>) offsets(%dma_start3A_1046 : memref<16xi32, #tpu.memory_space<vmem>>) semaphore(%arg11 : memref<!tpu.dma_semaphore, #tpu.memory_space<semaphore_mem>>)
    %dma_wait3A_1050 = arith.constant 0 : i32
    %dma_wait3A_1051 = arith.constant 2 : i32
    %dma_wait3A_1052 = arith.constant 0 : i32
    %dma_wait3A_1053 = arith.constant 0 : i32
    %dma_wait3A_1054 = tpu.memref_slice %arg10[%dma_wait3A_1051, %dma_wait3A_1052, %dma_wait3A_1053] : memref<4x16x1024xf32, #tpu.memory_space<vmem>> -> memref<1x16x1024xf32, #tpu.memory_space<vmem>>
    %dma_wait3A_1055 = tpu.memref_squeeze %dma_wait3A_1054 : memref<1x16x1024xf32, #tpu.memory_space<vmem>> -> memref<16x1024xf32, #tpu.memory_space<vmem>>
    %dma_wait3A_1056 = arith.constant 32 : i32
    %dma_wait3A_1057 = tpu.memref_slice %arg9[%dma_wait3A_1050, %dma_wait3A_1056] : memref<1x256xi32, #tpu.memory_space<vmem>> -> memref<1x16xi32, #tpu.memory_space<vmem>>
    %dma_wait3A_1058 = tpu.memref_squeeze %dma_wait3A_1057 : memref<1x16xi32, #tpu.memory_space<vmem>> -> memref<16xi32, #tpu.memory_space<vmem>>
    %dma_wait3A_1059 = arith.constant 0 : i32
    %dma_wait3A_1060 = arith.constant 0 : i32
    %dma_wait3A_1061 = tpu.memref_slice %arg4[%dma_wait3A_1059, %dma_wait3A_1060] : memref<50265x1024xf32, #tpu.memory_space<hbm>> -> memref<50265x1024xf32, #tpu.memory_space<hbm>>
    tpu.wait_indirect_dma semaphore(%arg11 : memref<!tpu.dma_semaphore, #tpu.memory_space<semaphore_mem>>) src(%dma_wait3A_1061 : memref<50265x1024xf32, #tpu.memory_space<hbm>>) dst(%dma_wait3A_1055 : memref<16x1024xf32, #tpu.memory_space<vmem>>)
    %add3A_1062 = arith.constant 32 : i32
    %add3A_1063 = arith.addi %mul3A_34, %add3A_1062 : i32
    %dma_start3A_1064 = arith.constant 2 : i32
    %dma_start3A_1065 = arith.constant 0 : i32
    %dma_start3A_1066 = arith.constant 0 : i32
    %dma_start3A_1067 = tpu.memref_slice %arg10[%dma_start3A_1064, %dma_start3A_1065, %dma_start3A_1066] : memref<4x16x1024xf32, #tpu.memory_space<vmem>> -> memref<1x16x1024xf32, #tpu.memory_space<vmem>>
    %dma_start3A_1068 = tpu.memref_squeeze %dma_start3A_1067 : memref<1x16x1024xf32, #tpu.memory_space<vmem>> -> memref<16x1024xf32, #tpu.memory_space<vmem>>
    %dma_start3A_1069 = arith.constant 0 : i32
    %dma_start3A_1070 = tpu.memref_slice %arg6[%add3A_1063, %dma_start3A_1069] : memref<8192x1024xf32, #tpu.memory_space<hbm>> -> memref<16x1024xf32, #tpu.memory_space<hbm>>
    %dma_start3A_1071 = arith.constant 0 : i32
    %dma_start3A_1072 = tpu.memref_slice %arg6[%add3A_1063, %dma_start3A_1071] : memref<8192x1024xf32, #tpu.memory_space<hbm>> -> memref<16x1024xf32, #tpu.memory_space<hbm>>
    %dma_start3A_1073 = arith.constant 0 : i32
    %dma_start3A_1074 = arith.constant 0 : i32
    %dma_start3A_1075 = tpu.memref_slice %arg10[%dma_start3A_1064, %dma_start3A_1073, %dma_start3A_1074] : memref<4x16x1024xf32, #tpu.memory_space<vmem>> -> memref<1x16x1024xf32, #tpu.memory_space<vmem>>
    %dma_start3A_1076 = tpu.memref_squeeze %dma_start3A_1075 : memref<1x16x1024xf32, #tpu.memory_space<vmem>> -> memref<16x1024xf32, #tpu.memory_space<vmem>>
    tpu.enqueue_dma source(%dma_start3A_1076 : memref<16x1024xf32, #tpu.memory_space<vmem>>) target(%dma_start3A_1072 : memref<16x1024xf32, #tpu.memory_space<hbm>>) target_semaphore(%arg12 : memref<!tpu.dma_semaphore, #tpu.memory_space<semaphore_mem>>)
    %dma_wait3A_1077 = arith.constant 1 : i32
    %dma_wait3A_1078 = arith.constant 0 : i32
    %dma_wait3A_1079 = arith.constant 0 : i32
    %dma_wait3A_1080 = tpu.memref_slice %arg10[%dma_wait3A_1077, %dma_wait3A_1078, %dma_wait3A_1079] : memref<4x16x1024xf32, #tpu.memory_space<vmem>> -> memref<1x16x1024xf32, #tpu.memory_space<vmem>>
    %dma_wait3A_1081 = tpu.memref_squeeze %dma_wait3A_1080 : memref<1x16x1024xf32, #tpu.memory_space<vmem>> -> memref<16x1024xf32, #tpu.memory_space<vmem>>
    %dma_wait3A_1082 = arith.constant 0 : i32
    %dma_wait3A_1083 = tpu.memref_slice %arg6[%add3A_1011, %dma_wait3A_1082] : memref<8192x1024xf32, #tpu.memory_space<hbm>> -> memref<16x1024xf32, #tpu.memory_space<hbm>>
    %dma_wait3A_1084 = arith.constant 0 : i32
    %dma_wait3A_1085 = tpu.memref_slice %arg6[%add3A_1011, %dma_wait3A_1084] : memref<8192x1024xf32, #tpu.memory_space<hbm>> -> memref<16x1024xf32, #tpu.memory_space<hbm>>
    %dma_wait3A_1086 = arith.constant 0 : i32
    %dma_wait3A_1087 = arith.constant 0 : i32
    %dma_wait3A_1088 = tpu.memref_slice %arg10[%dma_wait3A_1077, %dma_wait3A_1086, %dma_wait3A_1087] : memref<4x16x1024xf32, #tpu.memory_space<vmem>> -> memref<1x16x1024xf32, #tpu.memory_space<vmem>>
    %dma_wait3A_1089 = tpu.memref_squeeze %dma_wait3A_1088 : memref<1x16x1024xf32, #tpu.memory_space<vmem>> -> memref<16x1024xf32, #tpu.memory_space<vmem>>
    tpu.wait_dma2 semaphore(%arg12 : memref<!tpu.dma_semaphore, #tpu.memory_space<semaphore_mem>>) src(%dma_wait3A_1089 : memref<16x1024xf32, #tpu.memory_space<vmem>>) dst(%dma_wait3A_1085 : memref<16x1024xf32, #tpu.memory_space<hbm>>)
    %dma_start3A_1090 = arith.constant 0 : i32
    %dma_start3A_1091 = arith.constant 1 : i32
    %dma_start3A_1092 = arith.constant 0 : i32
    %dma_start3A_1093 = arith.constant 0 : i32
    %dma_start3A_1094 = tpu.memref_slice %arg10[%dma_start3A_1091, %dma_start3A_1092, %dma_start3A_1093] : memref<4x16x1024xf32, #tpu.memory_space<vmem>> -> memref<1x16x1024xf32, #tpu.memory_space<vmem>>
    %dma_start3A_1095 = tpu.memref_squeeze %dma_start3A_1094 : memref<1x16x1024xf32, #tpu.memory_space<vmem>> -> memref<16x1024xf32, #tpu.memory_space<vmem>>
    %dma_start3A_1096 = arith.constant 80 : i32
    %dma_start3A_1097 = tpu.memref_slice %arg9[%dma_start3A_1090, %dma_start3A_1096] : memref<1x256xi32, #tpu.memory_space<vmem>> -> memref<1x16xi32, #tpu.memory_space<vmem>>
    %dma_start3A_1098 = tpu.memref_squeeze %dma_start3A_1097 : memref<1x16xi32, #tpu.memory_space<vmem>> -> memref<16xi32, #tpu.memory_space<vmem>>
    %dma_start3A_1099 = arith.constant 0 : i32
    %dma_start3A_1100 = arith.constant 0 : i32
    %dma_start3A_1101 = tpu.memref_slice %arg4[%dma_start3A_1099, %dma_start3A_1100] : memref<50265x1024xf32, #tpu.memory_space<hbm>> -> memref<50265x1024xf32, #tpu.memory_space<hbm>>
    tpu.enqueue_indirect_dma source(%dma_start3A_1101 : memref<50265x1024xf32, #tpu.memory_space<hbm>>) target(%dma_start3A_1095 : memref<16x1024xf32, #tpu.memory_space<vmem>>) offsets(%dma_start3A_1098 : memref<16xi32, #tpu.memory_space<vmem>>) semaphore(%arg11 : memref<!tpu.dma_semaphore, #tpu.memory_space<semaphore_mem>>)
    %dma_wait3A_1102 = arith.constant 0 : i32
    %dma_wait3A_1103 = arith.constant 3 : i32
    %dma_wait3A_1104 = arith.constant 0 : i32
    %dma_wait3A_1105 = arith.constant 0 : i32
    %dma_wait3A_1106 = tpu.memref_slice %arg10[%dma_wait3A_1103, %dma_wait3A_1104, %dma_wait3A_1105] : memref<4x16x1024xf32, #tpu.memory_space<vmem>> -> memref<1x16x1024xf32, #tpu.memory_space<vmem>>
    %dma_wait3A_1107 = tpu.memref_squeeze %dma_wait3A_1106 : memref<1x16x1024xf32, #tpu.memory_space<vmem>> -> memref<16x1024xf32, #tpu.memory_space<vmem>>
    %dma_wait3A_1108 = arith.constant 48 : i32
    %dma_wait3A_1109 = tpu.memref_slice %arg9[%dma_wait3A_1102, %dma_wait3A_1108] : memref<1x256xi32, #tpu.memory_space<vmem>> -> memref<1x16xi32, #tpu.memory_space<vmem>>
    %dma_wait3A_1110 = tpu.memref_squeeze %dma_wait3A_1109 : memref<1x16xi32, #tpu.memory_space<vmem>> -> memref<16xi32, #tpu.memory_space<vmem>>
    %dma_wait3A_1111 = arith.constant 0 : i32
    %dma_wait3A_1112 = arith.constant 0 : i32
    %dma_wait3A_1113 = tpu.memref_slice %arg4[%dma_wait3A_1111, %dma_wait3A_1112] : memref<50265x1024xf32, #tpu.memory_space<hbm>> -> memref<50265x1024xf32, #tpu.memory_space<hbm>>
    tpu.wait_indirect_dma semaphore(%arg11 : memref<!tpu.dma_semaphore, #tpu.memory_space<semaphore_mem>>) src(%dma_wait3A_1113 : memref<50265x1024xf32, #tpu.memory_space<hbm>>) dst(%dma_wait3A_1107 : memref<16x1024xf32, #tpu.memory_space<vmem>>)
    %add3A_1114 = arith.constant 48 : i32
    %add3A_1115 = arith.addi %mul3A_34, %add3A_1114 : i32
    %dma_start3A_1116 = arith.constant 3 : i32
    %dma_start3A_1117 = arith.constant 0 : i32
    %dma_start3A_1118 = arith.constant 0 : i32
    %dma_start3A_1119 = tpu.memref_slice %arg10[%dma_start3A_1116, %dma_start3A_1117, %dma_start3A_1118] : memref<4x16x1024xf32, #tpu.memory_space<vmem>> -> memref<1x16x1024xf32, #tpu.memory_space<vmem>>
    %dma_start3A_1120 = tpu.memref_squeeze %dma_start3A_1119 : memref<1x16x1024xf32, #tpu.memory_space<vmem>> -> memref<16x1024xf32, #tpu.memory_space<vmem>>
    %dma_start3A_1121 = arith.constant 0 : i32
    %dma_start3A_1122 = tpu.memref_slice %arg6[%add3A_1115, %dma_start3A_1121] : memref<8192x1024xf32, #tpu.memory_space<hbm>> -> memref<16x1024xf32, #tpu.memory_space<hbm>>
    %dma_start3A_1123 = arith.constant 0 : i32
    %dma_start3A_1124 = tpu.memref_slice %arg6[%add3A_1115, %dma_start3A_1123] : memref<8192x1024xf32, #tpu.memory_space<hbm>> -> memref<16x1024xf32, #tpu.memory_space<hbm>>
    %dma_start3A_1125 = arith.constant 0 : i32
    %dma_start3A_1126 = arith.constant 0 : i32
    %dma_start3A_1127 = tpu.memref_slice %arg10[%dma_start3A_1116, %dma_start3A_1125, %dma_start3A_1126] : memref<4x16x1024xf32, #tpu.memory_space<vmem>> -> memref<1x16x1024xf32, #tpu.memory_space<vmem>>
    %dma_start3A_1128 = tpu.memref_squeeze %dma_start3A_1127 : memref<1x16x1024xf32, #tpu.memory_space<vmem>> -> memref<16x1024xf32, #tpu.memory_space<vmem>>
    tpu.enqueue_dma source(%dma_start3A_1128 : memref<16x1024xf32, #tpu.memory_space<vmem>>) target(%dma_start3A_1124 : memref<16x1024xf32, #tpu.memory_space<hbm>>) target_semaphore(%arg12 : memref<!tpu.dma_semaphore, #tpu.memory_space<semaphore_mem>>)
    %dma_wait3A_1129 = arith.constant 2 : i32
    %dma_wait3A_1130 = arith.constant 0 : i32
    %dma_wait3A_1131 = arith.constant 0 : i32
    %dma_wait3A_1132 = tpu.memref_slice %arg10[%dma_wait3A_1129, %dma_wait3A_1130, %dma_wait3A_1131] : memref<4x16x1024xf32, #tpu.memory_space<vmem>> -> memref<1x16x1024xf32, #tpu.memory_space<vmem>>
    %dma_wait3A_1133 = tpu.memref_squeeze %dma_wait3A_1132 : memref<1x16x1024xf32, #tpu.memory_space<vmem>> -> memref<16x1024xf32, #tpu.memory_space<vmem>>
    %dma_wait3A_1134 = arith.constant 0 : i32
    %dma_wait3A_1135 = tpu.memref_slice %arg6[%add3A_1063, %dma_wait3A_1134] : memref<8192x1024xf32, #tpu.memory_space<hbm>> -> memref<16x1024xf32, #tpu.memory_space<hbm>>
    %dma_wait3A_1136 = arith.constant 0 : i32
    %dma_wait3A_1137 = tpu.memref_slice %arg6[%add3A_1063, %dma_wait3A_1136] : memref<8192x1024xf32, #tpu.memory_space<hbm>> -> memref<16x1024xf32, #tpu.memory_space<hbm>>
    %dma_wait3A_1138 = arith.constant 0 : i32
    %dma_wait3A_1139 = arith.constant 0 : i32
    %dma_wait3A_1140 = tpu.memref_slice %arg10[%dma_wait3A_1129, %dma_wait3A_1138, %dma_wait3A_1139] : memref<4x16x1024xf32, #tpu.memory_space<vmem>> -> memref<1x16x1024xf32, #tpu.memory_space<vmem>>
    %dma_wait3A_1141 = tpu.memref_squeeze %dma_wait3A_1140 : memref<1x16x1024xf32, #tpu.memory_space<vmem>> -> memref<16x1024xf32, #tpu.memory_space<vmem>>
    tpu.wait_dma2 semaphore(%arg12 : memref<!tpu.dma_semaphore, #tpu.memory_space<semaphore_mem>>) src(%dma_wait3A_1141 : memref<16x1024xf32, #tpu.memory_space<vmem>>) dst(%dma_wait3A_1137 : memref<16x1024xf32, #tpu.memory_space<hbm>>)
    %dma_start3A_1142 = arith.constant 0 : i32
    %dma_start3A_1143 = arith.constant 2 : i32
    %dma_start3A_1144 = arith.constant 0 : i32
    %dma_start3A_1145 = arith.constant 0 : i32
    %dma_start3A_1146 = tpu.memref_slice %arg10[%dma_start3A_1143, %dma_start3A_1144, %dma_start3A_1145] : memref<4x16x1024xf32, #tpu.memory_space<vmem>> -> memref<1x16x1024xf32, #tpu.memory_space<vmem>>
    %dma_start3A_1147 = tpu.memref_squeeze %dma_start3A_1146 : memref<1x16x1024xf32, #tpu.memory_space<vmem>> -> memref<16x1024xf32, #tpu.memory_space<vmem>>
    %dma_start3A_1148 = arith.constant 96 : i32
    %dma_start3A_1149 = tpu.memref_slice %arg9[%dma_start3A_1142, %dma_start3A_1148] : memref<1x256xi32, #tpu.memory_space<vmem>> -> memref<1x16xi32, #tpu.memory_space<vmem>>
    %dma_start3A_1150 = tpu.memref_squeeze %dma_start3A_1149 : memref<1x16xi32, #tpu.memory_space<vmem>> -> memref<16xi32, #tpu.memory_space<vmem>>
    %dma_start3A_1151 = arith.constant 0 : i32
    %dma_start3A_1152 = arith.constant 0 : i32
    %dma_start3A_1153 = tpu.memref_slice %arg4[%dma_start3A_1151, %dma_start3A_1152] : memref<50265x1024xf32, #tpu.memory_space<hbm>> -> memref<50265x1024xf32, #tpu.memory_space<hbm>>
    tpu.enqueue_indirect_dma source(%dma_start3A_1153 : memref<50265x1024xf32, #tpu.memory_space<hbm>>) target(%dma_start3A_1147 : memref<16x1024xf32, #tpu.memory_space<vmem>>) offsets(%dma_start3A_1150 : memref<16xi32, #tpu.memory_space<vmem>>) semaphore(%arg11 : memref<!tpu.dma_semaphore, #tpu.memory_space<semaphore_mem>>)
    %dma_wait3A_1154 = arith.constant 0 : i32
    %dma_wait3A_1155 = arith.constant 0 : i32
    %dma_wait3A_1156 = arith.constant 0 : i32
    %dma_wait3A_1157 = arith.constant 0 : i32
    %dma_wait3A_1158 = tpu.memref_slice %arg10[%dma_wait3A_1155, %dma_wait3A_1156, %dma_wait3A_1157] : memref<4x16x1024xf32, #tpu.memory_space<vmem>> -> memref<1x16x1024xf32, #tpu.memory_space<vmem>>
    %dma_wait3A_1159 = tpu.memref_squeeze %dma_wait3A_1158 : memref<1x16x1024xf32, #tpu.memory_space<vmem>> -> memref<16x1024xf32, #tpu.memory_space<vmem>>
    %dma_wait3A_1160 = arith.constant 64 : i32
    %dma_wait3A_1161 = tpu.memref_slice %arg9[%dma_wait3A_1154, %dma_wait3A_1160] : memref<1x256xi32, #tpu.memory_space<vmem>> -> memref<1x16xi32, #tpu.memory_space<vmem>>
    %dma_wait3A_1162 = tpu.memref_squeeze %dma_wait3A_1161 : memref<1x16xi32, #tpu.memory_space<vmem>> -> memref<16xi32, #tpu.memory_space<vmem>>
    %dma_wait3A_1163 = arith.constant 0 : i32
    %dma_wait3A_1164 = arith.constant 0 : i32
    %dma_wait3A_1165 = tpu.memref_slice %arg4[%dma_wait3A_1163, %dma_wait3A_1164] : memref<50265x1024xf32, #tpu.memory_space<hbm>> -> memref<50265x1024xf32, #tpu.memory_space<hbm>>
    tpu.wait_indirect_dma semaphore(%arg11 : memref<!tpu.dma_semaphore, #tpu.memory_space<semaphore_mem>>) src(%dma_wait3A_1165 : memref<50265x1024xf32, #tpu.memory_space<hbm>>) dst(%dma_wait3A_1159 : memref<16x1024xf32, #tpu.memory_space<vmem>>)
    %add3A_1166 = arith.constant 64 : i32
    %add3A_1167 = arith.addi %mul3A_34, %add3A_1166 : i32
    %dma_start3A_1168 = arith.constant 0 : i32
    %dma_start3A_1169 = arith.constant 0 : i32
    %dma_start3A_1170 = arith.constant 0 : i32
    %dma_start3A_1171 = tpu.memref_slice %arg10[%dma_start3A_1168, %dma_start3A_1169, %dma_start3A_1170] : memref<4x16x1024xf32, #tpu.memory_space<vmem>> -> memref<1x16x1024xf32, #tpu.memory_space<vmem>>
    %dma_start3A_1172 = tpu.memref_squeeze %dma_start3A_1171 : memref<1x16x1024xf32, #tpu.memory_space<vmem>> -> memref<16x1024xf32, #tpu.memory_space<vmem>>
    %dma_start3A_1173 = arith.constant 0 : i32
    %dma_start3A_1174 = tpu.memref_slice %arg6[%add3A_1167, %dma_start3A_1173] : memref<8192x1024xf32, #tpu.memory_space<hbm>> -> memref<16x1024xf32, #tpu.memory_space<hbm>>
    %dma_start3A_1175 = arith.constant 0 : i32
    %dma_start3A_1176 = tpu.memref_slice %arg6[%add3A_1167, %dma_start3A_1175] : memref<8192x1024xf32, #tpu.memory_space<hbm>> -> memref<16x1024xf32, #tpu.memory_space<hbm>>
    %dma_start3A_1177 = arith.constant 0 : i32
    %dma_start3A_1178 = arith.constant 0 : i32
    %dma_start3A_1179 = tpu.memref_slice %arg10[%dma_start3A_1168, %dma_start3A_1177, %dma_start3A_1178] : memref<4x16x1024xf32, #tpu.memory_space<vmem>> -> memref<1x16x1024xf32, #tpu.memory_space<vmem>>
    %dma_start3A_1180 = tpu.memref_squeeze %dma_start3A_1179 : memref<1x16x1024xf32, #tpu.memory_space<vmem>> -> memref<16x1024xf32, #tpu.memory_space<vmem>>
    tpu.enqueue_dma source(%dma_start3A_1180 : memref<16x1024xf32, #tpu.memory_space<vmem>>) target(%dma_start3A_1176 : memref<16x1024xf32, #tpu.memory_space<hbm>>) target_semaphore(%arg12 : memref<!tpu.dma_semaphore, #tpu.memory_space<semaphore_mem>>)
    %dma_wait3A_1181 = arith.constant 3 : i32
    %dma_wait3A_1182 = arith.constant 0 : i32
    %dma_wait3A_1183 = arith.constant 0 : i32
    %dma_wait3A_1184 = tpu.memref_slice %arg10[%dma_wait3A_1181, %dma_wait3A_1182, %dma_wait3A_1183] : memref<4x16x1024xf32, #tpu.memory_space<vmem>> -> memref<1x16x1024xf32, #tpu.memory_space<vmem>>
    %dma_wait3A_1185 = tpu.memref_squeeze %dma_wait3A_1184 : memref<1x16x1024xf32, #tpu.memory_space<vmem>> -> memref<16x1024xf32, #tpu.memory_space<vmem>>
    %dma_wait3A_1186 = arith.constant 0 : i32
    %dma_wait3A_1187 = tpu.memref_slice %arg6[%add3A_1115, %dma_wait3A_1186] : memref<8192x1024xf32, #tpu.memory_space<hbm>> -> memref<16x1024xf32, #tpu.memory_space<hbm>>
    %dma_wait3A_1188 = arith.constant 0 : i32
    %dma_wait3A_1189 = tpu.memref_slice %arg6[%add3A_1115, %dma_wait3A_1188] : memref<8192x1024xf32, #tpu.memory_space<hbm>> -> memref<16x1024xf32, #tpu.memory_space<hbm>>
    %dma_wait3A_1190 = arith.constant 0 : i32
    %dma_wait3A_1191 = arith.constant 0 : i32
    %dma_wait3A_1192 = tpu.memref_slice %arg10[%dma_wait3A_1181, %dma_wait3A_1190, %dma_wait3A_1191] : memref<4x16x1024xf32, #tpu.memory_space<vmem>> -> memref<1x16x1024xf32, #tpu.memory_space<vmem>>
    %dma_wait3A_1193 = tpu.memref_squeeze %dma_wait3A_1192 : memref<1x16x1024xf32, #tpu.memory_space<vmem>> -> memref<16x1024xf32, #tpu.memory_space<vmem>>
    tpu.wait_dma2 semaphore(%arg12 : memref<!tpu.dma_semaphore, #tpu.memory_space<semaphore_mem>>) src(%dma_wait3A_1193 : memref<16x1024xf32, #tpu.memory_space<vmem>>) dst(%dma_wait3A_1189 : memref<16x1024xf32, #tpu.memory_space<hbm>>)
    %dma_start3A_1194 = arith.constant 0 : i32
    %dma_start3A_1195 = arith.constant 3 : i32
    %dma_start3A_1196 = arith.constant 0 : i32
    %dma_start3A_1197 = arith.constant 0 : i32
    %dma_start3A_1198 = tpu.memref_slice %arg10[%dma_start3A_1195, %dma_start3A_1196, %dma_start3A_1197] : memref<4x16x1024xf32, #tpu.memory_space<vmem>> -> memref<1x16x1024xf32, #tpu.memory_space<vmem>>
    %dma_start3A_1199 = tpu.memref_squeeze %dma_start3A_1198 : memref<1x16x1024xf32, #tpu.memory_space<vmem>> -> memref<16x1024xf32, #tpu.memory_space<vmem>>
    %dma_start3A_1200 = arith.constant 112 : i32
    %dma_start3A_1201 = tpu.memref_slice %arg9[%dma_start3A_1194, %dma_start3A_1200] : memref<1x256xi32, #tpu.memory_space<vmem>> -> memref<1x16xi32, #tpu.memory_space<vmem>>
    %dma_start3A_1202 = tpu.memref_squeeze %dma_start3A_1201 : memref<1x16xi32, #tpu.memory_space<vmem>> -> memref<16xi32, #tpu.memory_space<vmem>>
    %dma_start3A_1203 = arith.constant 0 : i32
    %dma_start3A_1204 = arith.constant 0 : i32
    %dma_start3A_1205 = tpu.memref_slice %arg4[%dma_start3A_1203, %dma_start3A_1204] : memref<50265x1024xf32, #tpu.memory_space<hbm>> -> memref<50265x1024xf32, #tpu.memory_space<hbm>>
    tpu.enqueue_indirect_dma source(%dma_start3A_1205 : memref<50265x1024xf32, #tpu.memory_space<hbm>>) target(%dma_start3A_1199 : memref<16x1024xf32, #tpu.memory_space<vmem>>) offsets(%dma_start3A_1202 : memref<16xi32, #tpu.memory_space<vmem>>) semaphore(%arg11 : memref<!tpu.dma_semaphore, #tpu.memory_space<semaphore_mem>>)
    %dma_wait3A_1206 = arith.constant 0 : i32
    %dma_wait3A_1207 = arith.constant 1 : i32
    %dma_wait3A_1208 = arith.constant 0 : i32
    %dma_wait3A_1209 = arith.constant 0 : i32
    %dma_wait3A_1210 = tpu.memref_slice %arg10[%dma_wait3A_1207, %dma_wait3A_1208, %dma_wait3A_1209] : memref<4x16x1024xf32, #tpu.memory_space<vmem>> -> memref<1x16x1024xf32, #tpu.memory_space<vmem>>
    %dma_wait3A_1211 = tpu.memref_squeeze %dma_wait3A_1210 : memref<1x16x1024xf32, #tpu.memory_space<vmem>> -> memref<16x1024xf32, #tpu.memory_space<vmem>>
    %dma_wait3A_1212 = arith.constant 80 : i32
    %dma_wait3A_1213 = tpu.memref_slice %arg9[%dma_wait3A_1206, %dma_wait3A_1212] : memref<1x256xi32, #tpu.memory_space<vmem>> -> memref<1x16xi32, #tpu.memory_space<vmem>>
    %dma_wait3A_1214 = tpu.memref_squeeze %dma_wait3A_1213 : memref<1x16xi32, #tpu.memory_space<vmem>> -> memref<16xi32, #tpu.memory_space<vmem>>
    %dma_wait3A_1215 = arith.constant 0 : i32
    %dma_wait3A_1216 = arith.constant 0 : i32
    %dma_wait3A_1217 = tpu.memref_slice %arg4[%dma_wait3A_1215, %dma_wait3A_1216] : memref<50265x1024xf32, #tpu.memory_space<hbm>> -> memref<50265x1024xf32, #tpu.memory_space<hbm>>
    tpu.wait_indirect_dma semaphore(%arg11 : memref<!tpu.dma_semaphore, #tpu.memory_space<semaphore_mem>>) src(%dma_wait3A_1217 : memref<50265x1024xf32, #tpu.memory_space<hbm>>) dst(%dma_wait3A_1211 : memref<16x1024xf32, #tpu.memory_space<vmem>>)
    %add3A_1218 = arith.constant 80 : i32
    %add3A_1219 = arith.addi %mul3A_34, %add3A_1218 : i32
    %dma_start3A_1220 = arith.constant 1 : i32
    %dma_start3A_1221 = arith.constant 0 : i32
    %dma_start3A_1222 = arith.constant 0 : i32
    %dma_start3A_1223 = tpu.memref_slice %arg10[%dma_start3A_1220, %dma_start3A_1221, %dma_start3A_1222] : memref<4x16x1024xf32, #tpu.memory_space<vmem>> -> memref<1x16x1024xf32, #tpu.memory_space<vmem>>
    %dma_start3A_1224 = tpu.memref_squeeze %dma_start3A_1223 : memref<1x16x1024xf32, #tpu.memory_space<vmem>> -> memref<16x1024xf32, #tpu.memory_space<vmem>>
    %dma_start3A_1225 = arith.constant 0 : i32
    %dma_start3A_1226 = tpu.memref_slice %arg6[%add3A_1219, %dma_start3A_1225] : memref<8192x1024xf32, #tpu.memory_space<hbm>> -> memref<16x1024xf32, #tpu.memory_space<hbm>>
    %dma_start3A_1227 = arith.constant 0 : i32
    %dma_start3A_1228 = tpu.memref_slice %arg6[%add3A_1219, %dma_start3A_1227] : memref<8192x1024xf32, #tpu.memory_space<hbm>> -> memref<16x1024xf32, #tpu.memory_space<hbm>>
    %dma_start3A_1229 = arith.constant 0 : i32
    %dma_start3A_1230 = arith.constant 0 : i32
    %dma_start3A_1231 = tpu.memref_slice %arg10[%dma_start3A_1220, %dma_start3A_1229, %dma_start3A_1230] : memref<4x16x1024xf32, #tpu.memory_space<vmem>> -> memref<1x16x1024xf32, #tpu.memory_space<vmem>>
    %dma_start3A_1232 = tpu.memref_squeeze %dma_start3A_1231 : memref<1x16x1024xf32, #tpu.memory_space<vmem>> -> memref<16x1024xf32, #tpu.memory_space<vmem>>
    tpu.enqueue_dma source(%dma_start3A_1232 : memref<16x1024xf32, #tpu.memory_space<vmem>>) target(%dma_start3A_1228 : memref<16x1024xf32, #tpu.memory_space<hbm>>) target_semaphore(%arg12 : memref<!tpu.dma_semaphore, #tpu.memory_space<semaphore_mem>>)
    %dma_wait3A_1233 = arith.constant 0 : i32
    %dma_wait3A_1234 = arith.constant 0 : i32
    %dma_wait3A_1235 = arith.constant 0 : i32
    %dma_wait3A_1236 = tpu.memref_slice %arg10[%dma_wait3A_1233, %dma_wait3A_1234, %dma_wait3A_1235] : memref<4x16x1024xf32, #tpu.memory_space<vmem>> -> memref<1x16x1024xf32, #tpu.memory_space<vmem>>
    %dma_wait3A_1237 = tpu.memref_squeeze %dma_wait3A_1236 : memref<1x16x1024xf32, #tpu.memory_space<vmem>> -> memref<16x1024xf32, #tpu.memory_space<vmem>>
    %dma_wait3A_1238 = arith.constant 0 : i32
    %dma_wait3A_1239 = tpu.memref_slice %arg6[%add3A_1167, %dma_wait3A_1238] : memref<8192x1024xf32, #tpu.memory_space<hbm>> -> memref<16x1024xf32, #tpu.memory_space<hbm>>
    %dma_wait3A_1240 = arith.constant 0 : i32
    %dma_wait3A_1241 = tpu.memref_slice %arg6[%add3A_1167, %dma_wait3A_1240] : memref<8192x1024xf32, #tpu.memory_space<hbm>> -> memref<16x1024xf32, #tpu.memory_space<hbm>>
    %dma_wait3A_1242 = arith.constant 0 : i32
    %dma_wait3A_1243 = arith.constant 0 : i32
    %dma_wait3A_1244 = tpu.memref_slice %arg10[%dma_wait3A_1233, %dma_wait3A_1242, %dma_wait3A_1243] : memref<4x16x1024xf32, #tpu.memory_space<vmem>> -> memref<1x16x1024xf32, #tpu.memory_space<vmem>>
    %dma_wait3A_1245 = tpu.memref_squeeze %dma_wait3A_1244 : memref<1x16x1024xf32, #tpu.memory_space<vmem>> -> memref<16x1024xf32, #tpu.memory_space<vmem>>
    tpu.wait_dma2 semaphore(%arg12 : memref<!tpu.dma_semaphore, #tpu.memory_space<semaphore_mem>>) src(%dma_wait3A_1245 : memref<16x1024xf32, #tpu.memory_space<vmem>>) dst(%dma_wait3A_1241 : memref<16x1024xf32, #tpu.memory_space<hbm>>)
    %dma_start3A_1246 = arith.constant 0 : i32
    %dma_start3A_1247 = arith.constant 0 : i32
    %dma_start3A_1248 = arith.constant 0 : i32
    %dma_start3A_1249 = arith.constant 0 : i32
    %dma_start3A_1250 = tpu.memref_slice %arg10[%dma_start3A_1247, %dma_start3A_1248, %dma_start3A_1249] : memref<4x16x1024xf32, #tpu.memory_space<vmem>> -> memref<1x16x1024xf32, #tpu.memory_space<vmem>>
    %dma_start3A_1251 = tpu.memref_squeeze %dma_start3A_1250 : memref<1x16x1024xf32, #tpu.memory_space<vmem>> -> memref<16x1024xf32, #tpu.memory_space<vmem>>
    %dma_start3A_1252 = arith.constant 128 : i32
    %dma_start3A_1253 = tpu.memref_slice %arg9[%dma_start3A_1246, %dma_start3A_1252] : memref<1x256xi32, #tpu.memory_space<vmem>> -> memref<1x16xi32, #tpu.memory_space<vmem>>
    %dma_start3A_1254 = tpu.memref_squeeze %dma_start3A_1253 : memref<1x16xi32, #tpu.memory_space<vmem>> -> memref<16xi32, #tpu.memory_space<vmem>>
    %dma_start3A_1255 = arith.constant 0 : i32
    %dma_start3A_1256 = arith.constant 0 : i32
    %dma_start3A_1257 = tpu.memref_slice %arg4[%dma_start3A_1255, %dma_start3A_1256] : memref<50265x1024xf32, #tpu.memory_space<hbm>> -> memref<50265x1024xf32, #tpu.memory_space<hbm>>
    tpu.enqueue_indirect_dma source(%dma_start3A_1257 : memref<50265x1024xf32, #tpu.memory_space<hbm>>) target(%dma_start3A_1251 : memref<16x1024xf32, #tpu.memory_space<vmem>>) offsets(%dma_start3A_1254 : memref<16xi32, #tpu.memory_space<vmem>>) semaphore(%arg11 : memref<!tpu.dma_semaphore, #tpu.memory_space<semaphore_mem>>)
    %dma_wait3A_1258 = arith.constant 0 : i32
    %dma_wait3A_1259 = arith.constant 2 : i32
    %dma_wait3A_1260 = arith.constant 0 : i32
    %dma_wait3A_1261 = arith.constant 0 : i32
    %dma_wait3A_1262 = tpu.memref_slice %arg10[%dma_wait3A_1259, %dma_wait3A_1260, %dma_wait3A_1261] : memref<4x16x1024xf32, #tpu.memory_space<vmem>> -> memref<1x16x1024xf32, #tpu.memory_space<vmem>>
    %dma_wait3A_1263 = tpu.memref_squeeze %dma_wait3A_1262 : memref<1x16x1024xf32, #tpu.memory_space<vmem>> -> memref<16x1024xf32, #tpu.memory_space<vmem>>
    %dma_wait3A_1264 = arith.constant 96 : i32
    %dma_wait3A_1265 = tpu.memref_slice %arg9[%dma_wait3A_1258, %dma_wait3A_1264] : memref<1x256xi32, #tpu.memory_space<vmem>> -> memref<1x16xi32, #tpu.memory_space<vmem>>
    %dma_wait3A_1266 = tpu.memref_squeeze %dma_wait3A_1265 : memref<1x16xi32, #tpu.memory_space<vmem>> -> memref<16xi32, #tpu.memory_space<vmem>>
    %dma_wait3A_1267 = arith.constant 0 : i32
    %dma_wait3A_1268 = arith.constant 0 : i32
    %dma_wait3A_1269 = tpu.memref_slice %arg4[%dma_wait3A_1267, %dma_wait3A_1268] : memref<50265x1024xf32, #tpu.memory_space<hbm>> -> memref<50265x1024xf32, #tpu.memory_space<hbm>>
    tpu.wait_indirect_dma semaphore(%arg11 : memref<!tpu.dma_semaphore, #tpu.memory_space<semaphore_mem>>) src(%dma_wait3A_1269 : memref<50265x1024xf32, #tpu.memory_space<hbm>>) dst(%dma_wait3A_1263 : memref<16x1024xf32, #tpu.memory_space<vmem>>)
    %add3A_1270 = arith.constant 96 : i32
    %add3A_1271 = arith.addi %mul3A_34, %add3A_1270 : i32
    %dma_start3A_1272 = arith.constant 2 : i32
    %dma_start3A_1273 = arith.constant 0 : i32
    %dma_start3A_1274 = arith.constant 0 : i32
    %dma_start3A_1275 = tpu.memref_slice %arg10[%dma_start3A_1272, %dma_start3A_1273, %dma_start3A_1274] : memref<4x16x1024xf32, #tpu.memory_space<vmem>> -> memref<1x16x1024xf32, #tpu.memory_space<vmem>>
    %dma_start3A_1276 = tpu.memref_squeeze %dma_start3A_1275 : memref<1x16x1024xf32, #tpu.memory_space<vmem>> -> memref<16x1024xf32, #tpu.memory_space<vmem>>
    %dma_start3A_1277 = arith.constant 0 : i32
    %dma_start3A_1278 = tpu.memref_slice %arg6[%add3A_1271, %dma_start3A_1277] : memref<8192x1024xf32, #tpu.memory_space<hbm>> -> memref<16x1024xf32, #tpu.memory_space<hbm>>
    %dma_start3A_1279 = arith.constant 0 : i32
    %dma_start3A_1280 = tpu.memref_slice %arg6[%add3A_1271, %dma_start3A_1279] : memref<8192x1024xf32, #tpu.memory_space<hbm>> -> memref<16x1024xf32, #tpu.memory_space<hbm>>
    %dma_start3A_1281 = arith.constant 0 : i32
    %dma_start3A_1282 = arith.constant 0 : i32
    %dma_start3A_1283 = tpu.memref_slice %arg10[%dma_start3A_1272, %dma_start3A_1281, %dma_start3A_1282] : memref<4x16x1024xf32, #tpu.memory_space<vmem>> -> memref<1x16x1024xf32, #tpu.memory_space<vmem>>
    %dma_start3A_1284 = tpu.memref_squeeze %dma_start3A_1283 : memref<1x16x1024xf32, #tpu.memory_space<vmem>> -> memref<16x1024xf32, #tpu.memory_space<vmem>>
    tpu.enqueue_dma source(%dma_start3A_1284 : memref<16x1024xf32, #tpu.memory_space<vmem>>) target(%dma_start3A_1280 : memref<16x1024xf32, #tpu.memory_space<hbm>>) target_semaphore(%arg12 : memref<!tpu.dma_semaphore, #tpu.memory_space<semaphore_mem>>)
    %dma_wait3A_1285 = arith.constant 1 : i32
    %dma_wait3A_1286 = arith.constant 0 : i32
    %dma_wait3A_1287 = arith.constant 0 : i32
    %dma_wait3A_1288 = tpu.memref_slice %arg10[%dma_wait3A_1285, %dma_wait3A_1286, %dma_wait3A_1287] : memref<4x16x1024xf32, #tpu.memory_space<vmem>> -> memref<1x16x1024xf32, #tpu.memory_space<vmem>>
    %dma_wait3A_1289 = tpu.memref_squeeze %dma_wait3A_1288 : memref<1x16x1024xf32, #tpu.memory_space<vmem>> -> memref<16x1024xf32, #tpu.memory_space<vmem>>
    %dma_wait3A_1290 = arith.constant 0 : i32
    %dma_wait3A_1291 = tpu.memref_slice %arg6[%add3A_1219, %dma_wait3A_1290] : memref<8192x1024xf32, #tpu.memory_space<hbm>> -> memref<16x1024xf32, #tpu.memory_space<hbm>>
    %dma_wait3A_1292 = arith.constant 0 : i32
    %dma_wait3A_1293 = tpu.memref_slice %arg6[%add3A_1219, %dma_wait3A_1292] : memref<8192x1024xf32, #tpu.memory_space<hbm>> -> memref<16x1024xf32, #tpu.memory_space<hbm>>
    %dma_wait3A_1294 = arith.constant 0 : i32
    %dma_wait3A_1295 = arith.constant 0 : i32
    %dma_wait3A_1296 = tpu.memref_slice %arg10[%dma_wait3A_1285, %dma_wait3A_1294, %dma_wait3A_1295] : memref<4x16x1024xf32, #tpu.memory_space<vmem>> -> memref<1x16x1024xf32, #tpu.memory_space<vmem>>
    %dma_wait3A_1297 = tpu.memref_squeeze %dma_wait3A_1296 : memref<1x16x1024xf32, #tpu.memory_space<vmem>> -> memref<16x1024xf32, #tpu.memory_space<vmem>>
    tpu.wait_dma2 semaphore(%arg12 : memref<!tpu.dma_semaphore, #tpu.memory_space<semaphore_mem>>) src(%dma_wait3A_1297 : memref<16x1024xf32, #tpu.memory_space<vmem>>) dst(%dma_wait3A_1293 : memref<16x1024xf32, #tpu.memory_space<hbm>>)
    %dma_start3A_1298 = arith.constant 0 : i32
    %dma_start3A_1299 = arith.constant 1 : i32
    %dma_start3A_1300 = arith.constant 0 : i32
    %dma_start3A_1301 = arith.constant 0 : i32
    %dma_start3A_1302 = tpu.memref_slice %arg10[%dma_start3A_1299, %dma_start3A_1300, %dma_start3A_1301] : memref<4x16x1024xf32, #tpu.memory_space<vmem>> -> memref<1x16x1024xf32, #tpu.memory_space<vmem>>
    %dma_start3A_1303 = tpu.memref_squeeze %dma_start3A_1302 : memref<1x16x1024xf32, #tpu.memory_space<vmem>> -> memref<16x1024xf32, #tpu.memory_space<vmem>>
    %dma_start3A_1304 = arith.constant 144 : i32
    %dma_start3A_1305 = tpu.memref_slice %arg9[%dma_start3A_1298, %dma_start3A_1304] : memref<1x256xi32, #tpu.memory_space<vmem>> -> memref<1x16xi32, #tpu.memory_space<vmem>>
    %dma_start3A_1306 = tpu.memref_squeeze %dma_start3A_1305 : memref<1x16xi32, #tpu.memory_space<vmem>> -> memref<16xi32, #tpu.memory_space<vmem>>
    %dma_start3A_1307 = arith.constant 0 : i32
    %dma_start3A_1308 = arith.constant 0 : i32
    %dma_start3A_1309 = tpu.memref_slice %arg4[%dma_start3A_1307, %dma_start3A_1308] : memref<50265x1024xf32, #tpu.memory_space<hbm>> -> memref<50265x1024xf32, #tpu.memory_space<hbm>>
    tpu.enqueue_indirect_dma source(%dma_start3A_1309 : memref<50265x1024xf32, #tpu.memory_space<hbm>>) target(%dma_start3A_1303 : memref<16x1024xf32, #tpu.memory_space<vmem>>) offsets(%dma_start3A_1306 : memref<16xi32, #tpu.memory_space<vmem>>) semaphore(%arg11 : memref<!tpu.dma_semaphore, #tpu.memory_space<semaphore_mem>>)
    %dma_wait3A_1310 = arith.constant 0 : i32
    %dma_wait3A_1311 = arith.constant 3 : i32
    %dma_wait3A_1312 = arith.constant 0 : i32
    %dma_wait3A_1313 = arith.constant 0 : i32
    %dma_wait3A_1314 = tpu.memref_slice %arg10[%dma_wait3A_1311, %dma_wait3A_1312, %dma_wait3A_1313] : memref<4x16x1024xf32, #tpu.memory_space<vmem>> -> memref<1x16x1024xf32, #tpu.memory_space<vmem>>
    %dma_wait3A_1315 = tpu.memref_squeeze %dma_wait3A_1314 : memref<1x16x1024xf32, #tpu.memory_space<vmem>> -> memref<16x1024xf32, #tpu.memory_space<vmem>>
    %dma_wait3A_1316 = arith.constant 112 : i32
    %dma_wait3A_1317 = tpu.memref_slice %arg9[%dma_wait3A_1310, %dma_wait3A_1316] : memref<1x256xi32, #tpu.memory_space<vmem>> -> memref<1x16xi32, #tpu.memory_space<vmem>>
    %dma_wait3A_1318 = tpu.memref_squeeze %dma_wait3A_1317 : memref<1x16xi32, #tpu.memory_space<vmem>> -> memref<16xi32, #tpu.memory_space<vmem>>
    %dma_wait3A_1319 = arith.constant 0 : i32
    %dma_wait3A_1320 = arith.constant 0 : i32
    %dma_wait3A_1321 = tpu.memref_slice %arg4[%dma_wait3A_1319, %dma_wait3A_1320] : memref<50265x1024xf32, #tpu.memory_space<hbm>> -> memref<50265x1024xf32, #tpu.memory_space<hbm>>
    tpu.wait_indirect_dma semaphore(%arg11 : memref<!tpu.dma_semaphore, #tpu.memory_space<semaphore_mem>>) src(%dma_wait3A_1321 : memref<50265x1024xf32, #tpu.memory_space<hbm>>) dst(%dma_wait3A_1315 : memref<16x1024xf32, #tpu.memory_space<vmem>>)
    %add3A_1322 = arith.constant 112 : i32
    %add3A_1323 = arith.addi %mul3A_34, %add3A_1322 : i32
    %dma_start3A_1324 = arith.constant 3 : i32
    %dma_start3A_1325 = arith.constant 0 : i32
    %dma_start3A_1326 = arith.constant 0 : i32
    %dma_start3A_1327 = tpu.memref_slice %arg10[%dma_start3A_1324, %dma_start3A_1325, %dma_start3A_1326] : memref<4x16x1024xf32, #tpu.memory_space<vmem>> -> memref<1x16x1024xf32, #tpu.memory_space<vmem>>
    %dma_start3A_1328 = tpu.memref_squeeze %dma_start3A_1327 : memref<1x16x1024xf32, #tpu.memory_space<vmem>> -> memref<16x1024xf32, #tpu.memory_space<vmem>>
    %dma_start3A_1329 = arith.constant 0 : i32
    %dma_start3A_1330 = tpu.memref_slice %arg6[%add3A_1323, %dma_start3A_1329] : memref<8192x1024xf32, #tpu.memory_space<hbm>> -> memref<16x1024xf32, #tpu.memory_space<hbm>>
    %dma_start3A_1331 = arith.constant 0 : i32
    %dma_start3A_1332 = tpu.memref_slice %arg6[%add3A_1323, %dma_start3A_1331] : memref<8192x1024xf32, #tpu.memory_space<hbm>> -> memref<16x1024xf32, #tpu.memory_space<hbm>>
    %dma_start3A_1333 = arith.constant 0 : i32
    %dma_start3A_1334 = arith.constant 0 : i32
    %dma_start3A_1335 = tpu.memref_slice %arg10[%dma_start3A_1324, %dma_start3A_1333, %dma_start3A_1334] : memref<4x16x1024xf32, #tpu.memory_space<vmem>> -> memref<1x16x1024xf32, #tpu.memory_space<vmem>>
    %dma_start3A_1336 = tpu.memref_squeeze %dma_start3A_1335 : memref<1x16x1024xf32, #tpu.memory_space<vmem>> -> memref<16x1024xf32, #tpu.memory_space<vmem>>
    tpu.enqueue_dma source(%dma_start3A_1336 : memref<16x1024xf32, #tpu.memory_space<vmem>>) target(%dma_start3A_1332 : memref<16x1024xf32, #tpu.memory_space<hbm>>) target_semaphore(%arg12 : memref<!tpu.dma_semaphore, #tpu.memory_space<semaphore_mem>>)
    %dma_wait3A_1337 = arith.constant 2 : i32
    %dma_wait3A_1338 = arith.constant 0 : i32
    %dma_wait3A_1339 = arith.constant 0 : i32
    %dma_wait3A_1340 = tpu.memref_slice %arg10[%dma_wait3A_1337, %dma_wait3A_1338, %dma_wait3A_1339] : memref<4x16x1024xf32, #tpu.memory_space<vmem>> -> memref<1x16x1024xf32, #tpu.memory_space<vmem>>
    %dma_wait3A_1341 = tpu.memref_squeeze %dma_wait3A_1340 : memref<1x16x1024xf32, #tpu.memory_space<vmem>> -> memref<16x1024xf32, #tpu.memory_space<vmem>>
    %dma_wait3A_1342 = arith.constant 0 : i32
    %dma_wait3A_1343 = tpu.memref_slice %arg6[%add3A_1271, %dma_wait3A_1342] : memref<8192x1024xf32, #tpu.memory_space<hbm>> -> memref<16x1024xf32, #tpu.memory_space<hbm>>
    %dma_wait3A_1344 = arith.constant 0 : i32
    %dma_wait3A_1345 = tpu.memref_slice %arg6[%add3A_1271, %dma_wait3A_1344] : memref<8192x1024xf32, #tpu.memory_space<hbm>> -> memref<16x1024xf32, #tpu.memory_space<hbm>>
    %dma_wait3A_1346 = arith.constant 0 : i32
    %dma_wait3A_1347 = arith.constant 0 : i32
    %dma_wait3A_1348 = tpu.memref_slice %arg10[%dma_wait3A_1337, %dma_wait3A_1346, %dma_wait3A_1347] : memref<4x16x1024xf32, #tpu.memory_space<vmem>> -> memref<1x16x1024xf32, #tpu.memory_space<vmem>>
    %dma_wait3A_1349 = tpu.memref_squeeze %dma_wait3A_1348 : memref<1x16x1024xf32, #tpu.memory_space<vmem>> -> memref<16x1024xf32, #tpu.memory_space<vmem>>
    tpu.wait_dma2 semaphore(%arg12 : memref<!tpu.dma_semaphore, #tpu.memory_space<semaphore_mem>>) src(%dma_wait3A_1349 : memref<16x1024xf32, #tpu.memory_space<vmem>>) dst(%dma_wait3A_1345 : memref<16x1024xf32, #tpu.memory_space<hbm>>)
    %dma_start3A_1350 = arith.constant 0 : i32
    %dma_start3A_1351 = arith.constant 2 : i32
    %dma_start3A_1352 = arith.constant 0 : i32
    %dma_start3A_1353 = arith.constant 0 : i32
    %dma_start3A_1354 = tpu.memref_slice %arg10[%dma_start3A_1351, %dma_start3A_1352, %dma_start3A_1353] : memref<4x16x1024xf32, #tpu.memory_space<vmem>> -> memref<1x16x1024xf32, #tpu.memory_space<vmem>>
    %dma_start3A_1355 = tpu.memref_squeeze %dma_start3A_1354 : memref<1x16x1024xf32, #tpu.memory_space<vmem>> -> memref<16x1024xf32, #tpu.memory_space<vmem>>
    %dma_start3A_1356 = arith.constant 160 : i32
    %dma_start3A_1357 = tpu.memref_slice %arg9[%dma_start3A_1350, %dma_start3A_1356] : memref<1x256xi32, #tpu.memory_space<vmem>> -> memref<1x16xi32, #tpu.memory_space<vmem>>
    %dma_start3A_1358 = tpu.memref_squeeze %dma_start3A_1357 : memref<1x16xi32, #tpu.memory_space<vmem>> -> memref<16xi32, #tpu.memory_space<vmem>>
    %dma_start3A_1359 = arith.constant 0 : i32
    %dma_start3A_1360 = arith.constant 0 : i32
    %dma_start3A_1361 = tpu.memref_slice %arg4[%dma_start3A_1359, %dma_start3A_1360] : memref<50265x1024xf32, #tpu.memory_space<hbm>> -> memref<50265x1024xf32, #tpu.memory_space<hbm>>
    tpu.enqueue_indirect_dma source(%dma_start3A_1361 : memref<50265x1024xf32, #tpu.memory_space<hbm>>) target(%dma_start3A_1355 : memref<16x1024xf32, #tpu.memory_space<vmem>>) offsets(%dma_start3A_1358 : memref<16xi32, #tpu.memory_space<vmem>>) semaphore(%arg11 : memref<!tpu.dma_semaphore, #tpu.memory_space<semaphore_mem>>)
    %dma_wait3A_1362 = arith.constant 0 : i32
    %dma_wait3A_1363 = arith.constant 0 : i32
    %dma_wait3A_1364 = arith.constant 0 : i32
    %dma_wait3A_1365 = arith.constant 0 : i32
    %dma_wait3A_1366 = tpu.memref_slice %arg10[%dma_wait3A_1363, %dma_wait3A_1364, %dma_wait3A_1365] : memref<4x16x1024xf32, #tpu.memory_space<vmem>> -> memref<1x16x1024xf32, #tpu.memory_space<vmem>>
    %dma_wait3A_1367 = tpu.memref_squeeze %dma_wait3A_1366 : memref<1x16x1024xf32, #tpu.memory_space<vmem>> -> memref<16x1024xf32, #tpu.memory_space<vmem>>
    %dma_wait3A_1368 = arith.constant 128 : i32
    %dma_wait3A_1369 = tpu.memref_slice %arg9[%dma_wait3A_1362, %dma_wait3A_1368] : memref<1x256xi32, #tpu.memory_space<vmem>> -> memref<1x16xi32, #tpu.memory_space<vmem>>
    %dma_wait3A_1370 = tpu.memref_squeeze %dma_wait3A_1369 : memref<1x16xi32, #tpu.memory_space<vmem>> -> memref<16xi32, #tpu.memory_space<vmem>>
    %dma_wait3A_1371 = arith.constant 0 : i32
    %dma_wait3A_1372 = arith.constant 0 : i32
    %dma_wait3A_1373 = tpu.memref_slice %arg4[%dma_wait3A_1371, %dma_wait3A_1372] : memref<50265x1024xf32, #tpu.memory_space<hbm>> -> memref<50265x1024xf32, #tpu.memory_space<hbm>>
    tpu.wait_indirect_dma semaphore(%arg11 : memref<!tpu.dma_semaphore, #tpu.memory_space<semaphore_mem>>) src(%dma_wait3A_1373 : memref<50265x1024xf32, #tpu.memory_space<hbm>>) dst(%dma_wait3A_1367 : memref<16x1024xf32, #tpu.memory_space<vmem>>)
    %add3A_1374 = arith.constant 128 : i32
    %add3A_1375 = arith.addi %mul3A_34, %add3A_1374 : i32
    %dma_start3A_1376 = arith.constant 0 : i32
    %dma_start3A_1377 = arith.constant 0 : i32
    %dma_start3A_1378 = arith.constant 0 : i32
    %dma_start3A_1379 = tpu.memref_slice %arg10[%dma_start3A_1376, %dma_start3A_1377, %dma_start3A_1378] : memref<4x16x1024xf32, #tpu.memory_space<vmem>> -> memref<1x16x1024xf32, #tpu.memory_space<vmem>>
    %dma_start3A_1380 = tpu.memref_squeeze %dma_start3A_1379 : memref<1x16x1024xf32, #tpu.memory_space<vmem>> -> memref<16x1024xf32, #tpu.memory_space<vmem>>
    %dma_start3A_1381 = arith.constant 0 : i32
    %dma_start3A_1382 = tpu.memref_slice %arg6[%add3A_1375, %dma_start3A_1381] : memref<8192x1024xf32, #tpu.memory_space<hbm>> -> memref<16x1024xf32, #tpu.memory_space<hbm>>
    %dma_start3A_1383 = arith.constant 0 : i32
    %dma_start3A_1384 = tpu.memref_slice %arg6[%add3A_1375, %dma_start3A_1383] : memref<8192x1024xf32, #tpu.memory_space<hbm>> -> memref<16x1024xf32, #tpu.memory_space<hbm>>
    %dma_start3A_1385 = arith.constant 0 : i32
    %dma_start3A_1386 = arith.constant 0 : i32
    %dma_start3A_1387 = tpu.memref_slice %arg10[%dma_start3A_1376, %dma_start3A_1385, %dma_start3A_1386] : memref<4x16x1024xf32, #tpu.memory_space<vmem>> -> memref<1x16x1024xf32, #tpu.memory_space<vmem>>
    %dma_start3A_1388 = tpu.memref_squeeze %dma_start3A_1387 : memref<1x16x1024xf32, #tpu.memory_space<vmem>> -> memref<16x1024xf32, #tpu.memory_space<vmem>>
    tpu.enqueue_dma source(%dma_start3A_1388 : memref<16x1024xf32, #tpu.memory_space<vmem>>) target(%dma_start3A_1384 : memref<16x1024xf32, #tpu.memory_space<hbm>>) target_semaphore(%arg12 : memref<!tpu.dma_semaphore, #tpu.memory_space<semaphore_mem>>)
    %dma_wait3A_1389 = arith.constant 3 : i32
    %dma_wait3A_1390 = arith.constant 0 : i32
    %dma_wait3A_1391 = arith.constant 0 : i32
    %dma_wait3A_1392 = tpu.memref_slice %arg10[%dma_wait3A_1389, %dma_wait3A_1390, %dma_wait3A_1391] : memref<4x16x1024xf32, #tpu.memory_space<vmem>> -> memref<1x16x1024xf32, #tpu.memory_space<vmem>>
    %dma_wait3A_1393 = tpu.memref_squeeze %dma_wait3A_1392 : memref<1x16x1024xf32, #tpu.memory_space<vmem>> -> memref<16x1024xf32, #tpu.memory_space<vmem>>
    %dma_wait3A_1394 = arith.constant 0 : i32
    %dma_wait3A_1395 = tpu.memref_slice %arg6[%add3A_1323, %dma_wait3A_1394] : memref<8192x1024xf32, #tpu.memory_space<hbm>> -> memref<16x1024xf32, #tpu.memory_space<hbm>>
    %dma_wait3A_1396 = arith.constant 0 : i32
    %dma_wait3A_1397 = tpu.memref_slice %arg6[%add3A_1323, %dma_wait3A_1396] : memref<8192x1024xf32, #tpu.memory_space<hbm>> -> memref<16x1024xf32, #tpu.memory_space<hbm>>
    %dma_wait3A_1398 = arith.constant 0 : i32
    %dma_wait3A_1399 = arith.constant 0 : i32
    %dma_wait3A_1400 = tpu.memref_slice %arg10[%dma_wait3A_1389, %dma_wait3A_1398, %dma_wait3A_1399] : memref<4x16x1024xf32, #tpu.memory_space<vmem>> -> memref<1x16x1024xf32, #tpu.memory_space<vmem>>
    %dma_wait3A_1401 = tpu.memref_squeeze %dma_wait3A_1400 : memref<1x16x1024xf32, #tpu.memory_space<vmem>> -> memref<16x1024xf32, #tpu.memory_space<vmem>>
    tpu.wait_dma2 semaphore(%arg12 : memref<!tpu.dma_semaphore, #tpu.memory_space<semaphore_mem>>) src(%dma_wait3A_1401 : memref<16x1024xf32, #tpu.memory_space<vmem>>) dst(%dma_wait3A_1397 : memref<16x1024xf32, #tpu.memory_space<hbm>>)
    %dma_start3A_1402 = arith.constant 0 : i32
    %dma_start3A_1403 = arith.constant 3 : i32
    %dma_start3A_1404 = arith.constant 0 : i32
    %dma_start3A_1405 = arith.constant 0 : i32
    %dma_start3A_1406 = tpu.memref_slice %arg10[%dma_start3A_1403, %dma_start3A_1404, %dma_start3A_1405] : memref<4x16x1024xf32, #tpu.memory_space<vmem>> -> memref<1x16x1024xf32, #tpu.memory_space<vmem>>
    %dma_start3A_1407 = tpu.memref_squeeze %dma_start3A_1406 : memref<1x16x1024xf32, #tpu.memory_space<vmem>> -> memref<16x1024xf32, #tpu.memory_space<vmem>>
    %dma_start3A_1408 = arith.constant 176 : i32
    %dma_start3A_1409 = tpu.memref_slice %arg9[%dma_start3A_1402, %dma_start3A_1408] : memref<1x256xi32, #tpu.memory_space<vmem>> -> memref<1x16xi32, #tpu.memory_space<vmem>>
    %dma_start3A_1410 = tpu.memref_squeeze %dma_start3A_1409 : memref<1x16xi32, #tpu.memory_space<vmem>> -> memref<16xi32, #tpu.memory_space<vmem>>
    %dma_start3A_1411 = arith.constant 0 : i32
    %dma_start3A_1412 = arith.constant 0 : i32
    %dma_start3A_1413 = tpu.memref_slice %arg4[%dma_start3A_1411, %dma_start3A_1412] : memref<50265x1024xf32, #tpu.memory_space<hbm>> -> memref<50265x1024xf32, #tpu.memory_space<hbm>>
    tpu.enqueue_indirect_dma source(%dma_start3A_1413 : memref<50265x1024xf32, #tpu.memory_space<hbm>>) target(%dma_start3A_1407 : memref<16x1024xf32, #tpu.memory_space<vmem>>) offsets(%dma_start3A_1410 : memref<16xi32, #tpu.memory_space<vmem>>) semaphore(%arg11 : memref<!tpu.dma_semaphore, #tpu.memory_space<semaphore_mem>>)
    %dma_wait3A_1414 = arith.constant 0 : i32
    %dma_wait3A_1415 = arith.constant 1 : i32
    %dma_wait3A_1416 = arith.constant 0 : i32
    %dma_wait3A_1417 = arith.constant 0 : i32
    %dma_wait3A_1418 = tpu.memref_slice %arg10[%dma_wait3A_1415, %dma_wait3A_1416, %dma_wait3A_1417] : memref<4x16x1024xf32, #tpu.memory_space<vmem>> -> memref<1x16x1024xf32, #tpu.memory_space<vmem>>
    %dma_wait3A_1419 = tpu.memref_squeeze %dma_wait3A_1418 : memref<1x16x1024xf32, #tpu.memory_space<vmem>> -> memref<16x1024xf32, #tpu.memory_space<vmem>>
    %dma_wait3A_1420 = arith.constant 144 : i32
    %dma_wait3A_1421 = tpu.memref_slice %arg9[%dma_wait3A_1414, %dma_wait3A_1420] : memref<1x256xi32, #tpu.memory_space<vmem>> -> memref<1x16xi32, #tpu.memory_space<vmem>>
    %dma_wait3A_1422 = tpu.memref_squeeze %dma_wait3A_1421 : memref<1x16xi32, #tpu.memory_space<vmem>> -> memref<16xi32, #tpu.memory_space<vmem>>
    %dma_wait3A_1423 = arith.constant 0 : i32
    %dma_wait3A_1424 = arith.constant 0 : i32
    %dma_wait3A_1425 = tpu.memref_slice %arg4[%dma_wait3A_1423, %dma_wait3A_1424] : memref<50265x1024xf32, #tpu.memory_space<hbm>> -> memref<50265x1024xf32, #tpu.memory_space<hbm>>
    tpu.wait_indirect_dma semaphore(%arg11 : memref<!tpu.dma_semaphore, #tpu.memory_space<semaphore_mem>>) src(%dma_wait3A_1425 : memref<50265x1024xf32, #tpu.memory_space<hbm>>) dst(%dma_wait3A_1419 : memref<16x1024xf32, #tpu.memory_space<vmem>>)
    %add3A_1426 = arith.constant 144 : i32
    %add3A_1427 = arith.addi %mul3A_34, %add3A_1426 : i32
    %dma_start3A_1428 = arith.constant 1 : i32
    %dma_start3A_1429 = arith.constant 0 : i32
    %dma_start3A_1430 = arith.constant 0 : i32
    %dma_start3A_1431 = tpu.memref_slice %arg10[%dma_start3A_1428, %dma_start3A_1429, %dma_start3A_1430] : memref<4x16x1024xf32, #tpu.memory_space<vmem>> -> memref<1x16x1024xf32, #tpu.memory_space<vmem>>
    %dma_start3A_1432 = tpu.memref_squeeze %dma_start3A_1431 : memref<1x16x1024xf32, #tpu.memory_space<vmem>> -> memref<16x1024xf32, #tpu.memory_space<vmem>>
    %dma_start3A_1433 = arith.constant 0 : i32
    %dma_start3A_1434 = tpu.memref_slice %arg6[%add3A_1427, %dma_start3A_1433] : memref<8192x1024xf32, #tpu.memory_space<hbm>> -> memref<16x1024xf32, #tpu.memory_space<hbm>>
    %dma_start3A_1435 = arith.constant 0 : i32
    %dma_start3A_1436 = tpu.memref_slice %arg6[%add3A_1427, %dma_start3A_1435] : memref<8192x1024xf32, #tpu.memory_space<hbm>> -> memref<16x1024xf32, #tpu.memory_space<hbm>>
    %dma_start3A_1437 = arith.constant 0 : i32
    %dma_start3A_1438 = arith.constant 0 : i32
    %dma_start3A_1439 = tpu.memref_slice %arg10[%dma_start3A_1428, %dma_start3A_1437, %dma_start3A_1438] : memref<4x16x1024xf32, #tpu.memory_space<vmem>> -> memref<1x16x1024xf32, #tpu.memory_space<vmem>>
    %dma_start3A_1440 = tpu.memref_squeeze %dma_start3A_1439 : memref<1x16x1024xf32, #tpu.memory_space<vmem>> -> memref<16x1024xf32, #tpu.memory_space<vmem>>
    tpu.enqueue_dma source(%dma_start3A_1440 : memref<16x1024xf32, #tpu.memory_space<vmem>>) target(%dma_start3A_1436 : memref<16x1024xf32, #tpu.memory_space<hbm>>) target_semaphore(%arg12 : memref<!tpu.dma_semaphore, #tpu.memory_space<semaphore_mem>>)
    %dma_wait3A_1441 = arith.constant 0 : i32
    %dma_wait3A_1442 = arith.constant 0 : i32
    %dma_wait3A_1443 = arith.constant 0 : i32
    %dma_wait3A_1444 = tpu.memref_slice %arg10[%dma_wait3A_1441, %dma_wait3A_1442, %dma_wait3A_1443] : memref<4x16x1024xf32, #tpu.memory_space<vmem>> -> memref<1x16x1024xf32, #tpu.memory_space<vmem>>
    %dma_wait3A_1445 = tpu.memref_squeeze %dma_wait3A_1444 : memref<1x16x1024xf32, #tpu.memory_space<vmem>> -> memref<16x1024xf32, #tpu.memory_space<vmem>>
    %dma_wait3A_1446 = arith.constant 0 : i32
    %dma_wait3A_1447 = tpu.memref_slice %arg6[%add3A_1375, %dma_wait3A_1446] : memref<8192x1024xf32, #tpu.memory_space<hbm>> -> memref<16x1024xf32, #tpu.memory_space<hbm>>
    %dma_wait3A_1448 = arith.constant 0 : i32
    %dma_wait3A_1449 = tpu.memref_slice %arg6[%add3A_1375, %dma_wait3A_1448] : memref<8192x1024xf32, #tpu.memory_space<hbm>> -> memref<16x1024xf32, #tpu.memory_space<hbm>>
    %dma_wait3A_1450 = arith.constant 0 : i32
    %dma_wait3A_1451 = arith.constant 0 : i32
    %dma_wait3A_1452 = tpu.memref_slice %arg10[%dma_wait3A_1441, %dma_wait3A_1450, %dma_wait3A_1451] : memref<4x16x1024xf32, #tpu.memory_space<vmem>> -> memref<1x16x1024xf32, #tpu.memory_space<vmem>>
    %dma_wait3A_1453 = tpu.memref_squeeze %dma_wait3A_1452 : memref<1x16x1024xf32, #tpu.memory_space<vmem>> -> memref<16x1024xf32, #tpu.memory_space<vmem>>
    tpu.wait_dma2 semaphore(%arg12 : memref<!tpu.dma_semaphore, #tpu.memory_space<semaphore_mem>>) src(%dma_wait3A_1453 : memref<16x1024xf32, #tpu.memory_space<vmem>>) dst(%dma_wait3A_1449 : memref<16x1024xf32, #tpu.memory_space<hbm>>)
    %dma_start3A_1454 = arith.constant 0 : i32
    %dma_start3A_1455 = arith.constant 0 : i32
    %dma_start3A_1456 = arith.constant 0 : i32
    %dma_start3A_1457 = arith.constant 0 : i32
    %dma_start3A_1458 = tpu.memref_slice %arg10[%dma_start3A_1455, %dma_start3A_1456, %dma_start3A_1457] : memref<4x16x1024xf32, #tpu.memory_space<vmem>> -> memref<1x16x1024xf32, #tpu.memory_space<vmem>>
    %dma_start3A_1459 = tpu.memref_squeeze %dma_start3A_1458 : memref<1x16x1024xf32, #tpu.memory_space<vmem>> -> memref<16x1024xf32, #tpu.memory_space<vmem>>
    %dma_start3A_1460 = arith.constant 192 : i32
    %dma_start3A_1461 = tpu.memref_slice %arg9[%dma_start3A_1454, %dma_start3A_1460] : memref<1x256xi32, #tpu.memory_space<vmem>> -> memref<1x16xi32, #tpu.memory_space<vmem>>
    %dma_start3A_1462 = tpu.memref_squeeze %dma_start3A_1461 : memref<1x16xi32, #tpu.memory_space<vmem>> -> memref<16xi32, #tpu.memory_space<vmem>>
    %dma_start3A_1463 = arith.constant 0 : i32
    %dma_start3A_1464 = arith.constant 0 : i32
    %dma_start3A_1465 = tpu.memref_slice %arg4[%dma_start3A_1463, %dma_start3A_1464] : memref<50265x1024xf32, #tpu.memory_space<hbm>> -> memref<50265x1024xf32, #tpu.memory_space<hbm>>
    tpu.enqueue_indirect_dma source(%dma_start3A_1465 : memref<50265x1024xf32, #tpu.memory_space<hbm>>) target(%dma_start3A_1459 : memref<16x1024xf32, #tpu.memory_space<vmem>>) offsets(%dma_start3A_1462 : memref<16xi32, #tpu.memory_space<vmem>>) semaphore(%arg11 : memref<!tpu.dma_semaphore, #tpu.memory_space<semaphore_mem>>)
    %dma_wait3A_1466 = arith.constant 0 : i32
    %dma_wait3A_1467 = arith.constant 2 : i32
    %dma_wait3A_1468 = arith.constant 0 : i32
    %dma_wait3A_1469 = arith.constant 0 : i32
    %dma_wait3A_1470 = tpu.memref_slice %arg10[%dma_wait3A_1467, %dma_wait3A_1468, %dma_wait3A_1469] : memref<4x16x1024xf32, #tpu.memory_space<vmem>> -> memref<1x16x1024xf32, #tpu.memory_space<vmem>>
    %dma_wait3A_1471 = tpu.memref_squeeze %dma_wait3A_1470 : memref<1x16x1024xf32, #tpu.memory_space<vmem>> -> memref<16x1024xf32, #tpu.memory_space<vmem>>
    %dma_wait3A_1472 = arith.constant 160 : i32
    %dma_wait3A_1473 = tpu.memref_slice %arg9[%dma_wait3A_1466, %dma_wait3A_1472] : memref<1x256xi32, #tpu.memory_space<vmem>> -> memref<1x16xi32, #tpu.memory_space<vmem>>
    %dma_wait3A_1474 = tpu.memref_squeeze %dma_wait3A_1473 : memref<1x16xi32, #tpu.memory_space<vmem>> -> memref<16xi32, #tpu.memory_space<vmem>>
    %dma_wait3A_1475 = arith.constant 0 : i32
    %dma_wait3A_1476 = arith.constant 0 : i32
    %dma_wait3A_1477 = tpu.memref_slice %arg4[%dma_wait3A_1475, %dma_wait3A_1476] : memref<50265x1024xf32, #tpu.memory_space<hbm>> -> memref<50265x1024xf32, #tpu.memory_space<hbm>>
    tpu.wait_indirect_dma semaphore(%arg11 : memref<!tpu.dma_semaphore, #tpu.memory_space<semaphore_mem>>) src(%dma_wait3A_1477 : memref<50265x1024xf32, #tpu.memory_space<hbm>>) dst(%dma_wait3A_1471 : memref<16x1024xf32, #tpu.memory_space<vmem>>)
    %add3A_1478 = arith.constant 160 : i32
    %add3A_1479 = arith.addi %mul3A_34, %add3A_1478 : i32
    %dma_start3A_1480 = arith.constant 2 : i32
    %dma_start3A_1481 = arith.constant 0 : i32
    %dma_start3A_1482 = arith.constant 0 : i32
    %dma_start3A_1483 = tpu.memref_slice %arg10[%dma_start3A_1480, %dma_start3A_1481, %dma_start3A_1482] : memref<4x16x1024xf32, #tpu.memory_space<vmem>> -> memref<1x16x1024xf32, #tpu.memory_space<vmem>>
    %dma_start3A_1484 = tpu.memref_squeeze %dma_start3A_1483 : memref<1x16x1024xf32, #tpu.memory_space<vmem>> -> memref<16x1024xf32, #tpu.memory_space<vmem>>
    %dma_start3A_1485 = arith.constant 0 : i32
    %dma_start3A_1486 = tpu.memref_slice %arg6[%add3A_1479, %dma_start3A_1485] : memref<8192x1024xf32, #tpu.memory_space<hbm>> -> memref<16x1024xf32, #tpu.memory_space<hbm>>
    %dma_start3A_1487 = arith.constant 0 : i32
    %dma_start3A_1488 = tpu.memref_slice %arg6[%add3A_1479, %dma_start3A_1487] : memref<8192x1024xf32, #tpu.memory_space<hbm>> -> memref<16x1024xf32, #tpu.memory_space<hbm>>
    %dma_start3A_1489 = arith.constant 0 : i32
    %dma_start3A_1490 = arith.constant 0 : i32
    %dma_start3A_1491 = tpu.memref_slice %arg10[%dma_start3A_1480, %dma_start3A_1489, %dma_start3A_1490] : memref<4x16x1024xf32, #tpu.memory_space<vmem>> -> memref<1x16x1024xf32, #tpu.memory_space<vmem>>
    %dma_start3A_1492 = tpu.memref_squeeze %dma_start3A_1491 : memref<1x16x1024xf32, #tpu.memory_space<vmem>> -> memref<16x1024xf32, #tpu.memory_space<vmem>>
    tpu.enqueue_dma source(%dma_start3A_1492 : memref<16x1024xf32, #tpu.memory_space<vmem>>) target(%dma_start3A_1488 : memref<16x1024xf32, #tpu.memory_space<hbm>>) target_semaphore(%arg12 : memref<!tpu.dma_semaphore, #tpu.memory_space<semaphore_mem>>)
    %dma_wait3A_1493 = arith.constant 1 : i32
    %dma_wait3A_1494 = arith.constant 0 : i32
    %dma_wait3A_1495 = arith.constant 0 : i32
    %dma_wait3A_1496 = tpu.memref_slice %arg10[%dma_wait3A_1493, %dma_wait3A_1494, %dma_wait3A_1495] : memref<4x16x1024xf32, #tpu.memory_space<vmem>> -> memref<1x16x1024xf32, #tpu.memory_space<vmem>>
    %dma_wait3A_1497 = tpu.memref_squeeze %dma_wait3A_1496 : memref<1x16x1024xf32, #tpu.memory_space<vmem>> -> memref<16x1024xf32, #tpu.memory_space<vmem>>
    %dma_wait3A_1498 = arith.constant 0 : i32
    %dma_wait3A_1499 = tpu.memref_slice %arg6[%add3A_1427, %dma_wait3A_1498] : memref<8192x1024xf32, #tpu.memory_space<hbm>> -> memref<16x1024xf32, #tpu.memory_space<hbm>>
    %dma_wait3A_1500 = arith.constant 0 : i32
    %dma_wait3A_1501 = tpu.memref_slice %arg6[%add3A_1427, %dma_wait3A_1500] : memref<8192x1024xf32, #tpu.memory_space<hbm>> -> memref<16x1024xf32, #tpu.memory_space<hbm>>
    %dma_wait3A_1502 = arith.constant 0 : i32
    %dma_wait3A_1503 = arith.constant 0 : i32
    %dma_wait3A_1504 = tpu.memref_slice %arg10[%dma_wait3A_1493, %dma_wait3A_1502, %dma_wait3A_1503] : memref<4x16x1024xf32, #tpu.memory_space<vmem>> -> memref<1x16x1024xf32, #tpu.memory_space<vmem>>
    %dma_wait3A_1505 = tpu.memref_squeeze %dma_wait3A_1504 : memref<1x16x1024xf32, #tpu.memory_space<vmem>> -> memref<16x1024xf32, #tpu.memory_space<vmem>>
    tpu.wait_dma2 semaphore(%arg12 : memref<!tpu.dma_semaphore, #tpu.memory_space<semaphore_mem>>) src(%dma_wait3A_1505 : memref<16x1024xf32, #tpu.memory_space<vmem>>) dst(%dma_wait3A_1501 : memref<16x1024xf32, #tpu.memory_space<hbm>>)
    %dma_start3A_1506 = arith.constant 0 : i32
    %dma_start3A_1507 = arith.constant 1 : i32
    %dma_start3A_1508 = arith.constant 0 : i32
    %dma_start3A_1509 = arith.constant 0 : i32
    %dma_start3A_1510 = tpu.memref_slice %arg10[%dma_start3A_1507, %dma_start3A_1508, %dma_start3A_1509] : memref<4x16x1024xf32, #tpu.memory_space<vmem>> -> memref<1x16x1024xf32, #tpu.memory_space<vmem>>
    %dma_start3A_1511 = tpu.memref_squeeze %dma_start3A_1510 : memref<1x16x1024xf32, #tpu.memory_space<vmem>> -> memref<16x1024xf32, #tpu.memory_space<vmem>>
    %dma_start3A_1512 = arith.constant 208 : i32
    %dma_start3A_1513 = tpu.memref_slice %arg9[%dma_start3A_1506, %dma_start3A_1512] : memref<1x256xi32, #tpu.memory_space<vmem>> -> memref<1x16xi32, #tpu.memory_space<vmem>>
    %dma_start3A_1514 = tpu.memref_squeeze %dma_start3A_1513 : memref<1x16xi32, #tpu.memory_space<vmem>> -> memref<16xi32, #tpu.memory_space<vmem>>
    %dma_start3A_1515 = arith.constant 0 : i32
    %dma_start3A_1516 = arith.constant 0 : i32
    %dma_start3A_1517 = tpu.memref_slice %arg4[%dma_start3A_1515, %dma_start3A_1516] : memref<50265x1024xf32, #tpu.memory_space<hbm>> -> memref<50265x1024xf32, #tpu.memory_space<hbm>>
    tpu.enqueue_indirect_dma source(%dma_start3A_1517 : memref<50265x1024xf32, #tpu.memory_space<hbm>>) target(%dma_start3A_1511 : memref<16x1024xf32, #tpu.memory_space<vmem>>) offsets(%dma_start3A_1514 : memref<16xi32, #tpu.memory_space<vmem>>) semaphore(%arg11 : memref<!tpu.dma_semaphore, #tpu.memory_space<semaphore_mem>>)
    %dma_wait3A_1518 = arith.constant 0 : i32
    %dma_wait3A_1519 = arith.constant 3 : i32
    %dma_wait3A_1520 = arith.constant 0 : i32
    %dma_wait3A_1521 = arith.constant 0 : i32
    %dma_wait3A_1522 = tpu.memref_slice %arg10[%dma_wait3A_1519, %dma_wait3A_1520, %dma_wait3A_1521] : memref<4x16x1024xf32, #tpu.memory_space<vmem>> -> memref<1x16x1024xf32, #tpu.memory_space<vmem>>
    %dma_wait3A_1523 = tpu.memref_squeeze %dma_wait3A_1522 : memref<1x16x1024xf32, #tpu.memory_space<vmem>> -> memref<16x1024xf32, #tpu.memory_space<vmem>>
    %dma_wait3A_1524 = arith.constant 176 : i32
    %dma_wait3A_1525 = tpu.memref_slice %arg9[%dma_wait3A_1518, %dma_wait3A_1524] : memref<1x256xi32, #tpu.memory_space<vmem>> -> memref<1x16xi32, #tpu.memory_space<vmem>>
    %dma_wait3A_1526 = tpu.memref_squeeze %dma_wait3A_1525 : memref<1x16xi32, #tpu.memory_space<vmem>> -> memref<16xi32, #tpu.memory_space<vmem>>
    %dma_wait3A_1527 = arith.constant 0 : i32
    %dma_wait3A_1528 = arith.constant 0 : i32
    %dma_wait3A_1529 = tpu.memref_slice %arg4[%dma_wait3A_1527, %dma_wait3A_1528] : memref<50265x1024xf32, #tpu.memory_space<hbm>> -> memref<50265x1024xf32, #tpu.memory_space<hbm>>
    tpu.wait_indirect_dma semaphore(%arg11 : memref<!tpu.dma_semaphore, #tpu.memory_space<semaphore_mem>>) src(%dma_wait3A_1529 : memref<50265x1024xf32, #tpu.memory_space<hbm>>) dst(%dma_wait3A_1523 : memref<16x1024xf32, #tpu.memory_space<vmem>>)
    %add3A_1530 = arith.constant 176 : i32
    %add3A_1531 = arith.addi %mul3A_34, %add3A_1530 : i32
    %dma_start3A_1532 = arith.constant 3 : i32
    %dma_start3A_1533 = arith.constant 0 : i32
    %dma_start3A_1534 = arith.constant 0 : i32
    %dma_start3A_1535 = tpu.memref_slice %arg10[%dma_start3A_1532, %dma_start3A_1533, %dma_start3A_1534] : memref<4x16x1024xf32, #tpu.memory_space<vmem>> -> memref<1x16x1024xf32, #tpu.memory_space<vmem>>
    %dma_start3A_1536 = tpu.memref_squeeze %dma_start3A_1535 : memref<1x16x1024xf32, #tpu.memory_space<vmem>> -> memref<16x1024xf32, #tpu.memory_space<vmem>>
    %dma_start3A_1537 = arith.constant 0 : i32
    %dma_start3A_1538 = tpu.memref_slice %arg6[%add3A_1531, %dma_start3A_1537] : memref<8192x1024xf32, #tpu.memory_space<hbm>> -> memref<16x1024xf32, #tpu.memory_space<hbm>>
    %dma_start3A_1539 = arith.constant 0 : i32
    %dma_start3A_1540 = tpu.memref_slice %arg6[%add3A_1531, %dma_start3A_1539] : memref<8192x1024xf32, #tpu.memory_space<hbm>> -> memref<16x1024xf32, #tpu.memory_space<hbm>>
    %dma_start3A_1541 = arith.constant 0 : i32
    %dma_start3A_1542 = arith.constant 0 : i32
    %dma_start3A_1543 = tpu.memref_slice %arg10[%dma_start3A_1532, %dma_start3A_1541, %dma_start3A_1542] : memref<4x16x1024xf32, #tpu.memory_space<vmem>> -> memref<1x16x1024xf32, #tpu.memory_space<vmem>>
    %dma_start3A_1544 = tpu.memref_squeeze %dma_start3A_1543 : memref<1x16x1024xf32, #tpu.memory_space<vmem>> -> memref<16x1024xf32, #tpu.memory_space<vmem>>
    tpu.enqueue_dma source(%dma_start3A_1544 : memref<16x1024xf32, #tpu.memory_space<vmem>>) target(%dma_start3A_1540 : memref<16x1024xf32, #tpu.memory_space<hbm>>) target_semaphore(%arg12 : memref<!tpu.dma_semaphore, #tpu.memory_space<semaphore_mem>>)
    %dma_wait3A_1545 = arith.constant 2 : i32
    %dma_wait3A_1546 = arith.constant 0 : i32
    %dma_wait3A_1547 = arith.constant 0 : i32
    %dma_wait3A_1548 = tpu.memref_slice %arg10[%dma_wait3A_1545, %dma_wait3A_1546, %dma_wait3A_1547] : memref<4x16x1024xf32, #tpu.memory_space<vmem>> -> memref<1x16x1024xf32, #tpu.memory_space<vmem>>
    %dma_wait3A_1549 = tpu.memref_squeeze %dma_wait3A_1548 : memref<1x16x1024xf32, #tpu.memory_space<vmem>> -> memref<16x1024xf32, #tpu.memory_space<vmem>>
    %dma_wait3A_1550 = arith.constant 0 : i32
    %dma_wait3A_1551 = tpu.memref_slice %arg6[%add3A_1479, %dma_wait3A_1550] : memref<8192x1024xf32, #tpu.memory_space<hbm>> -> memref<16x1024xf32, #tpu.memory_space<hbm>>
    %dma_wait3A_1552 = arith.constant 0 : i32
    %dma_wait3A_1553 = tpu.memref_slice %arg6[%add3A_1479, %dma_wait3A_1552] : memref<8192x1024xf32, #tpu.memory_space<hbm>> -> memref<16x1024xf32, #tpu.memory_space<hbm>>
    %dma_wait3A_1554 = arith.constant 0 : i32
    %dma_wait3A_1555 = arith.constant 0 : i32
    %dma_wait3A_1556 = tpu.memref_slice %arg10[%dma_wait3A_1545, %dma_wait3A_1554, %dma_wait3A_1555] : memref<4x16x1024xf32, #tpu.memory_space<vmem>> -> memref<1x16x1024xf32, #tpu.memory_space<vmem>>
    %dma_wait3A_1557 = tpu.memref_squeeze %dma_wait3A_1556 : memref<1x16x1024xf32, #tpu.memory_space<vmem>> -> memref<16x1024xf32, #tpu.memory_space<vmem>>
    tpu.wait_dma2 semaphore(%arg12 : memref<!tpu.dma_semaphore, #tpu.memory_space<semaphore_mem>>) src(%dma_wait3A_1557 : memref<16x1024xf32, #tpu.memory_space<vmem>>) dst(%dma_wait3A_1553 : memref<16x1024xf32, #tpu.memory_space<hbm>>)
    %dma_start3A_1558 = arith.constant 0 : i32
    %dma_start3A_1559 = arith.constant 2 : i32
    %dma_start3A_1560 = arith.constant 0 : i32
    %dma_start3A_1561 = arith.constant 0 : i32
    %dma_start3A_1562 = tpu.memref_slice %arg10[%dma_start3A_1559, %dma_start3A_1560, %dma_start3A_1561] : memref<4x16x1024xf32, #tpu.memory_space<vmem>> -> memref<1x16x1024xf32, #tpu.memory_space<vmem>>
    %dma_start3A_1563 = tpu.memref_squeeze %dma_start3A_1562 : memref<1x16x1024xf32, #tpu.memory_space<vmem>> -> memref<16x1024xf32, #tpu.memory_space<vmem>>
    %dma_start3A_1564 = arith.constant 224 : i32
    %dma_start3A_1565 = tpu.memref_slice %arg9[%dma_start3A_1558, %dma_start3A_1564] : memref<1x256xi32, #tpu.memory_space<vmem>> -> memref<1x16xi32, #tpu.memory_space<vmem>>
    %dma_start3A_1566 = tpu.memref_squeeze %dma_start3A_1565 : memref<1x16xi32, #tpu.memory_space<vmem>> -> memref<16xi32, #tpu.memory_space<vmem>>
    %dma_start3A_1567 = arith.constant 0 : i32
    %dma_start3A_1568 = arith.constant 0 : i32
    %dma_start3A_1569 = tpu.memref_slice %arg4[%dma_start3A_1567, %dma_start3A_1568] : memref<50265x1024xf32, #tpu.memory_space<hbm>> -> memref<50265x1024xf32, #tpu.memory_space<hbm>>
    tpu.enqueue_indirect_dma source(%dma_start3A_1569 : memref<50265x1024xf32, #tpu.memory_space<hbm>>) target(%dma_start3A_1563 : memref<16x1024xf32, #tpu.memory_space<vmem>>) offsets(%dma_start3A_1566 : memref<16xi32, #tpu.memory_space<vmem>>) semaphore(%arg11 : memref<!tpu.dma_semaphore, #tpu.memory_space<semaphore_mem>>)
    %dma_wait3A_1570 = arith.constant 0 : i32
    %dma_wait3A_1571 = arith.constant 0 : i32
    %dma_wait3A_1572 = arith.constant 0 : i32
    %dma_wait3A_1573 = arith.constant 0 : i32
    %dma_wait3A_1574 = tpu.memref_slice %arg10[%dma_wait3A_1571, %dma_wait3A_1572, %dma_wait3A_1573] : memref<4x16x1024xf32, #tpu.memory_space<vmem>> -> memref<1x16x1024xf32, #tpu.memory_space<vmem>>
    %dma_wait3A_1575 = tpu.memref_squeeze %dma_wait3A_1574 : memref<1x16x1024xf32, #tpu.memory_space<vmem>> -> memref<16x1024xf32, #tpu.memory_space<vmem>>
    %dma_wait3A_1576 = arith.constant 192 : i32
    %dma_wait3A_1577 = tpu.memref_slice %arg9[%dma_wait3A_1570, %dma_wait3A_1576] : memref<1x256xi32, #tpu.memory_space<vmem>> -> memref<1x16xi32, #tpu.memory_space<vmem>>
    %dma_wait3A_1578 = tpu.memref_squeeze %dma_wait3A_1577 : memref<1x16xi32, #tpu.memory_space<vmem>> -> memref<16xi32, #tpu.memory_space<vmem>>
    %dma_wait3A_1579 = arith.constant 0 : i32
    %dma_wait3A_1580 = arith.constant 0 : i32
    %dma_wait3A_1581 = tpu.memref_slice %arg4[%dma_wait3A_1579, %dma_wait3A_1580] : memref<50265x1024xf32, #tpu.memory_space<hbm>> -> memref<50265x1024xf32, #tpu.memory_space<hbm>>
    tpu.wait_indirect_dma semaphore(%arg11 : memref<!tpu.dma_semaphore, #tpu.memory_space<semaphore_mem>>) src(%dma_wait3A_1581 : memref<50265x1024xf32, #tpu.memory_space<hbm>>) dst(%dma_wait3A_1575 : memref<16x1024xf32, #tpu.memory_space<vmem>>)
    %add3A_1582 = arith.constant 192 : i32
    %add3A_1583 = arith.addi %mul3A_34, %add3A_1582 : i32
    %dma_start3A_1584 = arith.constant 0 : i32
    %dma_start3A_1585 = arith.constant 0 : i32
    %dma_start3A_1586 = arith.constant 0 : i32
    %dma_start3A_1587 = tpu.memref_slice %arg10[%dma_start3A_1584, %dma_start3A_1585, %dma_start3A_1586] : memref<4x16x1024xf32, #tpu.memory_space<vmem>> -> memref<1x16x1024xf32, #tpu.memory_space<vmem>>
    %dma_start3A_1588 = tpu.memref_squeeze %dma_start3A_1587 : memref<1x16x1024xf32, #tpu.memory_space<vmem>> -> memref<16x1024xf32, #tpu.memory_space<vmem>>
    %dma_start3A_1589 = arith.constant 0 : i32
    %dma_start3A_1590 = tpu.memref_slice %arg6[%add3A_1583, %dma_start3A_1589] : memref<8192x1024xf32, #tpu.memory_space<hbm>> -> memref<16x1024xf32, #tpu.memory_space<hbm>>
    %dma_start3A_1591 = arith.constant 0 : i32
    %dma_start3A_1592 = tpu.memref_slice %arg6[%add3A_1583, %dma_start3A_1591] : memref<8192x1024xf32, #tpu.memory_space<hbm>> -> memref<16x1024xf32, #tpu.memory_space<hbm>>
    %dma_start3A_1593 = arith.constant 0 : i32
    %dma_start3A_1594 = arith.constant 0 : i32
    %dma_start3A_1595 = tpu.memref_slice %arg10[%dma_start3A_1584, %dma_start3A_1593, %dma_start3A_1594] : memref<4x16x1024xf32, #tpu.memory_space<vmem>> -> memref<1x16x1024xf32, #tpu.memory_space<vmem>>
    %dma_start3A_1596 = tpu.memref_squeeze %dma_start3A_1595 : memref<1x16x1024xf32, #tpu.memory_space<vmem>> -> memref<16x1024xf32, #tpu.memory_space<vmem>>
    tpu.enqueue_dma source(%dma_start3A_1596 : memref<16x1024xf32, #tpu.memory_space<vmem>>) target(%dma_start3A_1592 : memref<16x1024xf32, #tpu.memory_space<hbm>>) target_semaphore(%arg12 : memref<!tpu.dma_semaphore, #tpu.memory_space<semaphore_mem>>)
    %dma_wait3A_1597 = arith.constant 3 : i32
    %dma_wait3A_1598 = arith.constant 0 : i32
    %dma_wait3A_1599 = arith.constant 0 : i32
    %dma_wait3A_1600 = tpu.memref_slice %arg10[%dma_wait3A_1597, %dma_wait3A_1598, %dma_wait3A_1599] : memref<4x16x1024xf32, #tpu.memory_space<vmem>> -> memref<1x16x1024xf32, #tpu.memory_space<vmem>>
    %dma_wait3A_1601 = tpu.memref_squeeze %dma_wait3A_1600 : memref<1x16x1024xf32, #tpu.memory_space<vmem>> -> memref<16x1024xf32, #tpu.memory_space<vmem>>
    %dma_wait3A_1602 = arith.constant 0 : i32
    %dma_wait3A_1603 = tpu.memref_slice %arg6[%add3A_1531, %dma_wait3A_1602] : memref<8192x1024xf32, #tpu.memory_space<hbm>> -> memref<16x1024xf32, #tpu.memory_space<hbm>>
    %dma_wait3A_1604 = arith.constant 0 : i32
    %dma_wait3A_1605 = tpu.memref_slice %arg6[%add3A_1531, %dma_wait3A_1604] : memref<8192x1024xf32, #tpu.memory_space<hbm>> -> memref<16x1024xf32, #tpu.memory_space<hbm>>
    %dma_wait3A_1606 = arith.constant 0 : i32
    %dma_wait3A_1607 = arith.constant 0 : i32
    %dma_wait3A_1608 = tpu.memref_slice %arg10[%dma_wait3A_1597, %dma_wait3A_1606, %dma_wait3A_1607] : memref<4x16x1024xf32, #tpu.memory_space<vmem>> -> memref<1x16x1024xf32, #tpu.memory_space<vmem>>
    %dma_wait3A_1609 = tpu.memref_squeeze %dma_wait3A_1608 : memref<1x16x1024xf32, #tpu.memory_space<vmem>> -> memref<16x1024xf32, #tpu.memory_space<vmem>>
    tpu.wait_dma2 semaphore(%arg12 : memref<!tpu.dma_semaphore, #tpu.memory_space<semaphore_mem>>) src(%dma_wait3A_1609 : memref<16x1024xf32, #tpu.memory_space<vmem>>) dst(%dma_wait3A_1605 : memref<16x1024xf32, #tpu.memory_space<hbm>>)
    %dma_start3A_1610 = arith.constant 0 : i32
    %dma_start3A_1611 = arith.constant 3 : i32
    %dma_start3A_1612 = arith.constant 0 : i32
    %dma_start3A_1613 = arith.constant 0 : i32
    %dma_start3A_1614 = tpu.memref_slice %arg10[%dma_start3A_1611, %dma_start3A_1612, %dma_start3A_1613] : memref<4x16x1024xf32, #tpu.memory_space<vmem>> -> memref<1x16x1024xf32, #tpu.memory_space<vmem>>
    %dma_start3A_1615 = tpu.memref_squeeze %dma_start3A_1614 : memref<1x16x1024xf32, #tpu.memory_space<vmem>> -> memref<16x1024xf32, #tpu.memory_space<vmem>>
    %dma_start3A_1616 = arith.constant 240 : i32
    %dma_start3A_1617 = tpu.memref_slice %arg9[%dma_start3A_1610, %dma_start3A_1616] : memref<1x256xi32, #tpu.memory_space<vmem>> -> memref<1x16xi32, #tpu.memory_space<vmem>>
    %dma_start3A_1618 = tpu.memref_squeeze %dma_start3A_1617 : memref<1x16xi32, #tpu.memory_space<vmem>> -> memref<16xi32, #tpu.memory_space<vmem>>
    %dma_start3A_1619 = arith.constant 0 : i32
    %dma_start3A_1620 = arith.constant 0 : i32
    %dma_start3A_1621 = tpu.memref_slice %arg4[%dma_start3A_1619, %dma_start3A_1620] : memref<50265x1024xf32, #tpu.memory_space<hbm>> -> memref<50265x1024xf32, #tpu.memory_space<hbm>>
    tpu.enqueue_indirect_dma source(%dma_start3A_1621 : memref<50265x1024xf32, #tpu.memory_space<hbm>>) target(%dma_start3A_1615 : memref<16x1024xf32, #tpu.memory_space<vmem>>) offsets(%dma_start3A_1618 : memref<16xi32, #tpu.memory_space<vmem>>) semaphore(%arg11 : memref<!tpu.dma_semaphore, #tpu.memory_space<semaphore_mem>>)
    %dma_wait3A_1622 = arith.constant 0 : i32
    %dma_wait3A_1623 = arith.constant 1 : i32
    %dma_wait3A_1624 = arith.constant 0 : i32
    %dma_wait3A_1625 = arith.constant 0 : i32
    %dma_wait3A_1626 = tpu.memref_slice %arg10[%dma_wait3A_1623, %dma_wait3A_1624, %dma_wait3A_1625] : memref<4x16x1024xf32, #tpu.memory_space<vmem>> -> memref<1x16x1024xf32, #tpu.memory_space<vmem>>
    %dma_wait3A_1627 = tpu.memref_squeeze %dma_wait3A_1626 : memref<1x16x1024xf32, #tpu.memory_space<vmem>> -> memref<16x1024xf32, #tpu.memory_space<vmem>>
    %dma_wait3A_1628 = arith.constant 208 : i32
    %dma_wait3A_1629 = tpu.memref_slice %arg9[%dma_wait3A_1622, %dma_wait3A_1628] : memref<1x256xi32, #tpu.memory_space<vmem>> -> memref<1x16xi32, #tpu.memory_space<vmem>>
    %dma_wait3A_1630 = tpu.memref_squeeze %dma_wait3A_1629 : memref<1x16xi32, #tpu.memory_space<vmem>> -> memref<16xi32, #tpu.memory_space<vmem>>
    %dma_wait3A_1631 = arith.constant 0 : i32
    %dma_wait3A_1632 = arith.constant 0 : i32
    %dma_wait3A_1633 = tpu.memref_slice %arg4[%dma_wait3A_1631, %dma_wait3A_1632] : memref<50265x1024xf32, #tpu.memory_space<hbm>> -> memref<50265x1024xf32, #tpu.memory_space<hbm>>
    tpu.wait_indirect_dma semaphore(%arg11 : memref<!tpu.dma_semaphore, #tpu.memory_space<semaphore_mem>>) src(%dma_wait3A_1633 : memref<50265x1024xf32, #tpu.memory_space<hbm>>) dst(%dma_wait3A_1627 : memref<16x1024xf32, #tpu.memory_space<vmem>>)
    %add3A_1634 = arith.constant 208 : i32
    %add3A_1635 = arith.addi %mul3A_34, %add3A_1634 : i32
    %dma_start3A_1636 = arith.constant 1 : i32
    %dma_start3A_1637 = arith.constant 0 : i32
    %dma_start3A_1638 = arith.constant 0 : i32
    %dma_start3A_1639 = tpu.memref_slice %arg10[%dma_start3A_1636, %dma_start3A_1637, %dma_start3A_1638] : memref<4x16x1024xf32, #tpu.memory_space<vmem>> -> memref<1x16x1024xf32, #tpu.memory_space<vmem>>
    %dma_start3A_1640 = tpu.memref_squeeze %dma_start3A_1639 : memref<1x16x1024xf32, #tpu.memory_space<vmem>> -> memref<16x1024xf32, #tpu.memory_space<vmem>>
    %dma_start3A_1641 = arith.constant 0 : i32
    %dma_start3A_1642 = tpu.memref_slice %arg6[%add3A_1635, %dma_start3A_1641] : memref<8192x1024xf32, #tpu.memory_space<hbm>> -> memref<16x1024xf32, #tpu.memory_space<hbm>>
    %dma_start3A_1643 = arith.constant 0 : i32
    %dma_start3A_1644 = tpu.memref_slice %arg6[%add3A_1635, %dma_start3A_1643] : memref<8192x1024xf32, #tpu.memory_space<hbm>> -> memref<16x1024xf32, #tpu.memory_space<hbm>>
    %dma_start3A_1645 = arith.constant 0 : i32
    %dma_start3A_1646 = arith.constant 0 : i32
    %dma_start3A_1647 = tpu.memref_slice %arg10[%dma_start3A_1636, %dma_start3A_1645, %dma_start3A_1646] : memref<4x16x1024xf32, #tpu.memory_space<vmem>> -> memref<1x16x1024xf32, #tpu.memory_space<vmem>>
    %dma_start3A_1648 = tpu.memref_squeeze %dma_start3A_1647 : memref<1x16x1024xf32, #tpu.memory_space<vmem>> -> memref<16x1024xf32, #tpu.memory_space<vmem>>
    tpu.enqueue_dma source(%dma_start3A_1648 : memref<16x1024xf32, #tpu.memory_space<vmem>>) target(%dma_start3A_1644 : memref<16x1024xf32, #tpu.memory_space<hbm>>) target_semaphore(%arg12 : memref<!tpu.dma_semaphore, #tpu.memory_space<semaphore_mem>>)
    %dma_wait3A_1649 = arith.constant 0 : i32
    %dma_wait3A_1650 = arith.constant 2 : i32
    %dma_wait3A_1651 = arith.constant 0 : i32
    %dma_wait3A_1652 = arith.constant 0 : i32
    %dma_wait3A_1653 = tpu.memref_slice %arg10[%dma_wait3A_1650, %dma_wait3A_1651, %dma_wait3A_1652] : memref<4x16x1024xf32, #tpu.memory_space<vmem>> -> memref<1x16x1024xf32, #tpu.memory_space<vmem>>
    %dma_wait3A_1654 = tpu.memref_squeeze %dma_wait3A_1653 : memref<1x16x1024xf32, #tpu.memory_space<vmem>> -> memref<16x1024xf32, #tpu.memory_space<vmem>>
    %dma_wait3A_1655 = arith.constant 224 : i32
    %dma_wait3A_1656 = tpu.memref_slice %arg9[%dma_wait3A_1649, %dma_wait3A_1655] : memref<1x256xi32, #tpu.memory_space<vmem>> -> memref<1x16xi32, #tpu.memory_space<vmem>>
    %dma_wait3A_1657 = tpu.memref_squeeze %dma_wait3A_1656 : memref<1x16xi32, #tpu.memory_space<vmem>> -> memref<16xi32, #tpu.memory_space<vmem>>
    %dma_wait3A_1658 = arith.constant 0 : i32
    %dma_wait3A_1659 = arith.constant 0 : i32
    %dma_wait3A_1660 = tpu.memref_slice %arg4[%dma_wait3A_1658, %dma_wait3A_1659] : memref<50265x1024xf32, #tpu.memory_space<hbm>> -> memref<50265x1024xf32, #tpu.memory_space<hbm>>
    tpu.wait_indirect_dma semaphore(%arg11 : memref<!tpu.dma_semaphore, #tpu.memory_space<semaphore_mem>>) src(%dma_wait3A_1660 : memref<50265x1024xf32, #tpu.memory_space<hbm>>) dst(%dma_wait3A_1654 : memref<16x1024xf32, #tpu.memory_space<vmem>>)
    %add3A_1661 = arith.constant 224 : i32
    %add3A_1662 = arith.addi %mul3A_34, %add3A_1661 : i32
    %dma_start3A_1663 = arith.constant 2 : i32
    %dma_start3A_1664 = arith.constant 0 : i32
    %dma_start3A_1665 = arith.constant 0 : i32
    %dma_start3A_1666 = tpu.memref_slice %arg10[%dma_start3A_1663, %dma_start3A_1664, %dma_start3A_1665] : memref<4x16x1024xf32, #tpu.memory_space<vmem>> -> memref<1x16x1024xf32, #tpu.memory_space<vmem>>
    %dma_start3A_1667 = tpu.memref_squeeze %dma_start3A_1666 : memref<1x16x1024xf32, #tpu.memory_space<vmem>> -> memref<16x1024xf32, #tpu.memory_space<vmem>>
    %dma_start3A_1668 = arith.constant 0 : i32
    %dma_start3A_1669 = tpu.memref_slice %arg6[%add3A_1662, %dma_start3A_1668] : memref<8192x1024xf32, #tpu.memory_space<hbm>> -> memref<16x1024xf32, #tpu.memory_space<hbm>>
    %dma_start3A_1670 = arith.constant 0 : i32
    %dma_start3A_1671 = tpu.memref_slice %arg6[%add3A_1662, %dma_start3A_1670] : memref<8192x1024xf32, #tpu.memory_space<hbm>> -> memref<16x1024xf32, #tpu.memory_space<hbm>>
    %dma_start3A_1672 = arith.constant 0 : i32
    %dma_start3A_1673 = arith.constant 0 : i32
    %dma_start3A_1674 = tpu.memref_slice %arg10[%dma_start3A_1663, %dma_start3A_1672, %dma_start3A_1673] : memref<4x16x1024xf32, #tpu.memory_space<vmem>> -> memref<1x16x1024xf32, #tpu.memory_space<vmem>>
    %dma_start3A_1675 = tpu.memref_squeeze %dma_start3A_1674 : memref<1x16x1024xf32, #tpu.memory_space<vmem>> -> memref<16x1024xf32, #tpu.memory_space<vmem>>
    tpu.enqueue_dma source(%dma_start3A_1675 : memref<16x1024xf32, #tpu.memory_space<vmem>>) target(%dma_start3A_1671 : memref<16x1024xf32, #tpu.memory_space<hbm>>) target_semaphore(%arg12 : memref<!tpu.dma_semaphore, #tpu.memory_space<semaphore_mem>>)
    %dma_wait3A_1676 = arith.constant 0 : i32
    %dma_wait3A_1677 = arith.constant 3 : i32
    %dma_wait3A_1678 = arith.constant 0 : i32
    %dma_wait3A_1679 = arith.constant 0 : i32
    %dma_wait3A_1680 = tpu.memref_slice %arg10[%dma_wait3A_1677, %dma_wait3A_1678, %dma_wait3A_1679] : memref<4x16x1024xf32, #tpu.memory_space<vmem>> -> memref<1x16x1024xf32, #tpu.memory_space<vmem>>
    %dma_wait3A_1681 = tpu.memref_squeeze %dma_wait3A_1680 : memref<1x16x1024xf32, #tpu.memory_space<vmem>> -> memref<16x1024xf32, #tpu.memory_space<vmem>>
    %dma_wait3A_1682 = arith.constant 240 : i32
    %dma_wait3A_1683 = tpu.memref_slice %arg9[%dma_wait3A_1676, %dma_wait3A_1682] : memref<1x256xi32, #tpu.memory_space<vmem>> -> memref<1x16xi32, #tpu.memory_space<vmem>>
    %dma_wait3A_1684 = tpu.memref_squeeze %dma_wait3A_1683 : memref<1x16xi32, #tpu.memory_space<vmem>> -> memref<16xi32, #tpu.memory_space<vmem>>
    %dma_wait3A_1685 = arith.constant 0 : i32
    %dma_wait3A_1686 = arith.constant 0 : i32
    %dma_wait3A_1687 = tpu.memref_slice %arg4[%dma_wait3A_1685, %dma_wait3A_1686] : memref<50265x1024xf32, #tpu.memory_space<hbm>> -> memref<50265x1024xf32, #tpu.memory_space<hbm>>
    tpu.wait_indirect_dma semaphore(%arg11 : memref<!tpu.dma_semaphore, #tpu.memory_space<semaphore_mem>>) src(%dma_wait3A_1687 : memref<50265x1024xf32, #tpu.memory_space<hbm>>) dst(%dma_wait3A_1681 : memref<16x1024xf32, #tpu.memory_space<vmem>>)
    %add3A_1688 = arith.constant 240 : i32
    %add3A_1689 = arith.addi %mul3A_34, %add3A_1688 : i32
    %dma_start3A_1690 = arith.constant 3 : i32
    %dma_start3A_1691 = arith.constant 0 : i32
    %dma_start3A_1692 = arith.constant 0 : i32
    %dma_start3A_1693 = tpu.memref_slice %arg10[%dma_start3A_1690, %dma_start3A_1691, %dma_start3A_1692] : memref<4x16x1024xf32, #tpu.memory_space<vmem>> -> memref<1x16x1024xf32, #tpu.memory_space<vmem>>
    %dma_start3A_1694 = tpu.memref_squeeze %dma_start3A_1693 : memref<1x16x1024xf32, #tpu.memory_space<vmem>> -> memref<16x1024xf32, #tpu.memory_space<vmem>>
    %dma_start3A_1695 = arith.constant 0 : i32
    %dma_start3A_1696 = tpu.memref_slice %arg6[%add3A_1689, %dma_start3A_1695] : memref<8192x1024xf32, #tpu.memory_space<hbm>> -> memref<16x1024xf32, #tpu.memory_space<hbm>>
    %dma_start3A_1697 = arith.constant 0 : i32
    %dma_start3A_1698 = tpu.memref_slice %arg6[%add3A_1689, %dma_start3A_1697] : memref<8192x1024xf32, #tpu.memory_space<hbm>> -> memref<16x1024xf32, #tpu.memory_space<hbm>>
    %dma_start3A_1699 = arith.constant 0 : i32
    %dma_start3A_1700 = arith.constant 0 : i32
    %dma_start3A_1701 = tpu.memref_slice %arg10[%dma_start3A_1690, %dma_start3A_1699, %dma_start3A_1700] : memref<4x16x1024xf32, #tpu.memory_space<vmem>> -> memref<1x16x1024xf32, #tpu.memory_space<vmem>>
    %dma_start3A_1702 = tpu.memref_squeeze %dma_start3A_1701 : memref<1x16x1024xf32, #tpu.memory_space<vmem>> -> memref<16x1024xf32, #tpu.memory_space<vmem>>
    tpu.enqueue_dma source(%dma_start3A_1702 : memref<16x1024xf32, #tpu.memory_space<vmem>>) target(%dma_start3A_1698 : memref<16x1024xf32, #tpu.memory_space<hbm>>) target_semaphore(%arg12 : memref<!tpu.dma_semaphore, #tpu.memory_space<semaphore_mem>>)
    %dma_wait3A_1703 = arith.constant 0 : i32
    %dma_wait3A_1704 = arith.constant 0 : i32
    %dma_wait3A_1705 = arith.constant 0 : i32
    %dma_wait3A_1706 = tpu.memref_slice %arg10[%dma_wait3A_1703, %dma_wait3A_1704, %dma_wait3A_1705] : memref<4x16x1024xf32, #tpu.memory_space<vmem>> -> memref<1x16x1024xf32, #tpu.memory_space<vmem>>
    %dma_wait3A_1707 = tpu.memref_squeeze %dma_wait3A_1706 : memref<1x16x1024xf32, #tpu.memory_space<vmem>> -> memref<16x1024xf32, #tpu.memory_space<vmem>>
    %dma_wait3A_1708 = arith.constant 0 : i32
    %dma_wait3A_1709 = tpu.memref_slice %arg6[%add3A_1583, %dma_wait3A_1708] : memref<8192x1024xf32, #tpu.memory_space<hbm>> -> memref<16x1024xf32, #tpu.memory_space<hbm>>
    %dma_wait3A_1710 = arith.constant 0 : i32
    %dma_wait3A_1711 = tpu.memref_slice %arg6[%add3A_1583, %dma_wait3A_1710] : memref<8192x1024xf32, #tpu.memory_space<hbm>> -> memref<16x1024xf32, #tpu.memory_space<hbm>>
    %dma_wait3A_1712 = arith.constant 0 : i32
    %dma_wait3A_1713 = arith.constant 0 : i32
    %dma_wait3A_1714 = tpu.memref_slice %arg10[%dma_wait3A_1703, %dma_wait3A_1712, %dma_wait3A_1713] : memref<4x16x1024xf32, #tpu.memory_space<vmem>> -> memref<1x16x1024xf32, #tpu.memory_space<vmem>>
    %dma_wait3A_1715 = tpu.memref_squeeze %dma_wait3A_1714 : memref<1x16x1024xf32, #tpu.memory_space<vmem>> -> memref<16x1024xf32, #tpu.memory_space<vmem>>
    tpu.wait_dma2 semaphore(%arg12 : memref<!tpu.dma_semaphore, #tpu.memory_space<semaphore_mem>>) src(%dma_wait3A_1715 : memref<16x1024xf32, #tpu.memory_space<vmem>>) dst(%dma_wait3A_1711 : memref<16x1024xf32, #tpu.memory_space<hbm>>)
    %dma_wait3A_1716 = arith.constant 1 : i32
    %dma_wait3A_1717 = arith.constant 0 : i32
    %dma_wait3A_1718 = arith.constant 0 : i32
    %dma_wait3A_1719 = tpu.memref_slice %arg10[%dma_wait3A_1716, %dma_wait3A_1717, %dma_wait3A_1718] : memref<4x16x1024xf32, #tpu.memory_space<vmem>> -> memref<1x16x1024xf32, #tpu.memory_space<vmem>>
    %dma_wait3A_1720 = tpu.memref_squeeze %dma_wait3A_1719 : memref<1x16x1024xf32, #tpu.memory_space<vmem>> -> memref<16x1024xf32, #tpu.memory_space<vmem>>
    %dma_wait3A_1721 = arith.constant 0 : i32
    %dma_wait3A_1722 = tpu.memref_slice %arg6[%add3A_1635, %dma_wait3A_1721] : memref<8192x1024xf32, #tpu.memory_space<hbm>> -> memref<16x1024xf32, #tpu.memory_space<hbm>>
    %dma_wait3A_1723 = arith.constant 0 : i32
    %dma_wait3A_1724 = tpu.memref_slice %arg6[%add3A_1635, %dma_wait3A_1723] : memref<8192x1024xf32, #tpu.memory_space<hbm>> -> memref<16x1024xf32, #tpu.memory_space<hbm>>
    %dma_wait3A_1725 = arith.constant 0 : i32
    %dma_wait3A_1726 = arith.constant 0 : i32
    %dma_wait3A_1727 = tpu.memref_slice %arg10[%dma_wait3A_1716, %dma_wait3A_1725, %dma_wait3A_1726] : memref<4x16x1024xf32, #tpu.memory_space<vmem>> -> memref<1x16x1024xf32, #tpu.memory_space<vmem>>
    %dma_wait3A_1728 = tpu.memref_squeeze %dma_wait3A_1727 : memref<1x16x1024xf32, #tpu.memory_space<vmem>> -> memref<16x1024xf32, #tpu.memory_space<vmem>>
    tpu.wait_dma2 semaphore(%arg12 : memref<!tpu.dma_semaphore, #tpu.memory_space<semaphore_mem>>) src(%dma_wait3A_1728 : memref<16x1024xf32, #tpu.memory_space<vmem>>) dst(%dma_wait3A_1724 : memref<16x1024xf32, #tpu.memory_space<hbm>>)
    %dma_wait3A_1729 = arith.constant 2 : i32
    %dma_wait3A_1730 = arith.constant 0 : i32
    %dma_wait3A_1731 = arith.constant 0 : i32
    %dma_wait3A_1732 = tpu.memref_slice %arg10[%dma_wait3A_1729, %dma_wait3A_1730, %dma_wait3A_1731] : memref<4x16x1024xf32, #tpu.memory_space<vmem>> -> memref<1x16x1024xf32, #tpu.memory_space<vmem>>
    %dma_wait3A_1733 = tpu.memref_squeeze %dma_wait3A_1732 : memref<1x16x1024xf32, #tpu.memory_space<vmem>> -> memref<16x1024xf32, #tpu.memory_space<vmem>>
    %dma_wait3A_1734 = arith.constant 0 : i32
    %dma_wait3A_1735 = tpu.memref_slice %arg6[%add3A_1662, %dma_wait3A_1734] : memref<8192x1024xf32, #tpu.memory_space<hbm>> -> memref<16x1024xf32, #tpu.memory_space<hbm>>
    %dma_wait3A_1736 = arith.constant 0 : i32
    %dma_wait3A_1737 = tpu.memref_slice %arg6[%add3A_1662, %dma_wait3A_1736] : memref<8192x1024xf32, #tpu.memory_space<hbm>> -> memref<16x1024xf32, #tpu.memory_space<hbm>>
    %dma_wait3A_1738 = arith.constant 0 : i32
    %dma_wait3A_1739 = arith.constant 0 : i32
    %dma_wait3A_1740 = tpu.memref_slice %arg10[%dma_wait3A_1729, %dma_wait3A_1738, %dma_wait3A_1739] : memref<4x16x1024xf32, #tpu.memory_space<vmem>> -> memref<1x16x1024xf32, #tpu.memory_space<vmem>>
    %dma_wait3A_1741 = tpu.memref_squeeze %dma_wait3A_1740 : memref<1x16x1024xf32, #tpu.memory_space<vmem>> -> memref<16x1024xf32, #tpu.memory_space<vmem>>
    tpu.wait_dma2 semaphore(%arg12 : memref<!tpu.dma_semaphore, #tpu.memory_space<semaphore_mem>>) src(%dma_wait3A_1741 : memref<16x1024xf32, #tpu.memory_space<vmem>>) dst(%dma_wait3A_1737 : memref<16x1024xf32, #tpu.memory_space<hbm>>)
    %dma_wait3A_1742 = arith.constant 3 : i32
    %dma_wait3A_1743 = arith.constant 0 : i32
    %dma_wait3A_1744 = arith.constant 0 : i32
    %dma_wait3A_1745 = tpu.memref_slice %arg10[%dma_wait3A_1742, %dma_wait3A_1743, %dma_wait3A_1744] : memref<4x16x1024xf32, #tpu.memory_space<vmem>> -> memref<1x16x1024xf32, #tpu.memory_space<vmem>>
    %dma_wait3A_1746 = tpu.memref_squeeze %dma_wait3A_1745 : memref<1x16x1024xf32, #tpu.memory_space<vmem>> -> memref<16x1024xf32, #tpu.memory_space<vmem>>
    %dma_wait3A_1747 = arith.constant 0 : i32
    %dma_wait3A_1748 = tpu.memref_slice %arg6[%add3A_1689, %dma_wait3A_1747] : memref<8192x1024xf32, #tpu.memory_space<hbm>> -> memref<16x1024xf32, #tpu.memory_space<hbm>>
    %dma_wait3A_1749 = arith.constant 0 : i32
    %dma_wait3A_1750 = tpu.memref_slice %arg6[%add3A_1689, %dma_wait3A_1749] : memref<8192x1024xf32, #tpu.memory_space<hbm>> -> memref<16x1024xf32, #tpu.memory_space<hbm>>
    %dma_wait3A_1751 = arith.constant 0 : i32
    %dma_wait3A_1752 = arith.constant 0 : i32
    %dma_wait3A_1753 = tpu.memref_slice %arg10[%dma_wait3A_1742, %dma_wait3A_1751, %dma_wait3A_1752] : memref<4x16x1024xf32, #tpu.memory_space<vmem>> -> memref<1x16x1024xf32, #tpu.memory_space<vmem>>
    %dma_wait3A_1754 = tpu.memref_squeeze %dma_wait3A_1753 : memref<1x16x1024xf32, #tpu.memory_space<vmem>> -> memref<16x1024xf32, #tpu.memory_space<vmem>>
    tpu.wait_dma2 semaphore(%arg12 : memref<!tpu.dma_semaphore, #tpu.memory_space<semaphore_mem>>) src(%dma_wait3A_1754 : memref<16x1024xf32, #tpu.memory_space<vmem>>) dst(%dma_wait3A_1750 : memref<16x1024xf32, #tpu.memory_space<hbm>>)
    return
  }
}

</mosaic_0001>

<sc_bundles>
// kernel: kernel.3.cloned.1.call-start
scs
__scs_entry_jumppad:
0x0: {  	(pc) =	sbr.rel $0x88, $3  }
0x1: {  	(tag) =	ssettag $0x0;
	lr =	simm.s32 $0x1  }
0x2: {  	[smem:$0x3F9E] =	sst lr;
	_ =	strace $0xD0000000  }
0x3: {  	_ = 	snop  }
0x4: {  	_ = 	snop  }
0x5: {  	_ = 	snop  }
0x6: {  	_ = 	snop  }
0x7: {  	_ = 	snop  }
__scs_overlays_trampoline_lowered:
0x8: {  	[smem:$0x3FAD] =	sst s0  }
0x9: {  	[smem:$0x3FAE] =	sst s1  }
0xa: {  	[smem:$0x3FAF] =	sst s2  }
0xb: {  	[smem:$0x3FB0] =	sst s3  }
0xc: {  	[smem:$0x3FB1] =	sst s4  }
0xd: {  	[smem:$0x3FB2] =	sst s5  }
0xe: {  	[smem:$0x3FB3] =	sst s6  }
0xf: {  	[smem:$0x3FB4] =	sst s7  }
0x10: {  	[smem:$0x3FB5] =	sst s8  }
0x11: {  	[smem:$0x3FB6] =	sst s9;
	s0 =	simm.s32 @!p0 $0x0  }
0x12: {  	s1 =	sld [smem:$0x3F9C];
	s0 =	simm.s32 @p0 $0x1  }
0x13: {  	[smem:$0x3FB7] =	sst s0;
	s0 =	simm.s32 @!p1 $0x0  }
0x14: {  	s2 =	sld [smem:$0x3F9B];
	s0 =	simm.s32 @p1 $0x1  }
0x15: {  	[smem:$0x3FB8] =	sst s0;
	s0 =	simm.s32 @!p2 $0x0  }
0x16: {  	s3 =	sld [smem:$0x3FDB];
	s0 =	simm.s32 @p2 $0x1  }
0x17: {  	s4 =	simm.s32 $0x1BF5;
	[smem:$0x3FBA] =	sst s0  }
0x18: {  	s0 =	sld [smem:$0x3F9D];
	_ =	swait.ge [sflag:s4], $0x0  }
0x19: {  	s7 =	sld [smem:$0x3F9E]  }
0x1a: {  	s8 =	sadd.s32 $0xFFFFE003, lr  }
0x1b: {  	s9 =	sadd.s32 $0xFFFFFEF7, lr;
	s5 =	simm.s32 $0xFFFFFFFF;
	p2 =	slt.u32 s8, $0xFFFFF086  }
0x1c: {  	p1 =	slt.u32 s9, $0xF7A;
	s5 =	simm.s32 @!p2 $0x0  }
0x1d: {  	s5 =	simm.s32 @p1 $0x1;
	p0 =	seq.s32 s7, s2  }
0x1e: {  	s7 =	smul.u32 @!p0 $0xF7A, s2;
	p2 =	seq.s32 @!p0 s5, $0x0  }
0x1f: {  	s9 =	smul.u32 $0xF7A, s1;
	s8 =	simm.s32 @!p0 $0x1BF5;
	p2 =	por !p2, p0  }
0x20: {  	[sflag:s8] =	ssyncset.s32 @!p0 $0xFFFFF086;
	s6 =	sadd.s32 @!p0 s3, s7;
	s7 =	simm.s32 @!p0 $0x108  }
0x21: {  	s3 =	sadd.s32 s3, s9;
	s6 =	sadd.s32 @!p0 $0x88, s6;
	s7 =	simm.s32 @p2 $0x1082  }
0x22: {  	[simem:s7], [sflag:s8] =	dma.local @!p0 [hbm:s6], $0xF7A  }
0x23: {  	s9 =	sor.u32 $0xD0000000, s2;
	s6 =	simm.s32 $0x108;
	_ =	swait.ge @!p0 [sflag:s8], $0x0  }
0x24: {  	s3 =	sadd.s32 $0x88, s3;
	s6 =	simm.s32 @!p1 $0x1082;
	[sflag:s4] =	ssyncset.s32 $0xFFFFF086  }
0x25: {  	[simem:s6], [sflag:s4] =	dma.local [hbm:s3], $0xF7A  }
0x26: {  	[smem:$0x3F9E] =	sst s1;
	(tag) =	ssettag s2;
	_ =	strace s9  }
0x27: {  	s1 =	sld [smem:$0x3FAE]  }
0x28: {  	s2 =	sld [smem:$0x3FAF]  }
0x29: {  	s4 =	sld [smem:$0x3FB1]  }
0x2a: {  	p0 =	seq.s32 s5, $0x0;
	s5 =	sld [smem:$0x3FB2]  }
0x2b: {  	s6 =	sld [smem:$0x3FB3]  }
0x2c: {  	s7 =	sld [smem:$0x3FB4]  }
0x2d: {  	s3 =	simm.s32 $0x108;
	s8 =	sld [smem:$0x3FB5]  }
0x2e: {  	s3 =	simm.s32 @!p0 $0x1082;
	s9 =	sld [smem:$0x3FB6]  }
0x2f: {  	lr =	sadd.s32 s0, s3;
	s0 =	sld [smem:$0x3FAD]  }
0x30: {  	s3 =	sld [smem:$0x3FB0]  }
0x31: {  	[smem:$0x3FB9] =	sst s10  }
0x32: {  	s10 =	sld [smem:$0x3FB7];
	_ =	sdelay $0x3  }
0x33: {  	p0 =	seq.s32 s10, $0x1;
	s10 =	sld [smem:$0x3FB9];
	_ =	sdelay $0x3  }
0x34: {  	[smem:$0x3FB9] =	sst s10  }
0x35: {  	s10 =	sld [smem:$0x3FB8];
	_ =	sdelay $0x3  }
0x36: {  	p1 =	seq.s32 s10, $0x1;
	s10 =	sld [smem:$0x3FB9];
	_ =	sdelay $0x3  }
0x37: {  	[smem:$0x3FB9] =	sst s10  }
0x38: {  	s10 =	sld [smem:$0x3FBA]  }
0x39: {  	_ = 	snop;
	(pc) =	sbr.ind lr, $3  }
0x3a: {  	_ = 	snop  }
0x3b: {  	_ = 	snop  }
0x3c: {  	p2 =	seq.s32 s10, $0x1;
	s10 =	sld [smem:$0x3FB9]  }
0x3d: {  	_ =	shalt  }
0x3e: {  	_ =	shalt  }
0x3f: {  	_ =	shalt  }
0x40: {  	_ =	shalt  }
0x41: {  	_ =	shalt  }
0x42: {  	_ =	shalt  }
0x43: {  	_ =	shalt  }
0x44: {  	_ =	shalt  }
0x45: {  	_ =	shalt  }
0x46: {  	_ =	shalt  }
0x47: {  	_ =	shalt  }
0x48: {  	_ =	shalt  }
0x49: {  	_ =	shalt  }
0x4a: {  	_ =	shalt  }
0x4b: {  	_ =	shalt  }
0x4c: {  	_ =	shalt  }
0x4d: {  	_ =	shalt  }
0x4e: {  	_ =	shalt  }
0x4f: {  	_ =	shalt  }
0x50: {  	_ =	shalt  }
0x51: {  	_ =	shalt  }
0x52: {  	_ =	shalt  }
0x53: {  	_ =	shalt  }
0x54: {  	_ =	shalt  }
0x55: {  	_ =	shalt  }
0x56: {  	_ =	shalt  }
0x57: {  	_ =	shalt  }
0x58: {  	_ =	shalt  }
0x59: {  	_ =	shalt  }
0x5a: {  	_ =	shalt  }
0x5b: {  	_ =	shalt  }
0x5c: {  	_ =	shalt  }
0x5d: {  	_ =	shalt  }
0x5e: {  	_ =	shalt  }
0x5f: {  	_ =	shalt  }
0x60: {  	_ =	shalt  }
0x61: {  	_ =	shalt  }
0x62: {  	_ =	shalt  }
0x63: {  	_ =	shalt  }
0x64: {  	_ =	shalt  }
0x65: {  	_ =	shalt  }
0x66: {  	_ =	shalt  }
0x67: {  	_ =	shalt  }
0x68: {  	_ =	shalt  }
0x69: {  	_ =	shalt  }
0x6a: {  	_ =	shalt  }
0x6b: {  	_ =	shalt  }
0x6c: {  	_ =	shalt  }
0x6d: {  	_ =	shalt  }
0x6e: {  	_ =	shalt  }
0x6f: {  	_ =	shalt  }
0x70: {  	_ =	shalt  }
0x71: {  	_ =	shalt  }
0x72: {  	_ =	shalt  }
0x73: {  	_ =	shalt  }
0x74: {  	_ =	shalt  }
0x75: {  	_ =	shalt  }
0x76: {  	_ =	shalt  }
0x77: {  	_ =	shalt  }
0x78: {  	_ =	shalt  }
0x79: {  	_ =	shalt  }
0x7a: {  	_ =	shalt  }
0x7b: {  	_ =	shalt  }
0x7c: {  	_ =	shalt  }
0x7d: {  	_ =	shalt  }
0x7e: {  	_ =	shalt  }
0x7f: {  	_ =	shalt  }
0x80: {  	_ =	shalt  }
0x81: {  	_ =	shalt  }
0x82: {  	_ =	shalt  }
0x83: {  	_ =	shalt  }
0x84: {  	_ =	shalt  }
0x85: {  	_ =	shalt  }
0x86: {  	_ =	shalt  }
0x87: {  	_ =	shalt  }
.Lfunc_end0:
.L_simem_size_0:
called_computation_lowered:
.L_overlay_start_0:
0x88: {  	s2 =	sld [smem:$0x3FD9]  }
0x89: {  	s3 =	sld [smem:$0x3FFE];
	_ =	sdelay $0x1  }
0x8a: {  	s1 =	srdreg.scid  }
0x8b: {  	s0 =	sand.u32 $0x1, s1  }
0x8c: {  	s15 =	sshll.u32 s0, $0xA;
	s2 =	sadd.s32 s3, s2  }
0x8d: {  	s2 =	sadd.s32 s2, s15  }
0x8e: {  	[smem:$0x3FC5] =	sst s2  }
0x8f: {  	_ = 	snop  }
0x90: {  	s2 =	sld [smem:$0x3FD0]  }
0x91: {  	s16 =	sld [smem:$0x3FC9]  }
0x92: {  	s4 =	sld [smem:$0x3FC8]  }
0x93: {  	s6 =	simm.s32 $0xA;
	s7 =	simm.s32 $0x10;
	s5 =	sld [smem:$0x3FC7]  }
0x94: {  	[smem:s7], [sflag:s6] =	dma.local [hbm:s2], $0x1  }
0x95: {  	_ =	swait.eq [sflag:s6], $0x1  }
0x96: {  	[sflag:s6] =	ssyncset.done $0x0  }
0x97: {  	s17 =	sld [smem:$0x10];
	[sflag:s6] =	ssyncadd.s32 $0xFFFFFFFF  }
0x98: {  	s18 =	sld [smem:$0x11];
	(tm) =	ssettm $0x1  }
0x99: {  	s19 =	sld [smem:$0x3FFB];
	_ =	sdelay $0x3  }
0x9a: {  	_ =	strace s19  }
0x9b: {  	s7 =	sld [smem:$0x3FFC];
	_ =	sdelay $0x3  }
0x9c: {  	_ =	strace s7  }
0x9d: {  	s7 =	sld [smem:$0x3FFD];
	_ =	sdelay $0x3  }
0x9e: {  	_ =	strace s7  }
0x9f: {  	_ =	strace $0x8FFFFFFF  }
0xa0: {  	s20 =	sld [smem:$0x3FDB];
	_ =	sdelay $0x1  }
0xa1: {  	s8 =	simm.s32 $_scs_section_size  }
0xa2: {  	s9 =	simm.s32 $_size__tile_overlayer_lowered;
	s10 =	simm.s32 $_tile_overlayer_lowered  }
0xa3: {  	s23 =	simm.s32 $0x1BFF;
	s22 =	sshll.u32 s10, $0x1;
	s7 =	sadd.s32 s8, s20  }
0xa4: {  	s11 =	simm.s32 $0x0;
	s21 =	sshll.u32 s9, $0x1;
	s9 =	sadd.s32 s22, s7  }
0xa5: {  	[timem:s11], [sflag:s23] =	dma.local [hbm:s9], s21  }
0xa6: {  	_ =	swait.ge [sflag:s23], s21  }
0xa7: {  	s8 =	ssub.s32 $0x0, s21;
	[sflag:s23] =	ssyncset.done $0x0  }
0xa8: {  	[sflag:s23] =	ssyncadd.s32 s8;
	_ =	sdelay $0x1  }
0xa9: {  	s24 =	simm.s32 $0x1B8B  }
0xaa: {  	_ =	swait.ge [sflag:s24], $0x1  }
0xab: {  	[sflag:s24] =	ssyncset.done $0x0  }
0xac: {  	s25 =	simm.s32 $0x1B8E;
	[sflag:s24] =	ssyncadd.s32 $0xFFFFFFFF  }
0xad: {  	s26 =	simm.s32 $execute0_lowered;
	[smem:$0x3FD2] =	sst s25  }
0xae: {  	s8 =	sshll.u32 s26, $0x1;
	_ =	strace $0x80000046;
	[dreg:$0x1] =	wrdreg $0xFFFFFFFF  }
0xaf: {  	s28 =	simm.s32 $_size_execute0_lowered;
	s7 =	sadd.s32 s7, s8;
	[dreg:$0x0] =	wrdreg $0x0  }
0xb0: {  	s8 =	sshll.u32 s28, $0x1;
	[dreg:$0x2] =	wrdreg s7  }
0xb1: {  	[dreg:$0x3] =	wrdreg s8  }
0xb2: {  	[dreg:$0x4] =	wrdreg $0xC0  }
0xb3: {  	_ =	task [dreg:s11], $0x5FFFF  }
0xb4: {  	[dreg:$0x1] =	wrdreg $0xFFFFFFFF  }
0xb5: {  	[dreg:$0x0] =	wrdreg $0x60  }
0xb6: {  	[dreg:$0x2] =	wrdreg s16  }
0xb7: {  	[dreg:$0x3] =	wrdreg s4  }
0xb8: {  	[dreg:$0x4] =	wrdreg s5  }
0xb9: {  	[dreg:$0x5] =	wrdreg s17  }
0xba: {  	[dreg:$0x6] =	wrdreg s18  }
0xbb: {  	[dreg:$0x7] =	wrdreg $0x9  }
0xbc: {  	_ =	task.clear_ibuf [dreg:s11], $0x8FFFF;
	_ =	strace $0x90000046  }
0xbd: {  	s29 =	simm.s32 $0x9;
	_ =	strace $0x80000048  }
0xbe: {  	_ =	swait.ge [sflag:s29], $0x1  }
0xbf: {  	[sflag:s29] =	ssyncadd.s32 $0xFFFFFFFF  }
0xc0: {  	_ =	strace $0x90000048  }
0xc1: {  	_ =	sfence  }
0xc2: {  	s30 =	sld [smem:$0x0];
	_ =	sdelay $0x2  }
0xc3: {  	s31 =	sshll.u32 s1, $0xD;
	s1 =	sshrl.u32 s1, $0x2  }
0xc4: {  	s3 =	sand.u32 $0x4000, s31;
	s1 =	sadd.s32 s1, s30  }
0xc5: {  	s0 =	sor.u32 s3, s0;
	s1 =	sshll.u32 s1, $0x11  }
0xc6: {  	s0 =	sor.u32 s1, s0  }
0xc7: {  	s0 =	sadd.s32 $0x8F2B, s0  }
0xc8: {  	[sflag:s0] =	ssyncadd.remote.s32 $0x1  }
0xc9: {  	_ =	sfence.sel $0xFFFF  }
0xca: {  	[dreg:$0x0] =	wrdreg $0xFFFFFFFF;
	(pc) =	sbr.abs _section_cstart, $3  }
0xcb: {  	[dreg:$0x1] =	wrdreg $0xFFFFFFFF  }
0xcc: {  	_ =	task.clear_ibuf [dreg:s11], $0x2FFFF;
	_ =	strace $0x9FFFFFFF  }
0xcd: {  	(tm) =	ssettm $0x7FFFFFFF  }
tec
execute0_lowered:
.L_overlay_start_1:
0x0: {  	(tag) =	ssettag $0x1  }
0x1: {  	s0 =	rddreg [dreg:$0x0]  }
0x2: {  	s2 =	rddreg [dreg:$0x1]  }
0x3: {  	s1 =	rddreg [dreg:$0x2]  }
0x4: {  	s4 =	rddreg [dreg:$0x3]  }
0x5: {  	s5 =	rddreg [dreg:$0x4]  }
0x6: {  	s3 =	srdreg.scid;
	s8 =	stileid.u32;
	s31 =	simm.s32 $0x1000  }
0x7: {  	s6 =	sand.u32 $0x1, s3;
	s7 =	sshll.u32 s8, $0x1;
	s8 =	sshll.u32 s8, $0x5  }
0x8: {  	s3 =	simm.s32 $0x0;
	s7 =	sor.u32 s6, s7;
	s8 =	sand.u32 $0x180, s8  }
0x9: {  	[smem:$0x7FF] =	sst s3;
	s9 =	sshrl.u32 s8, $0x3;
	s10 =	sshll.u32 s7, $0xA  }
0xa: {  	_ =	strace $0x80000047;
	[dreg:$0x18] =	wrdreg s31;
	s0 =	sadd.s32 s0, s9  }
0xb: {  	s7 =	sshll.u32 s7, $0xF;
	s2 =	sadd.s32 s2, s9;
	[dreg:$0x6] =	wrdreg s0  }
0xc: {  	s11 =	sadd.s32 s5, s7;
	[dreg:$0x7] =	wrdreg s2  }
0xd: {  	s12 =	sadd.s32 $0x800, s11;
	[dreg:$0x19] =	wrdreg s11  }
0xe: {  	s13 =	sadd.s32 $0x1000, s11;
	[dreg:$0x9] =	wrdreg s12  }
0xf: {  	s14 =	sadd.s32 $0x1800, s11;
	[dreg:$0xa] =	wrdreg s13  }
0x10: {  	s15 =	sadd.s32 $0x2000, s11;
	[dreg:$0xb] =	wrdreg s14  }
0x11: {  	s28 =	simm.s32 $0x2;
	s16 =	sadd.s32 $0x2800, s11;
	[dreg:$0xc] =	wrdreg s15  }
0x12: {  	s20 =	ssub.s32 $0x2, s6;
	s17 =	sadd.s32 $0x3000, s11;
	[dreg:$0xd] =	wrdreg s16  }
0x13: {  	s6 =	sadd.s32 $0x100, s1;
	s18 =	sadd.s32 $0x3800, s11;
	[dreg:$0xe] =	wrdreg s17  }
0x14: {  	s22 =	sshrl.u32 s20, $0x1;
	s19 =	sadd.s32 $0x4000, s11;
	[dreg:$0xf] =	wrdreg s18  }
0x15: {  	s10 =	sand.u32 $0x1C00, s10;
	s21 =	sadd.s32 $0x4800, s11;
	[dreg:$0x10] =	wrdreg s19  }
0x16: {  	s7 =	sadd.s32 $0x200, s1;
	s23 =	sadd.s32 $0x5000, s11;
	[dreg:$0x11] =	wrdreg s21  }
0x17: {  	s8 =	sor.u32 s8, s10;
	s24 =	sadd.s32 $0x5800, s11;
	[dreg:$0x12] =	wrdreg s23  }
0x18: {  	s2 =	ssub.s32 s20, s22;
	s25 =	sadd.s32 $0x6000, s11;
	[dreg:$0x13] =	wrdreg s24  }
0x19: {  	s5 =	sshrl.u32 s10, $0x2;
	s26 =	sadd.s32 $0x6800, s11;
	[dreg:$0x14] =	wrdreg s25  }
0x1a: {  	s29 =	sadd.s32 $0x7000, s11;
	s30 =	sadd.s32 $0x7800, s11;
	[dreg:$0x15] =	wrdreg s26  }
0x1b: {  	v3 =	vlaneseq.u32;
	s0 =	sshrl.u32 s8, $0x3;
	s8 =	sadd.s32 $0x300, s1;
	[dreg:$0x16] =	wrdreg s29  }
0x1c: {  	v0 =	vimm.s32 $0x0;
	vm0 =	vmmov $0xffff;
	v2 =	vshrl.u32 v3, $0x3;
	[dreg:$0x17] =	wrdreg s30;
	s2 =	smax.u32 s2, $0x1;
	s0 =	sadd.s32 s4, s0  }
0x1d: {  	v1 =	vand.u32 $0x7, v3;
	v3 =	vor.u32 $0x8, v3;
	v2 =	vmul.u32 $0x8, v2;
	s17 =	simm.s32 $0x1;
	s12 =	simm.s32 $0xD100;
	[dreg:$0x8] =	wrdreg s0  }
.LBB2_1:
0x1e: {  	[dreg:$0x1a] =	wrdreg s2  }
0x1f: {  	s29 =	rddreg [dreg:$0x6]  }
0x20: {  	s0 =	simm.s32 $0x80;
	s2 =	simm.s32 $0x200;
	s10 =	simm.s32 $0x3  }
0x21: {  	[tilespmem:s3], [sflag:$0x3] =	stream.strided.gather [hbm4b:s29+s0], $0x800, s2, s0, $0x38;
	[tilespmem:$0x11100] =	vst v63  }
0x22: {  	_ =	swait.ge [sflag:s10], $0x800  }
0x23: {  	[sflag:s10] =	ssyncset.done $0x0  }
0x24: {  	s9 =	simm.s32 $0x800;
	s26 =	rddreg [dreg:$0x7];
	[sflag:s10] =	ssyncadd.s32 $0xFFFFF800  }
0x25: {  	[tilespmem:s9], [sflag:$0x3] =	stream.strided.gather [hbm4b:s26+s0], $0x800, s2, s0, $0x38;
	[tilespmem:$0x11100] =	vst v63  }
0x26: {  	_ =	swait.ge [sflag:s10], $0x800  }
0x27: {  	[sflag:s10] =	ssyncset.done $0x0  }
0x28: {  	[sflag:s10] =	ssyncadd.s32 $0xFFFFF800  }
0x29: {  	v4 =	vld [tilespmem:s5+$0x0];
	_ =	sdelay $0x4  }
0x2a: {  	v5 =	vadd.s32 $0xFFFFFFF6, v4  }
0x2b: {  	vm1 =	vgt.s32 v5, $0x0  }
0x2c: {  	v5 =	vnsel vm1, $0x0, v5  }
0x2d: {  	v5 =	vmin.u32 v5, $0x7FF;
	_ =	sdelay $0x4  }
0x2e: {  	vm2 =	veq.s32 v4, $0x2;
	v7 =	vadd.s32 $0xC44B, v4;
	v5 =	vld.idx.msk [tilespmem:v5+s9+$0x0], $0xffff  }
0x2f: {  	vm3 =	vlt.s32 v4, $0x7;
	v6 =	vsel vm2, $0x1, v0;
	vm2 =	vlt.s32 v4, $0x9  }
0x30: {  	v8 =	vadd.s32 $0xC451, v4;
	vm1 =	veq.s32 v4, $0x1;
	v7 =	vnsel vm2, $0xC451, v7  }
0x31: {  	v6 =	vsel vm1, $0x2, v6;
	vm1 =	vlt.s32 v4, $0x3;
	v7 =	vsel vm3, v8, v7  }
0x32: {  	vm2 =	vlt.s32 v4, $0xA;
	v4 =	vsel vm1, v6, v7  }
0x33: {  	v4 =	vsel vm2, v4, v5  }
0x34: {  	v5 =	vshll.u32 v4, $0x3  }
0x35: {  	v16 =	vand.u32 $0x7, v4;
	v5 =	vand.u32 $0xFFFFFFC0, v5  }
0x36: {  	v5 =	vor.u32 v16, v5  }
0x37: {  	v6 =	vperm.xlane v5, v1;
	_ =	sdelay $0x1  }
0x38: {  	v6 =	vadd.s32 v2, v6;
	_ =	sdelay $0x3  }
0x39: {  	s4 =	simm.s32 $0x1100;
	[tilespmem:$0x1000] =	vst v4  }
0x3a: {  	[tilespmem:s4], [sflag:$0x1] =	stream.indirect_vreg.gather [hbm4b:s1+s3], $0x80, v6, vm0, $0xb8;
	[tilespmem:$0x11100] =	vst v63  }
0x3b: {  	s29 =	simm.s32 $0x1900;
	v4 =	vperm.xlane v5, v3  }
0x3c: {  	[tilespmem:s29], [sflag:$0x1] =	stream.indirect_vreg.gather [hbm4b:s6+s3], $0x80, v6, vm0, $0xb8;
	[tilespmem:$0x11100] =	vst v63  }
0x3d: {  	s30 =	simm.s32 $0x2100;
	v4 =	vadd.s32 v2, v4  }
0x3e: {  	[tilespmem:s30], [sflag:$0x1] =	stream.indirect_vreg.gather [hbm4b:s7+s3], $0x80, v6, vm0, $0xb8;
	[tilespmem:$0x11100] =	vst v63  }
0x3f: {  	s31 =	simm.s32 $0x2900  }
0x40: {  	[tilespmem:s31], [sflag:$0x1] =	stream.indirect_vreg.gather [hbm4b:s8+s3], $0x80, v6, vm0, $0xb8;
	[tilespmem:$0x11100] =	vst v63  }
0x41: {  	s11 =	simm.s32 $0x3100  }
0x42: {  	[tilespmem:s11], [sflag:$0x1] =	stream.indirect_vreg.gather [hbm4b:s1+s3], $0x80, v4, vm0, $0xb8;
	[tilespmem:$0x11100] =	vst v63  }
0x43: {  	s13 =	simm.s32 $0x3900  }
0x44: {  	[tilespmem:s13], [sflag:$0x1] =	stream.indirect_vreg.gather [hbm4b:s6+s3], $0x80, v4, vm0, $0xb8;
	[tilespmem:$0x11100] =	vst v63  }
0x45: {  	s14 =	simm.s32 $0x4100  }
0x46: {  	[tilespmem:s14], [sflag:$0x1] =	stream.indirect_vreg.gather [hbm4b:s7+s3], $0x80, v4, vm0, $0xb8;
	[tilespmem:$0x11100] =	vst v63  }
0x47: {  	s15 =	simm.s32 $0x4900  }
0x48: {  	[tilespmem:s15], [sflag:$0x1] =	stream.indirect_vreg.gather [hbm4b:s8+s3], $0x80, v4, vm0, $0xb8;
	[tilespmem:$0x11100] =	vst v63  }
0x49: {  	v4 =	vld [tilespmem:s5+$0x10];
	_ =	sdelay $0x4  }
0x4a: {  	v5 =	vadd.s32 $0xFFFFFFF6, v4  }
0x4b: {  	vm1 =	vgt.s32 v5, $0x0  }
0x4c: {  	v5 =	vnsel vm1, $0x0, v5  }
0x4d: {  	v5 =	vmin.u32 v5, $0x7FF;
	_ =	sdelay $0x4  }
0x4e: {  	vm2 =	veq.s32 v4, $0x2;
	v18 =	vadd.s32 $0xC44B, v4;
	v5 =	vld.idx.msk [tilespmem:v5+s9+$0x0], $0xffff  }
0x4f: {  	vm3 =	vlt.s32 v4, $0x7;
	v17 =	vsel vm2, $0x1, v0;
	vm2 =	vlt.s32 v4, $0x9  }
0x50: {  	v19 =	vadd.s32 $0xC451, v4;
	vm1 =	veq.s32 v4, $0x1;
	v7 =	vnsel vm2, $0xC451, v18  }
0x51: {  	v6 =	vsel vm1, $0x2, v17;
	vm1 =	vlt.s32 v4, $0x3;
	v7 =	vsel vm3, v19, v7  }
0x52: {  	vm2 =	vlt.s32 v4, $0xA;
	v4 =	vsel vm1, v6, v7  }
0x53: {  	v4 =	vsel vm2, v4, v5  }
0x54: {  	v5 =	vshll.u32 v4, $0x3  }
0x55: {  	v20 =	vand.u32 $0x7, v4;
	v5 =	vand.u32 $0xFFFFFFC0, v5  }
0x56: {  	v5 =	vor.u32 v20, v5  }
0x57: {  	v6 =	vperm.xlane v5, v1;
	_ =	sdelay $0x1  }
0x58: {  	v6 =	vadd.s32 v2, v6;
	_ =	sdelay $0x3  }
0x59: {  	s16 =	simm.s32 $0x5100;
	[tilespmem:$0x1010] =	vst v4  }
0x5a: {  	[tilespmem:s16], [sflag:$0x1] =	stream.indirect_vreg.gather [hbm4b:s1+s3], $0x80, v6, vm0, $0xb8;
	[tilespmem:$0x11100] =	vst v63  }
0x5b: {  	s18 =	simm.s32 $0x5900;
	v4 =	vperm.xlane v5, v3  }
0x5c: {  	[tilespmem:s18], [sflag:$0x1] =	stream.indirect_vreg.gather [hbm4b:s6+s3], $0x80, v6, vm0, $0xb8;
	[tilespmem:$0x11100] =	vst v63  }
0x5d: {  	s19 =	simm.s32 $0x6100;
	v4 =	vadd.s32 v2, v4  }
0x5e: {  	[tilespmem:s19], [sflag:$0x1] =	stream.indirect_vreg.gather [hbm4b:s7+s3], $0x80, v6, vm0, $0xb8;
	[tilespmem:$0x11100] =	vst v63  }
0x5f: {  	s20 =	simm.s32 $0x6900  }
0x60: {  	[tilespmem:s20], [sflag:$0x1] =	stream.indirect_vreg.gather [hbm4b:s8+s3], $0x80, v6, vm0, $0xb8;
	[tilespmem:$0x11100] =	vst v63  }
0x61: {  	s21 =	simm.s32 $0x7100  }
0x62: {  	[tilespmem:s21], [sflag:$0x1] =	stream.indirect_vreg.gather [hbm4b:s1+s3], $0x80, v4, vm0, $0xb8;
	[tilespmem:$0x11100] =	vst v63  }
0x63: {  	s22 =	simm.s32 $0x7900  }
0x64: {  	[tilespmem:s22], [sflag:$0x1] =	stream.indirect_vreg.gather [hbm4b:s6+s3], $0x80, v4, vm0, $0xb8;
	[tilespmem:$0x11100] =	vst v63  }
0x65: {  	s23 =	simm.s32 $0x8100  }
0x66: {  	[tilespmem:s23], [sflag:$0x1] =	stream.indirect_vreg.gather [hbm4b:s7+s3], $0x80, v4, vm0, $0xb8;
	[tilespmem:$0x11100] =	vst v63  }
0x67: {  	s24 =	simm.s32 $0x8900  }
0x68: {  	[tilespmem:s24], [sflag:$0x1] =	stream.indirect_vreg.gather [hbm4b:s8+s3], $0x80, v4, vm0, $0xb8;
	[tilespmem:$0x11100] =	vst v63  }
0x69: {  	v4 =	vld [tilespmem:s5+$0x20];
	_ =	sdelay $0x4  }
0x6a: {  	v5 =	vadd.s32 $0xFFFFFFF6, v4  }
0x6b: {  	vm1 =	vgt.s32 v5, $0x0  }
0x6c: {  	v5 =	vnsel vm1, $0x0, v5  }
0x6d: {  	v5 =	vmin.u32 v5, $0x7FF;
	_ =	sdelay $0x4  }
0x6e: {  	vm2 =	veq.s32 v4, $0x2;
	v22 =	vadd.s32 $0xC44B, v4;
	v5 =	vld.idx.msk [tilespmem:v5+s9+$0x0], $0xffff  }
0x6f: {  	vm3 =	vlt.s32 v4, $0x7;
	v21 =	vsel vm2, $0x1, v0;
	vm2 =	vlt.s32 v4, $0x9  }
0x70: {  	v23 =	vadd.s32 $0xC451, v4;
	vm1 =	veq.s32 v4, $0x1;
	v7 =	vnsel vm2, $0xC451, v22  }
0x71: {  	v6 =	vsel vm1, $0x2, v21;
	vm1 =	vlt.s32 v4, $0x3;
	v7 =	vsel vm3, v23, v7  }
0x72: {  	vm2 =	vlt.s32 v4, $0xA;
	v4 =	vsel vm1, v6, v7  }
0x73: {  	v4 =	vsel vm2, v4, v5  }
0x74: {  	v5 =	vshll.u32 v4, $0x3  }
0x75: {  	v24 =	vand.u32 $0x7, v4;
	v5 =	vand.u32 $0xFFFFFFC0, v5  }
0x76: {  	v5 =	vor.u32 v24, v5  }
0x77: {  	v6 =	vperm.xlane v5, v1;
	_ =	sdelay $0x1  }
0x78: {  	v6 =	vadd.s32 v2, v6;
	_ =	sdelay $0x3  }
0x79: {  	s25 =	simm.s32 $0x9100;
	[tilespmem:$0x1020] =	vst v4  }
0x7a: {  	[tilespmem:s25], [sflag:$0x1] =	stream.indirect_vreg.gather [hbm4b:s1+s3], $0x80, v6, vm0, $0xb8;
	[tilespmem:$0x11100] =	vst v63  }
0x7b: {  	s26 =	simm.s32 $0x9900;
	v4 =	vperm.xlane v5, v3  }
0x7c: {  	[tilespmem:s26], [sflag:$0x1] =	stream.indirect_vreg.gather [hbm4b:s6+s3], $0x80, v6, vm0, $0xb8;
	[tilespmem:$0x11100] =	vst v63  }
0x7d: {  	s29 =	simm.s32 $0xA100;
	v4 =	vadd.s32 v2, v4  }
0x7e: {  	[tilespmem:s29], [sflag:$0x1] =	stream.indirect_vreg.gather [hbm4b:s7+s3], $0x80, v6, vm0, $0xb8;
	[tilespmem:$0x11100] =	vst v63  }
0x7f: {  	s30 =	simm.s32 $0xA900  }
0x80: {  	[tilespmem:s30], [sflag:$0x1] =	stream.indirect_vreg.gather [hbm4b:s8+s3], $0x80, v6, vm0, $0xb8;
	[tilespmem:$0x11100] =	vst v63  }
0x81: {  	s31 =	simm.s32 $0xB100  }
0x82: {  	[tilespmem:s31], [sflag:$0x1] =	stream.indirect_vreg.gather [hbm4b:s1+s3], $0x80, v4, vm0, $0xb8;
	[tilespmem:$0x11100] =	vst v63  }
0x83: {  	s11 =	simm.s32 $0xB900  }
0x84: {  	[tilespmem:s11], [sflag:$0x1] =	stream.indirect_vreg.gather [hbm4b:s6+s3], $0x80, v4, vm0, $0xb8;
	[tilespmem:$0x11100] =	vst v63  }
0x85: {  	s13 =	simm.s32 $0xC100  }
0x86: {  	[tilespmem:s13], [sflag:$0x1] =	stream.indirect_vreg.gather [hbm4b:s7+s3], $0x80, v4, vm0, $0xb8;
	[tilespmem:$0x11100] =	vst v63  }
0x87: {  	s14 =	simm.s32 $0xC900  }
0x88: {  	[tilespmem:s14], [sflag:$0x1] =	stream.indirect_vreg.gather [hbm4b:s8+s3], $0x80, v4, vm0, $0xb8;
	[tilespmem:$0x11100] =	vst v63  }
0x89: {  	v4 =	vld [tilespmem:s5+$0x30];
	_ =	sdelay $0x4  }
0x8a: {  	v5 =	vadd.s32 $0xFFFFFFF6, v4  }
0x8b: {  	vm1 =	vgt.s32 v5, $0x0  }
0x8c: {  	v5 =	vnsel vm1, $0x0, v5  }
0x8d: {  	v5 =	vmin.u32 v5, $0x7FF;
	_ =	sdelay $0x4  }
0x8e: {  	vm2 =	veq.s32 v4, $0x2;
	v26 =	vadd.s32 $0xC44B, v4;
	v5 =	vld.idx.msk [tilespmem:v5+s9+$0x0], $0xffff  }
0x8f: {  	vm3 =	vlt.s32 v4, $0x7;
	v25 =	vsel vm2, $0x1, v0;
	vm2 =	vlt.s32 v4, $0x9  }
0x90: {  	v27 =	vadd.s32 $0xC451, v4;
	vm1 =	veq.s32 v4, $0x1;
	v7 =	vnsel vm2, $0xC451, v26  }
0x91: {  	v6 =	vsel vm1, $0x2, v25;
	vm1 =	vlt.s32 v4, $0x3;
	v7 =	vsel vm3, v27, v7  }
0x92: {  	vm2 =	vlt.s32 v4, $0xA;
	v4 =	vsel vm1, v6, v7  }
0x93: {  	v4 =	vsel vm2, v4, v5  }
0x94: {  	[tilespmem:$0x1030] =	vst v4  }
0x95: {  	v4 =	vld [tilespmem:s5+$0x40];
	_ =	sdelay $0x4  }
0x96: {  	v5 =	vadd.s32 $0xFFFFFFF6, v4  }
0x97: {  	vm1 =	vgt.s32 v5, $0x0  }
0x98: {  	v5 =	vnsel vm1, $0x0, v5  }
0x99: {  	v5 =	vmin.u32 v5, $0x7FF;
	_ =	sdelay $0x4  }
0x9a: {  	vm2 =	veq.s32 v4, $0x2;
	v29 =	vadd.s32 $0xC44B, v4;
	v5 =	vld.idx.msk [tilespmem:v5+s9+$0x0], $0xffff  }
0x9b: {  	vm3 =	vlt.s32 v4, $0x7;
	v28 =	vsel vm2, $0x1, v0;
	vm2 =	vlt.s32 v4, $0x9  }
0x9c: {  	v30 =	vadd.s32 $0xC451, v4;
	vm1 =	veq.s32 v4, $0x1;
	v7 =	vnsel vm2, $0xC451, v29  }
0x9d: {  	v6 =	vsel vm1, $0x2, v28;
	vm1 =	vlt.s32 v4, $0x3;
	v7 =	vsel vm3, v30, v7  }
0x9e: {  	vm2 =	vlt.s32 v4, $0xA;
	v4 =	vsel vm1, v6, v7  }
0x9f: {  	v4 =	vsel vm2, v4, v5  }
0xa0: {  	[tilespmem:$0x1040] =	vst v4  }
0xa1: {  	v4 =	vld [tilespmem:s5+$0x50];
	_ =	sdelay $0x4  }
0xa2: {  	v5 =	vadd.s32 $0xFFFFFFF6, v4  }
0xa3: {  	vm1 =	vgt.s32 v5, $0x0  }
0xa4: {  	v5 =	vnsel vm1, $0x0, v5  }
0xa5: {  	v5 =	vmin.u32 v5, $0x7FF;
	_ =	sdelay $0x4  }
0xa6: {  	vm2 =	veq.s32 v4, $0x2;
	v32 =	vadd.s32 $0xC44B, v4;
	v5 =	vld.idx.msk [tilespmem:v5+s9+$0x0], $0xffff  }
0xa7: {  	vm3 =	vlt.s32 v4, $0x7;
	v31 =	vsel vm2, $0x1, v0;
	vm2 =	vlt.s32 v4, $0x9  }
0xa8: {  	v33 =	vadd.s32 $0xC451, v4;
	vm1 =	veq.s32 v4, $0x1;
	v7 =	vnsel vm2, $0xC451, v32  }
0xa9: {  	v6 =	vsel vm1, $0x2, v31;
	vm1 =	vlt.s32 v4, $0x3;
	v7 =	vsel vm3, v33, v7  }
0xaa: {  	vm2 =	vlt.s32 v4, $0xA;
	v4 =	vsel vm1, v6, v7  }
0xab: {  	v4 =	vsel vm2, v4, v5  }
0xac: {  	[tilespmem:$0x1050] =	vst v4  }
0xad: {  	v4 =	vld [tilespmem:s5+$0x60];
	_ =	sdelay $0x4  }
0xae: {  	v5 =	vadd.s32 $0xFFFFFFF6, v4  }
0xaf: {  	vm1 =	vgt.s32 v5, $0x0  }
0xb0: {  	v5 =	vnsel vm1, $0x0, v5  }
0xb1: {  	v5 =	vmin.u32 v5, $0x7FF;
	_ =	sdelay $0x4  }
0xb2: {  	vm2 =	veq.s32 v4, $0x2;
	v35 =	vadd.s32 $0xC44B, v4;
	v5 =	vld.idx.msk [tilespmem:v5+s9+$0x0], $0xffff  }
0xb3: {  	vm3 =	vlt.s32 v4, $0x7;
	v34 =	vsel vm2, $0x1, v0;
	vm2 =	vlt.s32 v4, $0x9  }
0xb4: {  	v36 =	vadd.s32 $0xC451, v4;
	vm1 =	veq.s32 v4, $0x1;
	v7 =	vnsel vm2, $0xC451, v35  }
0xb5: {  	v6 =	vsel vm1, $0x2, v34;
	vm1 =	vlt.s32 v4, $0x3;
	v7 =	vsel vm3, v36, v7  }
0xb6: {  	vm2 =	vlt.s32 v4, $0xA;
	v4 =	vsel vm1, v6, v7  }
0xb7: {  	v4 =	vsel vm2, v4, v5  }
0xb8: {  	[tilespmem:$0x1060] =	vst v4  }
0xb9: {  	v4 =	vld [tilespmem:s5+$0x70];
	_ =	sdelay $0x4  }
0xba: {  	v5 =	vadd.s32 $0xFFFFFFF6, v4  }
0xbb: {  	vm1 =	vgt.s32 v5, $0x0  }
0xbc: {  	v5 =	vnsel vm1, $0x0, v5  }
0xbd: {  	v5 =	vmin.u32 v5, $0x7FF;
	_ =	sdelay $0x4  }
0xbe: {  	vm2 =	veq.s32 v4, $0x2;
	v38 =	vadd.s32 $0xC44B, v4;
	v5 =	vld.idx.msk [tilespmem:v5+s9+$0x0], $0xffff  }
0xbf: {  	vm3 =	vlt.s32 v4, $0x7;
	v37 =	vsel vm2, $0x1, v0;
	vm2 =	vlt.s32 v4, $0x9  }
0xc0: {  	v39 =	vadd.s32 $0xC451, v4;
	vm1 =	veq.s32 v4, $0x1;
	v7 =	vnsel vm2, $0xC451, v38  }
0xc1: {  	v6 =	vsel vm1, $0x2, v37;
	vm1 =	vlt.s32 v4, $0x3;
	v7 =	vsel vm3, v39, v7  }
0xc2: {  	vm2 =	vlt.s32 v4, $0xA;
	v4 =	vsel vm1, v6, v7  }
0xc3: {  	v4 =	vsel vm2, v4, v5  }
0xc4: {  	[tilespmem:$0x1070] =	vst v4  }
0xc5: {  	v4 =	vld [tilespmem:s5+$0x80];
	_ =	sdelay $0x4  }
0xc6: {  	v5 =	vadd.s32 $0xFFFFFFF6, v4  }
0xc7: {  	vm1 =	vgt.s32 v5, $0x0  }
0xc8: {  	v5 =	vnsel vm1, $0x0, v5  }
0xc9: {  	v5 =	vmin.u32 v5, $0x7FF;
	_ =	sdelay $0x4  }
0xca: {  	vm2 =	veq.s32 v4, $0x2;
	v41 =	vadd.s32 $0xC44B, v4;
	v5 =	vld.idx.msk [tilespmem:v5+s9+$0x0], $0xffff  }
0xcb: {  	vm3 =	vlt.s32 v4, $0x7;
	v40 =	vsel vm2, $0x1, v0;
	vm2 =	vlt.s32 v4, $0x9  }
0xcc: {  	v42 =	vadd.s32 $0xC451, v4;
	vm1 =	veq.s32 v4, $0x1;
	v7 =	vnsel vm2, $0xC451, v41  }
0xcd: {  	v6 =	vsel vm1, $0x2, v40;
	vm1 =	vlt.s32 v4, $0x3;
	v7 =	vsel vm3, v42, v7  }
0xce: {  	vm2 =	vlt.s32 v4, $0xA;
	v4 =	vsel vm1, v6, v7  }
0xcf: {  	v4 =	vsel vm2, v4, v5  }
0xd0: {  	[tilespmem:$0x1080] =	vst v4  }
0xd1: {  	v4 =	vld [tilespmem:s5+$0x90];
	_ =	sdelay $0x4  }
0xd2: {  	v5 =	vadd.s32 $0xFFFFFFF6, v4  }
0xd3: {  	vm1 =	vgt.s32 v5, $0x0  }
0xd4: {  	v5 =	vnsel vm1, $0x0, v5  }
0xd5: {  	v5 =	vmin.u32 v5, $0x7FF;
	_ =	sdelay $0x4  }
0xd6: {  	vm2 =	veq.s32 v4, $0x2;
	v44 =	vadd.s32 $0xC44B, v4;
	v5 =	vld.idx.msk [tilespmem:v5+s9+$0x0], $0xffff  }
0xd7: {  	vm3 =	vlt.s32 v4, $0x7;
	v43 =	vsel vm2, $0x1, v0;
	vm2 =	vlt.s32 v4, $0x9  }
0xd8: {  	v45 =	vadd.s32 $0xC451, v4;
	vm1 =	veq.s32 v4, $0x1;
	v7 =	vnsel vm2, $0xC451, v44  }
0xd9: {  	v6 =	vsel vm1, $0x2, v43;
	vm1 =	vlt.s32 v4, $0x3;
	v7 =	vsel vm3, v45, v7  }
0xda: {  	vm2 =	vlt.s32 v4, $0xA;
	v4 =	vsel vm1, v6, v7  }
0xdb: {  	v4 =	vsel vm2, v4, v5  }
0xdc: {  	[tilespmem:$0x1090] =	vst v4  }
0xdd: {  	v4 =	vld [tilespmem:s5+$0xA0];
	_ =	sdelay $0x4  }
0xde: {  	v5 =	vadd.s32 $0xFFFFFFF6, v4  }
0xdf: {  	vm1 =	vgt.s32 v5, $0x0  }
0xe0: {  	v5 =	vnsel vm1, $0x0, v5  }
0xe1: {  	v5 =	vmin.u32 v5, $0x7FF;
	_ =	sdelay $0x4  }
0xe2: {  	vm2 =	veq.s32 v4, $0x2;
	v47 =	vadd.s32 $0xC44B, v4;
	v5 =	vld.idx.msk [tilespmem:v5+s9+$0x0], $0xffff  }
0xe3: {  	vm3 =	vlt.s32 v4, $0x7;
	v46 =	vsel vm2, $0x1, v0;
	vm2 =	vlt.s32 v4, $0x9  }
0xe4: {  	v48 =	vadd.s32 $0xC451, v4;
	vm1 =	veq.s32 v4, $0x1;
	v7 =	vnsel vm2, $0xC451, v47  }
0xe5: {  	v6 =	vsel vm1, $0x2, v46;
	vm1 =	vlt.s32 v4, $0x3;
	v7 =	vsel vm3, v48, v7  }
0xe6: {  	vm2 =	vlt.s32 v4, $0xA;
	v4 =	vsel vm1, v6, v7  }
0xe7: {  	v4 =	vsel vm2, v4, v5  }
0xe8: {  	[tilespmem:$0x10A0] =	vst v4  }
0xe9: {  	v4 =	vld [tilespmem:s5+$0xB0];
	_ =	sdelay $0x4  }
0xea: {  	v5 =	vadd.s32 $0xFFFFFFF6, v4  }
0xeb: {  	vm1 =	vgt.s32 v5, $0x0  }
0xec: {  	v5 =	vnsel vm1, $0x0, v5  }
0xed: {  	v5 =	vmin.u32 v5, $0x7FF;
	_ =	sdelay $0x4  }
0xee: {  	vm2 =	veq.s32 v4, $0x2;
	v50 =	vadd.s32 $0xC44B, v4;
	v5 =	vld.idx.msk [tilespmem:v5+s9+$0x0], $0xffff  }
0xef: {  	vm3 =	vlt.s32 v4, $0x7;
	v49 =	vsel vm2, $0x1, v0;
	vm2 =	vlt.s32 v4, $0x9  }
0xf0: {  	v51 =	vadd.s32 $0xC451, v4;
	vm1 =	veq.s32 v4, $0x1;
	v7 =	vnsel vm2, $0xC451, v50  }
0xf1: {  	v6 =	vsel vm1, $0x2, v49;
	vm1 =	vlt.s32 v4, $0x3;
	v7 =	vsel vm3, v51, v7  }
0xf2: {  	vm2 =	vlt.s32 v4, $0xA;
	v4 =	vsel vm1, v6, v7  }
0xf3: {  	v4 =	vsel vm2, v4, v5  }
0xf4: {  	[tilespmem:$0x10B0] =	vst v4  }
0xf5: {  	v4 =	vld [tilespmem:s5+$0xC0];
	_ =	sdelay $0x4  }
0xf6: {  	v5 =	vadd.s32 $0xFFFFFFF6, v4  }
0xf7: {  	vm1 =	vgt.s32 v5, $0x0  }
0xf8: {  	v5 =	vnsel vm1, $0x0, v5  }
0xf9: {  	v5 =	vmin.u32 v5, $0x7FF;
	_ =	sdelay $0x4  }
0xfa: {  	vm2 =	veq.s32 v4, $0x2;
	v53 =	vadd.s32 $0xC44B, v4;
	v5 =	vld.idx.msk [tilespmem:v5+s9+$0x0], $0xffff  }
0xfb: {  	vm3 =	vlt.s32 v4, $0x7;
	v52 =	vsel vm2, $0x1, v0;
	vm2 =	vlt.s32 v4, $0x9  }
0xfc: {  	v54 =	vadd.s32 $0xC451, v4;
	vm1 =	veq.s32 v4, $0x1;
	v7 =	vnsel vm2, $0xC451, v53  }
0xfd: {  	v6 =	vsel vm1, $0x2, v52;
	vm1 =	vlt.s32 v4, $0x3;
	v7 =	vsel vm3, v54, v7  }
0xfe: {  	vm2 =	vlt.s32 v4, $0xA;
	v4 =	vsel vm1, v6, v7  }
0xff: {  	v4 =	vsel vm2, v4, v5  }
0x100: {  	[tilespmem:$0x10C0] =	vst v4  }
0x101: {  	v4 =	vld [tilespmem:s5+$0xD0];
	_ =	sdelay $0x4  }
0x102: {  	v5 =	vadd.s32 $0xFFFFFFF6, v4  }
0x103: {  	vm1 =	vgt.s32 v5, $0x0  }
0x104: {  	v5 =	vnsel vm1, $0x0, v5  }
0x105: {  	v5 =	vmin.u32 v5, $0x7FF;
	_ =	sdelay $0x4  }
0x106: {  	vm2 =	veq.s32 v4, $0x2;
	v56 =	vadd.s32 $0xC44B, v4;
	v5 =	vld.idx.msk [tilespmem:v5+s9+$0x0], $0xffff  }
0x107: {  	vm3 =	vlt.s32 v4, $0x7;
	v55 =	vsel vm2, $0x1, v0;
	vm2 =	vlt.s32 v4, $0x9  }
0x108: {  	v57 =	vadd.s32 $0xC451, v4;
	vm1 =	veq.s32 v4, $0x1;
	v7 =	vnsel vm2, $0xC451, v56  }
0x109: {  	v6 =	vsel vm1, $0x2, v55;
	vm1 =	vlt.s32 v4, $0x3;
	v7 =	vsel vm3, v57, v7  }
0x10a: {  	vm2 =	vlt.s32 v4, $0xA;
	v4 =	vsel vm1, v6, v7  }
0x10b: {  	v4 =	vsel vm2, v4, v5  }
0x10c: {  	[tilespmem:$0x10D0] =	vst v4  }
0x10d: {  	v4 =	vld [tilespmem:s5+$0xE0];
	_ =	sdelay $0x4  }
0x10e: {  	v5 =	vadd.s32 $0xFFFFFFF6, v4  }
0x10f: {  	vm1 =	vgt.s32 v5, $0x0  }
0x110: {  	v5 =	vnsel vm1, $0x0, v5  }
0x111: {  	v5 =	vmin.u32 v5, $0x7FF;
	_ =	sdelay $0x4  }
0x112: {  	vm2 =	veq.s32 v4, $0x2;
	v59 =	vadd.s32 $0xC44B, v4;
	v5 =	vld.idx.msk [tilespmem:v5+s9+$0x0], $0xffff  }
0x113: {  	vm3 =	vlt.s32 v4, $0x7;
	v58 =	vsel vm2, $0x1, v0;
	vm2 =	vlt.s32 v4, $0x9  }
0x114: {  	v60 =	vadd.s32 $0xC451, v4;
	vm1 =	veq.s32 v4, $0x1;
	v7 =	vnsel vm2, $0xC451, v59  }
0x115: {  	v6 =	vsel vm1, $0x2, v58;
	vm1 =	vlt.s32 v4, $0x3;
	v7 =	vsel vm3, v60, v7  }
0x116: {  	vm2 =	vlt.s32 v4, $0xA;
	v4 =	vsel vm1, v6, v7  }
0x117: {  	v4 =	vsel vm2, v4, v5  }
0x118: {  	[tilespmem:$0x10E0] =	vst v4  }
0x119: {  	v4 =	vld [tilespmem:s5+$0xF0];
	_ =	sdelay $0x4  }
0x11a: {  	v5 =	vadd.s32 $0xFFFFFFF6, v4  }
0x11b: {  	vm1 =	vgt.s32 v5, $0x0  }
0x11c: {  	v5 =	vnsel vm1, $0x0, v5  }
0x11d: {  	v5 =	vmin.u32 v5, $0x7FF;
	_ =	sdelay $0x4  }
0x11e: {  	vm2 =	veq.s32 v4, $0x2;
	v62 =	vadd.s32 $0xC44B, v4;
	v5 =	vld.idx.msk [tilespmem:v5+s9+$0x0], $0xffff  }
0x11f: {  	vm3 =	vlt.s32 v4, $0x7;
	v61 =	vsel vm2, $0x1, v0;
	vm2 =	vlt.s32 v4, $0x9  }
0x120: {  	v63 =	vadd.s32 $0xC451, v4;
	vm1 =	veq.s32 v4, $0x1;
	v7 =	vnsel vm2, $0xC451, v62  }
0x121: {  	v7 =	vsel vm3, v63, v7;
	v6 =	vsel vm1, $0x2, v61;
	vm1 =	vlt.s32 v4, $0x3  }
0x122: {  	vm2 =	vlt.s32 v4, $0xA;
	v4 =	vsel vm1, v6, v7  }
0x123: {  	s15 =	rddreg [dreg:$0x8];
	v4 =	vsel vm2, v4, v5  }
0x124: {  	s30 =	rddreg [dreg:$0x18];
	[tilespmem:$0x10F0] =	vst v4  }
0x125: {  	[hbm4b:s15+s0] =	stream.strided.scatter [tilespmem:s30], [sflag:$0x3], $0x100, s2, s0, $0x38;
	[tilespmem:$0x11100] =	vst v63  }
0x126: {  	_ =	swait.ge [sflag:s10], $0x100  }
0x127: {  	[sflag:s10] =	ssyncset.done $0x0  }
0x128: {  	[sflag:s10] =	ssyncadd.s32 $0xFFFFFF00  }
0x129: {  	_ =	swait.ge [sflag:s17], $0x4000  }
0x12a: {  	[sflag:s17] =	ssyncset.done $0x0  }
0x12b: {  	s18 =	simm.s32 $0x1100;
	s16 =	rddreg [dreg:$0x19];
	[sflag:s17] =	ssyncadd.s32 $0xFFFFC000  }
0x12c: {  	[hbm4b:s16+s3] =	stream.linear.scatter [tilespmem:s18], [sflag:$0x2], $0x4000, $0x38;
	[tilespmem:$0x11100] =	vst v63  }
0x12d: {  	v4 =	vld [tilespmem:$0x1030];
	_ =	sdelay $0x4  }
0x12e: {  	v5 =	vshll.u32 v4, $0x3  }
0x12f: {  	v4 =	vand.u32 $0x7, v4;
	v5 =	vand.u32 $0xFFFFFFC0, v5  }
0x130: {  	v4 =	vor.u32 v4, v5  }
0x131: {  	v5 =	vperm.xlane v4, v1;
	_ =	sdelay $0x1  }
0x132: {  	v5 =	vadd.s32 v2, v5;
	_ =	sdelay $0x4  }
0x133: {  	[tilespmem:s12], [sflag:$0x1] =	stream.indirect_vreg.gather [hbm4b:s1+s3], $0x80, v5, vm0, $0xb8;
	[tilespmem:$0x11100] =	vst v63  }
0x134: {  	s19 =	simm.s32 $0xD900;
	v4 =	vperm.xlane v4, v3  }
0x135: {  	[tilespmem:s19], [sflag:$0x1] =	stream.indirect_vreg.gather [hbm4b:s6+s3], $0x80, v5, vm0, $0xb8;
	[tilespmem:$0x11100] =	vst v63  }
0x136: {  	s20 =	simm.s32 $0xE100;
	v4 =	vadd.s32 v2, v4  }
0x137: {  	[tilespmem:s20], [sflag:$0x1] =	stream.indirect_vreg.gather [hbm4b:s7+s3], $0x80, v5, vm0, $0xb8;
	[tilespmem:$0x11100] =	vst v63  }
0x138: {  	s21 =	simm.s32 $0xE900  }
0x139: {  	[tilespmem:s21], [sflag:$0x1] =	stream.indirect_vreg.gather [hbm4b:s8+s3], $0x80, v5, vm0, $0xb8;
	[tilespmem:$0x11100] =	vst v63  }
0x13a: {  	s22 =	simm.s32 $0xF100  }
0x13b: {  	[tilespmem:s22], [sflag:$0x1] =	stream.indirect_vreg.gather [hbm4b:s1+s3], $0x80, v4, vm0, $0xb8;
	[tilespmem:$0x11100] =	vst v63  }
0x13c: {  	s23 =	simm.s32 $0xF900  }
0x13d: {  	[tilespmem:s23], [sflag:$0x1] =	stream.indirect_vreg.gather [hbm4b:s6+s3], $0x80, v4, vm0, $0xb8;
	[tilespmem:$0x11100] =	vst v63  }
0x13e: {  	s24 =	simm.s32 $0x10100  }
0x13f: {  	[tilespmem:s24], [sflag:$0x1] =	stream.indirect_vreg.gather [hbm4b:s7+s3], $0x80, v4, vm0, $0xb8;
	[tilespmem:$0x11100] =	vst v63  }
0x140: {  	s25 =	simm.s32 $0x10900  }
0x141: {  	[tilespmem:s25], [sflag:$0x1] =	stream.indirect_vreg.gather [hbm4b:s8+s3], $0x80, v4, vm0, $0xb8;
	[tilespmem:$0x11100] =	vst v63  }
0x142: {  	_ =	swait.ge [sflag:s17], $0x4000  }
0x143: {  	[sflag:s17] =	ssyncset.done $0x0  }
0x144: {  	s30 =	simm.s32 $0x5100;
	s26 =	rddreg [dreg:$0x9];
	[sflag:s17] =	ssyncadd.s32 $0xFFFFC000  }
0x145: {  	[hbm4b:s26+s3] =	stream.linear.scatter [tilespmem:s30], [sflag:$0x2], $0x4000, $0x38;
	[tilespmem:$0x11100] =	vst v63  }
0x146: {  	_ =	swait.ge [sflag:s28], $0x4000  }
0x147: {  	[sflag:s28] =	ssyncset.done $0x0  }
0x148: {  	[sflag:s28] =	ssyncadd.s32 $0xFFFFC000  }
0x149: {  	v4 =	vld [tilespmem:$0x1040];
	_ =	sdelay $0x4  }
0x14a: {  	v5 =	vshll.u32 v4, $0x3  }
0x14b: {  	v4 =	vand.u32 $0x7, v4;
	v5 =	vand.u32 $0xFFFFFFC0, v5  }
0x14c: {  	v4 =	vor.u32 v4, v5  }
0x14d: {  	v5 =	vperm.xlane v4, v1;
	_ =	sdelay $0x1  }
0x14e: {  	v5 =	vadd.s32 v2, v5;
	_ =	sdelay $0x4  }
0x14f: {  	[tilespmem:s18], [sflag:$0x1] =	stream.indirect_vreg.gather [hbm4b:s1+s3], $0x80, v5, vm0, $0xb8;
	[tilespmem:$0x11100] =	vst v63  }
0x150: {  	s20 =	simm.s32 $0x1900;
	v4 =	vperm.xlane v4, v3  }
0x151: {  	[tilespmem:s20], [sflag:$0x1] =	stream.indirect_vreg.gather [hbm4b:s6+s3], $0x80, v5, vm0, $0xb8;
	[tilespmem:$0x11100] =	vst v63  }
0x152: {  	s25 =	simm.s32 $0x2100;
	v4 =	vadd.s32 v2, v4  }
0x153: {  	[tilespmem:s25], [sflag:$0x1] =	stream.indirect_vreg.gather [hbm4b:s7+s3], $0x80, v5, vm0, $0xb8;
	[tilespmem:$0x11100] =	vst v63  }
0x154: {  	s26 =	simm.s32 $0x2900  }
0x155: {  	[tilespmem:s26], [sflag:$0x1] =	stream.indirect_vreg.gather [hbm4b:s8+s3], $0x80, v5, vm0, $0xb8;
	[tilespmem:$0x11100] =	vst v63  }
0x156: {  	s15 =	simm.s32 $0x3100  }
0x157: {  	[tilespmem:s15], [sflag:$0x1] =	stream.indirect_vreg.gather [hbm4b:s1+s3], $0x80, v4, vm0, $0xb8;
	[tilespmem:$0x11100] =	vst v63  }
0x158: {  	s16 =	simm.s32 $0x3900  }
0x159: {  	[tilespmem:s16], [sflag:$0x1] =	stream.indirect_vreg.gather [hbm4b:s6+s3], $0x80, v4, vm0, $0xb8;
	[tilespmem:$0x11100] =	vst v63  }
0x15a: {  	s19 =	simm.s32 $0x4100  }
0x15b: {  	[tilespmem:s19], [sflag:$0x1] =	stream.indirect_vreg.gather [hbm4b:s7+s3], $0x80, v4, vm0, $0xb8;
	[tilespmem:$0x11100] =	vst v63  }
0x15c: {  	s21 =	simm.s32 $0x4900  }
0x15d: {  	[tilespmem:s21], [sflag:$0x1] =	stream.indirect_vreg.gather [hbm4b:s8+s3], $0x80, v4, vm0, $0xb8;
	[tilespmem:$0x11100] =	vst v63  }
0x15e: {  	_ =	swait.ge [sflag:s17], $0x4000  }
0x15f: {  	[sflag:s17] =	ssyncset.done $0x0  }
0x160: {  	s0 =	simm.s32 $0x9100;
	s31 =	rddreg [dreg:$0xa];
	[sflag:s17] =	ssyncadd.s32 $0xFFFFC000  }
0x161: {  	[hbm4b:s31+s3] =	stream.linear.scatter [tilespmem:s0], [sflag:$0x2], $0x4000, $0x38;
	[tilespmem:$0x11100] =	vst v63  }
0x162: {  	_ =	swait.ge [sflag:s28], $0x4000  }
0x163: {  	[sflag:s28] =	ssyncset.done $0x0  }
0x164: {  	[sflag:s28] =	ssyncadd.s32 $0xFFFFC000  }
0x165: {  	v4 =	vld [tilespmem:$0x1050];
	_ =	sdelay $0x4  }
0x166: {  	v5 =	vshll.u32 v4, $0x3  }
0x167: {  	v4 =	vand.u32 $0x7, v4;
	v5 =	vand.u32 $0xFFFFFFC0, v5  }
0x168: {  	v4 =	vor.u32 v4, v5  }
0x169: {  	v5 =	vperm.xlane v4, v1;
	_ =	sdelay $0x1  }
0x16a: {  	v5 =	vadd.s32 v2, v5;
	_ =	sdelay $0x4  }
0x16b: {  	[tilespmem:s30], [sflag:$0x1] =	stream.indirect_vreg.gather [hbm4b:s1+s3], $0x80, v5, vm0, $0xb8;
	[tilespmem:$0x11100] =	vst v63  }
0x16c: {  	s18 =	simm.s32 $0x5900;
	v4 =	vperm.xlane v4, v3  }
0x16d: {  	[tilespmem:s18], [sflag:$0x1] =	stream.indirect_vreg.gather [hbm4b:s6+s3], $0x80, v5, vm0, $0xb8;
	[tilespmem:$0x11100] =	vst v63  }
0x16e: {  	s23 =	simm.s32 $0x6100;
	v4 =	vadd.s32 v2, v4  }
0x16f: {  	[tilespmem:s23], [sflag:$0x1] =	stream.indirect_vreg.gather [hbm4b:s7+s3], $0x80, v5, vm0, $0xb8;
	[tilespmem:$0x11100] =	vst v63  }
0x170: {  	s24 =	simm.s32 $0x6900  }
0x171: {  	[tilespmem:s24], [sflag:$0x1] =	stream.indirect_vreg.gather [hbm4b:s8+s3], $0x80, v5, vm0, $0xb8;
	[tilespmem:$0x11100] =	vst v63  }
0x172: {  	s11 =	simm.s32 $0x7100  }
0x173: {  	[tilespmem:s11], [sflag:$0x1] =	stream.indirect_vreg.gather [hbm4b:s1+s3], $0x80, v4, vm0, $0xb8;
	[tilespmem:$0x11100] =	vst v63  }
0x174: {  	s11 =	simm.s32 $0x7900  }
0x175: {  	[tilespmem:s11], [sflag:$0x1] =	stream.indirect_vreg.gather [hbm4b:s6+s3], $0x80, v4, vm0, $0xb8;
	[tilespmem:$0x11100] =	vst v63  }
0x176: {  	s14 =	simm.s32 $0x8100  }
0x177: {  	[tilespmem:s14], [sflag:$0x1] =	stream.indirect_vreg.gather [hbm4b:s7+s3], $0x80, v4, vm0, $0xb8;
	[tilespmem:$0x11100] =	vst v63  }
0x178: {  	s22 =	simm.s32 $0x8900  }
0x179: {  	[tilespmem:s22], [sflag:$0x1] =	stream.indirect_vreg.gather [hbm4b:s8+s3], $0x80, v4, vm0, $0xb8;
	[tilespmem:$0x11100] =	vst v63  }
0x17a: {  	_ =	swait.ge [sflag:s17], $0x4000  }
0x17b: {  	[sflag:s17] =	ssyncset.done $0x0  }
0x17c: {  	s13 =	rddreg [dreg:$0xb];
	[sflag:s17] =	ssyncadd.s32 $0xFFFFC000  }
0x17d: {  	[hbm4b:s13+s3] =	stream.linear.scatter [tilespmem:s12], [sflag:$0x2], $0x4000, $0x38;
	[tilespmem:$0x11100] =	vst v63  }
0x17e: {  	_ =	swait.ge [sflag:s28], $0x4000  }
0x17f: {  	[sflag:s28] =	ssyncset.done $0x0  }
0x180: {  	[sflag:s28] =	ssyncadd.s32 $0xFFFFC000  }
0x181: {  	v4 =	vld [tilespmem:$0x1060];
	_ =	sdelay $0x4  }
0x182: {  	v5 =	vshll.u32 v4, $0x3  }
0x183: {  	v4 =	vand.u32 $0x7, v4;
	v5 =	vand.u32 $0xFFFFFFC0, v5  }
0x184: {  	v4 =	vor.u32 v4, v5  }
0x185: {  	v5 =	vperm.xlane v4, v1;
	_ =	sdelay $0x1  }
0x186: {  	v5 =	vadd.s32 v2, v5;
	_ =	sdelay $0x4  }
0x187: {  	[tilespmem:s0], [sflag:$0x1] =	stream.indirect_vreg.gather [hbm4b:s1+s3], $0x80, v5, vm0, $0xb8;
	[tilespmem:$0x11100] =	vst v63  }
0x188: {  	s29 =	simm.s32 $0x9900;
	v4 =	vperm.xlane v4, v3  }
0x189: {  	[tilespmem:s29], [sflag:$0x1] =	stream.indirect_vreg.gather [hbm4b:s6+s3], $0x80, v5, vm0, $0xb8;
	[tilespmem:$0x11100] =	vst v63  }
0x18a: {  	s31 =	simm.s32 $0xA100;
	v4 =	vadd.s32 v2, v4  }
0x18b: {  	[tilespmem:s31], [sflag:$0x1] =	stream.indirect_vreg.gather [hbm4b:s7+s3], $0x80, v5, vm0, $0xb8;
	[tilespmem:$0x11100] =	vst v63  }
0x18c: {  	s13 =	simm.s32 $0xA900  }
0x18d: {  	[tilespmem:s13], [sflag:$0x1] =	stream.indirect_vreg.gather [hbm4b:s8+s3], $0x80, v5, vm0, $0xb8;
	[tilespmem:$0x11100] =	vst v63  }
0x18e: {  	s30 =	simm.s32 $0xB100  }
0x18f: {  	[tilespmem:s30], [sflag:$0x1] =	stream.indirect_vreg.gather [hbm4b:s1+s3], $0x80, v4, vm0, $0xb8;
	[tilespmem:$0x11100] =	vst v63  }
0x190: {  	s4 =	simm.s32 $0xB900  }
0x191: {  	[tilespmem:s4], [sflag:$0x1] =	stream.indirect_vreg.gather [hbm4b:s6+s3], $0x80, v4, vm0, $0xb8;
	[tilespmem:$0x11100] =	vst v63  }
0x192: {  	s9 =	simm.s32 $0xC100  }
0x193: {  	[tilespmem:s9], [sflag:$0x1] =	stream.indirect_vreg.gather [hbm4b:s7+s3], $0x80, v4, vm0, $0xb8;
	[tilespmem:$0x11100] =	vst v63  }
0x194: {  	s30 =	simm.s32 $0xC900  }
0x195: {  	[tilespmem:s30], [sflag:$0x1] =	stream.indirect_vreg.gather [hbm4b:s8+s3], $0x80, v4, vm0, $0xb8;
	[tilespmem:$0x11100] =	vst v63  }
0x196: {  	_ =	swait.ge [sflag:s17], $0x4000  }
0x197: {  	[sflag:s17] =	ssyncset.done $0x0  }
0x198: {  	s10 =	simm.s32 $0x1100;
	s0 =	rddreg [dreg:$0xc];
	[sflag:s17] =	ssyncadd.s32 $0xFFFFC000  }
0x199: {  	[hbm4b:s0+s3] =	stream.linear.scatter [tilespmem:s10], [sflag:$0x2], $0x4000, $0x38;
	[tilespmem:$0x11100] =	vst v63  }
0x19a: {  	_ =	swait.ge [sflag:s28], $0x4000  }
0x19b: {  	[sflag:s28] =	ssyncset.done $0x0  }
0x19c: {  	[sflag:s28] =	ssyncadd.s32 $0xFFFFC000  }
0x19d: {  	v4 =	vld [tilespmem:$0x1070];
	_ =	sdelay $0x4  }
0x19e: {  	v5 =	vshll.u32 v4, $0x3  }
0x19f: {  	v4 =	vand.u32 $0x7, v4;
	v5 =	vand.u32 $0xFFFFFFC0, v5  }
0x1a0: {  	v4 =	vor.u32 v4, v5  }
0x1a1: {  	v5 =	vperm.xlane v4, v1;
	_ =	sdelay $0x1  }
0x1a2: {  	v5 =	vadd.s32 v2, v5;
	_ =	sdelay $0x4  }
0x1a3: {  	[tilespmem:s12], [sflag:$0x1] =	stream.indirect_vreg.gather [hbm4b:s1+s3], $0x80, v5, vm0, $0xb8;
	[tilespmem:$0x11100] =	vst v63  }
0x1a4: {  	s0 =	simm.s32 $0xD900;
	v4 =	vperm.xlane v4, v3  }
0x1a5: {  	[tilespmem:s0], [sflag:$0x1] =	stream.indirect_vreg.gather [hbm4b:s6+s3], $0x80, v5, vm0, $0xb8;
	[tilespmem:$0x11100] =	vst v63  }
0x1a6: {  	v4 =	vadd.s32 v2, v4;
	s0 =	simm.s32 $0xE100  }
0x1a7: {  	[tilespmem:s0], [sflag:$0x1] =	stream.indirect_vreg.gather [hbm4b:s7+s3], $0x80, v5, vm0, $0xb8;
	[tilespmem:$0x11100] =	vst v63  }
0x1a8: {  	s0 =	simm.s32 $0xE900  }
0x1a9: {  	[tilespmem:s0], [sflag:$0x1] =	stream.indirect_vreg.gather [hbm4b:s8+s3], $0x80, v5, vm0, $0xb8;
	[tilespmem:$0x11100] =	vst v63  }
0x1aa: {  	s0 =	simm.s32 $0xF100  }
0x1ab: {  	[tilespmem:s0], [sflag:$0x1] =	stream.indirect_vreg.gather [hbm4b:s1+s3], $0x80, v4, vm0, $0xb8;
	[tilespmem:$0x11100] =	vst v63  }
0x1ac: {  	s0 =	simm.s32 $0xF900  }
0x1ad: {  	[tilespmem:s0], [sflag:$0x1] =	stream.indirect_vreg.gather [hbm4b:s6+s3], $0x80, v4, vm0, $0xb8;
	[tilespmem:$0x11100] =	vst v63  }
0x1ae: {  	s0 =	simm.s32 $0x10100  }
0x1af: {  	[tilespmem:s0], [sflag:$0x1] =	stream.indirect_vreg.gather [hbm4b:s7+s3], $0x80, v4, vm0, $0xb8;
	[tilespmem:$0x11100] =	vst v63  }
0x1b0: {  	s0 =	simm.s32 $0x10900  }
0x1b1: {  	[tilespmem:s0], [sflag:$0x1] =	stream.indirect_vreg.gather [hbm4b:s8+s3], $0x80, v4, vm0, $0xb8;
	[tilespmem:$0x11100] =	vst v63  }
0x1b2: {  	_ =	swait.ge [sflag:s17], $0x4000  }
0x1b3: {  	[sflag:s17] =	ssyncset.done $0x0  }
0x1b4: {  	s0 =	simm.s32 $0x5100;
	s29 =	rddreg [dreg:$0xd];
	[sflag:s17] =	ssyncadd.s32 $0xFFFFC000  }
0x1b5: {  	[hbm4b:s29+s3] =	stream.linear.scatter [tilespmem:s0], [sflag:$0x2], $0x4000, $0x38;
	[tilespmem:$0x11100] =	vst v63  }
0x1b6: {  	_ =	swait.ge [sflag:s28], $0x4000  }
0x1b7: {  	[sflag:s28] =	ssyncset.done $0x0  }
0x1b8: {  	[sflag:s28] =	ssyncadd.s32 $0xFFFFC000  }
0x1b9: {  	v4 =	vld [tilespmem:$0x1080];
	_ =	sdelay $0x4  }
0x1ba: {  	v5 =	vshll.u32 v4, $0x3  }
0x1bb: {  	v4 =	vand.u32 $0x7, v4;
	v5 =	vand.u32 $0xFFFFFFC0, v5  }
0x1bc: {  	v4 =	vor.u32 v4, v5  }
0x1bd: {  	v5 =	vperm.xlane v4, v1;
	_ =	sdelay $0x1  }
0x1be: {  	v5 =	vadd.s32 v2, v5;
	_ =	sdelay $0x4  }
0x1bf: {  	[tilespmem:s10], [sflag:$0x1] =	stream.indirect_vreg.gather [hbm4b:s1+s3], $0x80, v5, vm0, $0xb8;
	[tilespmem:$0x11100] =	vst v63  }
0x1c0: {  	v4 =	vperm.xlane v4, v3  }
0x1c1: {  	[tilespmem:s20], [sflag:$0x1] =	stream.indirect_vreg.gather [hbm4b:s6+s3], $0x80, v5, vm0, $0xb8;
	[tilespmem:$0x11100] =	vst v63  }
0x1c2: {  	v4 =	vadd.s32 v2, v4  }
0x1c3: {  	[tilespmem:s25], [sflag:$0x1] =	stream.indirect_vreg.gather [hbm4b:s7+s3], $0x80, v5, vm0, $0xb8;
	[tilespmem:$0x11100] =	vst v63  }
0x1c4: {  	_ = 	snop  }
0x1c5: {  	[tilespmem:s26], [sflag:$0x1] =	stream.indirect_vreg.gather [hbm4b:s8+s3], $0x80, v5, vm0, $0xb8;
	[tilespmem:$0x11100] =	vst v63  }
0x1c6: {  	_ = 	snop  }
0x1c7: {  	[tilespmem:s15], [sflag:$0x1] =	stream.indirect_vreg.gather [hbm4b:s1+s3], $0x80, v4, vm0, $0xb8;
	[tilespmem:$0x11100] =	vst v63  }
0x1c8: {  	_ = 	snop  }
0x1c9: {  	[tilespmem:s16], [sflag:$0x1] =	stream.indirect_vreg.gather [hbm4b:s6+s3], $0x80, v4, vm0, $0xb8;
	[tilespmem:$0x11100] =	vst v63  }
0x1ca: {  	_ = 	snop  }
0x1cb: {  	[tilespmem:s19], [sflag:$0x1] =	stream.indirect_vreg.gather [hbm4b:s7+s3], $0x80, v4, vm0, $0xb8;
	[tilespmem:$0x11100] =	vst v63  }
0x1cc: {  	_ = 	snop  }
0x1cd: {  	[tilespmem:s21], [sflag:$0x1] =	stream.indirect_vreg.gather [hbm4b:s8+s3], $0x80, v4, vm0, $0xb8;
	[tilespmem:$0x11100] =	vst v63  }
0x1ce: {  	_ =	swait.ge [sflag:s17], $0x4000  }
0x1cf: {  	[sflag:s17] =	ssyncset.done $0x0  }
0x1d0: {  	s2 =	simm.s32 $0x9100;
	s15 =	rddreg [dreg:$0xe];
	[sflag:s17] =	ssyncadd.s32 $0xFFFFC000  }
0x1d1: {  	[hbm4b:s15+s3] =	stream.linear.scatter [tilespmem:s2], [sflag:$0x2], $0x4000, $0x38;
	[tilespmem:$0x11100] =	vst v63  }
0x1d2: {  	_ =	swait.ge [sflag:s28], $0x4000  }
0x1d3: {  	[sflag:s28] =	ssyncset.done $0x0  }
0x1d4: {  	[sflag:s28] =	ssyncadd.s32 $0xFFFFC000  }
0x1d5: {  	v4 =	vld [tilespmem:$0x1090];
	_ =	sdelay $0x4  }
0x1d6: {  	v5 =	vshll.u32 v4, $0x3  }
0x1d7: {  	v4 =	vand.u32 $0x7, v4;
	v5 =	vand.u32 $0xFFFFFFC0, v5  }
0x1d8: {  	v4 =	vor.u32 v4, v5  }
0x1d9: {  	v5 =	vperm.xlane v4, v1;
	_ =	sdelay $0x1  }
0x1da: {  	v5 =	vadd.s32 v2, v5;
	_ =	sdelay $0x4  }
0x1db: {  	[tilespmem:s0], [sflag:$0x1] =	stream.indirect_vreg.gather [hbm4b:s1+s3], $0x80, v5, vm0, $0xb8;
	[tilespmem:$0x11100] =	vst v63  }
0x1dc: {  	v4 =	vperm.xlane v4, v3  }
0x1dd: {  	[tilespmem:s18], [sflag:$0x1] =	stream.indirect_vreg.gather [hbm4b:s6+s3], $0x80, v5, vm0, $0xb8;
	[tilespmem:$0x11100] =	vst v63  }
0x1de: {  	v4 =	vadd.s32 v2, v4  }
0x1df: {  	[tilespmem:s23], [sflag:$0x1] =	stream.indirect_vreg.gather [hbm4b:s7+s3], $0x80, v5, vm0, $0xb8;
	[tilespmem:$0x11100] =	vst v63  }
0x1e0: {  	_ = 	snop  }
0x1e1: {  	[tilespmem:s24], [sflag:$0x1] =	stream.indirect_vreg.gather [hbm4b:s8+s3], $0x80, v5, vm0, $0xb8;
	[tilespmem:$0x11100] =	vst v63  }
0x1e2: {  	s29 =	simm.s32 $0x7100  }
0x1e3: {  	[tilespmem:s29], [sflag:$0x1] =	stream.indirect_vreg.gather [hbm4b:s1+s3], $0x80, v4, vm0, $0xb8;
	[tilespmem:$0x11100] =	vst v63  }
0x1e4: {  	_ = 	snop  }
0x1e5: {  	[tilespmem:s11], [sflag:$0x1] =	stream.indirect_vreg.gather [hbm4b:s6+s3], $0x80, v4, vm0, $0xb8;
	[tilespmem:$0x11100] =	vst v63  }
0x1e6: {  	_ = 	snop  }
0x1e7: {  	[tilespmem:s14], [sflag:$0x1] =	stream.indirect_vreg.gather [hbm4b:s7+s3], $0x80, v4, vm0, $0xb8;
	[tilespmem:$0x11100] =	vst v63  }
0x1e8: {  	_ = 	snop  }
0x1e9: {  	[tilespmem:s22], [sflag:$0x1] =	stream.indirect_vreg.gather [hbm4b:s8+s3], $0x80, v4, vm0, $0xb8;
	[tilespmem:$0x11100] =	vst v63  }
0x1ea: {  	_ =	swait.ge [sflag:s17], $0x4000  }
0x1eb: {  	[sflag:s17] =	ssyncset.done $0x0  }
0x1ec: {  	s10 =	rddreg [dreg:$0xf];
	[sflag:s17] =	ssyncadd.s32 $0xFFFFC000  }
0x1ed: {  	[hbm4b:s10+s3] =	stream.linear.scatter [tilespmem:s12], [sflag:$0x2], $0x4000, $0x38;
	[tilespmem:$0x11100] =	vst v63  }
0x1ee: {  	_ =	swait.ge [sflag:s28], $0x4000  }
0x1ef: {  	[sflag:s28] =	ssyncset.done $0x0  }
0x1f0: {  	[sflag:s28] =	ssyncadd.s32 $0xFFFFC000  }
0x1f1: {  	v4 =	vld [tilespmem:$0x10A0];
	_ =	sdelay $0x4  }
0x1f2: {  	v5 =	vshll.u32 v4, $0x3  }
0x1f3: {  	v4 =	vand.u32 $0x7, v4;
	v5 =	vand.u32 $0xFFFFFFC0, v5  }
0x1f4: {  	v4 =	vor.u32 v4, v5  }
0x1f5: {  	v5 =	vperm.xlane v4, v1;
	_ =	sdelay $0x1  }
0x1f6: {  	v5 =	vadd.s32 v2, v5;
	_ =	sdelay $0x4  }
0x1f7: {  	[tilespmem:s2], [sflag:$0x1] =	stream.indirect_vreg.gather [hbm4b:s1+s3], $0x80, v5, vm0, $0xb8;
	[tilespmem:$0x11100] =	vst v63  }
0x1f8: {  	s29 =	simm.s32 $0x9900;
	v4 =	vperm.xlane v4, v3  }
0x1f9: {  	[tilespmem:s29], [sflag:$0x1] =	stream.indirect_vreg.gather [hbm4b:s6+s3], $0x80, v5, vm0, $0xb8;
	[tilespmem:$0x11100] =	vst v63  }
0x1fa: {  	v4 =	vadd.s32 v2, v4  }
0x1fb: {  	[tilespmem:s31], [sflag:$0x1] =	stream.indirect_vreg.gather [hbm4b:s7+s3], $0x80, v5, vm0, $0xb8;
	[tilespmem:$0x11100] =	vst v63  }
0x1fc: {  	_ = 	snop  }
0x1fd: {  	[tilespmem:s13], [sflag:$0x1] =	stream.indirect_vreg.gather [hbm4b:s8+s3], $0x80, v5, vm0, $0xb8;
	[tilespmem:$0x11100] =	vst v63  }
0x1fe: {  	s2 =	simm.s32 $0xB100  }
0x1ff: {  	[tilespmem:s2], [sflag:$0x1] =	stream.indirect_vreg.gather [hbm4b:s1+s3], $0x80, v4, vm0, $0xb8;
	[tilespmem:$0x11100] =	vst v63  }
0x200: {  	_ = 	snop  }
0x201: {  	[tilespmem:s4], [sflag:$0x1] =	stream.indirect_vreg.gather [hbm4b:s6+s3], $0x80, v4, vm0, $0xb8;
	[tilespmem:$0x11100] =	vst v63  }
0x202: {  	_ = 	snop  }
0x203: {  	[tilespmem:s9], [sflag:$0x1] =	stream.indirect_vreg.gather [hbm4b:s7+s3], $0x80, v4, vm0, $0xb8;
	[tilespmem:$0x11100] =	vst v63  }
0x204: {  	_ = 	snop  }
0x205: {  	[tilespmem:s30], [sflag:$0x1] =	stream.indirect_vreg.gather [hbm4b:s8+s3], $0x80, v4, vm0, $0xb8;
	[tilespmem:$0x11100] =	vst v63  }
0x206: {  	_ =	swait.ge [sflag:s17], $0x4000  }
0x207: {  	[sflag:s17] =	ssyncset.done $0x0  }
0x208: {  	s0 =	simm.s32 $0x1100;
	s29 =	rddreg [dreg:$0x10];
	[sflag:s17] =	ssyncadd.s32 $0xFFFFC000  }
0x209: {  	[hbm4b:s29+s3] =	stream.linear.scatter [tilespmem:s0], [sflag:$0x2], $0x4000, $0x38;
	[tilespmem:$0x11100] =	vst v63  }
0x20a: {  	_ =	swait.ge [sflag:s28], $0x4000  }
0x20b: {  	[sflag:s28] =	ssyncset.done $0x0  }
0x20c: {  	[sflag:s28] =	ssyncadd.s32 $0xFFFFC000  }
0x20d: {  	v4 =	vld [tilespmem:$0x10B0];
	_ =	sdelay $0x4  }
0x20e: {  	v5 =	vshll.u32 v4, $0x3  }
0x20f: {  	v4 =	vand.u32 $0x7, v4;
	v5 =	vand.u32 $0xFFFFFFC0, v5  }
0x210: {  	v4 =	vor.u32 v4, v5  }
0x211: {  	v5 =	vperm.xlane v4, v1;
	_ =	sdelay $0x1  }
0x212: {  	v5 =	vadd.s32 v2, v5;
	_ =	sdelay $0x4  }
0x213: {  	[tilespmem:s12], [sflag:$0x1] =	stream.indirect_vreg.gather [hbm4b:s1+s3], $0x80, v5, vm0, $0xb8;
	[tilespmem:$0x11100] =	vst v63  }
0x214: {  	s29 =	simm.s32 $0xD900;
	v4 =	vperm.xlane v4, v3  }
0x215: {  	[tilespmem:s29], [sflag:$0x1] =	stream.indirect_vreg.gather [hbm4b:s6+s3], $0x80, v5, vm0, $0xb8;
	[tilespmem:$0x11100] =	vst v63  }
0x216: {  	v4 =	vadd.s32 v2, v4;
	s29 =	simm.s32 $0xE100  }
0x217: {  	[tilespmem:s29], [sflag:$0x1] =	stream.indirect_vreg.gather [hbm4b:s7+s3], $0x80, v5, vm0, $0xb8;
	[tilespmem:$0x11100] =	vst v63  }
0x218: {  	s29 =	simm.s32 $0xE900  }
0x219: {  	[tilespmem:s29], [sflag:$0x1] =	stream.indirect_vreg.gather [hbm4b:s8+s3], $0x80, v5, vm0, $0xb8;
	[tilespmem:$0x11100] =	vst v63  }
0x21a: {  	s29 =	simm.s32 $0xF100  }
0x21b: {  	[tilespmem:s29], [sflag:$0x1] =	stream.indirect_vreg.gather [hbm4b:s1+s3], $0x80, v4, vm0, $0xb8;
	[tilespmem:$0x11100] =	vst v63  }
0x21c: {  	s29 =	simm.s32 $0xF900  }
0x21d: {  	[tilespmem:s29], [sflag:$0x1] =	stream.indirect_vreg.gather [hbm4b:s6+s3], $0x80, v4, vm0, $0xb8;
	[tilespmem:$0x11100] =	vst v63  }
0x21e: {  	s29 =	simm.s32 $0x10100  }
0x21f: {  	[tilespmem:s29], [sflag:$0x1] =	stream.indirect_vreg.gather [hbm4b:s7+s3], $0x80, v4, vm0, $0xb8;
	[tilespmem:$0x11100] =	vst v63  }
0x220: {  	s29 =	simm.s32 $0x10900  }
0x221: {  	[tilespmem:s29], [sflag:$0x1] =	stream.indirect_vreg.gather [hbm4b:s8+s3], $0x80, v4, vm0, $0xb8;
	[tilespmem:$0x11100] =	vst v63  }
0x222: {  	_ =	swait.ge [sflag:s17], $0x4000  }
0x223: {  	[sflag:s17] =	ssyncset.done $0x0  }
0x224: {  	s15 =	simm.s32 $0x5100;
	s29 =	rddreg [dreg:$0x11];
	[sflag:s17] =	ssyncadd.s32 $0xFFFFC000  }
0x225: {  	[hbm4b:s29+s3] =	stream.linear.scatter [tilespmem:s15], [sflag:$0x2], $0x4000, $0x38;
	[tilespmem:$0x11100] =	vst v63  }
0x226: {  	_ =	swait.ge [sflag:s28], $0x4000  }
0x227: {  	[sflag:s28] =	ssyncset.done $0x0  }
0x228: {  	[sflag:s28] =	ssyncadd.s32 $0xFFFFC000  }
0x229: {  	v4 =	vld [tilespmem:$0x10C0];
	_ =	sdelay $0x4  }
0x22a: {  	v5 =	vshll.u32 v4, $0x3  }
0x22b: {  	v4 =	vand.u32 $0x7, v4;
	v5 =	vand.u32 $0xFFFFFFC0, v5  }
0x22c: {  	v4 =	vor.u32 v4, v5  }
0x22d: {  	v5 =	vperm.xlane v4, v1;
	_ =	sdelay $0x1  }
0x22e: {  	v5 =	vadd.s32 v2, v5;
	_ =	sdelay $0x4  }
0x22f: {  	[tilespmem:s0], [sflag:$0x1] =	stream.indirect_vreg.gather [hbm4b:s1+s3], $0x80, v5, vm0, $0xb8;
	[tilespmem:$0x11100] =	vst v63  }
0x230: {  	s20 =	simm.s32 $0x1900;
	v4 =	vperm.xlane v4, v3  }
0x231: {  	[tilespmem:s20], [sflag:$0x1] =	stream.indirect_vreg.gather [hbm4b:s6+s3], $0x80, v5, vm0, $0xb8;
	[tilespmem:$0x11100] =	vst v63  }
0x232: {  	s25 =	simm.s32 $0x2100;
	v4 =	vadd.s32 v2, v4  }
0x233: {  	[tilespmem:s25], [sflag:$0x1] =	stream.indirect_vreg.gather [hbm4b:s7+s3], $0x80, v5, vm0, $0xb8;
	[tilespmem:$0x11100] =	vst v63  }
0x234: {  	s26 =	simm.s32 $0x2900  }
0x235: {  	[tilespmem:s26], [sflag:$0x1] =	stream.indirect_vreg.gather [hbm4b:s8+s3], $0x80, v5, vm0, $0xb8;
	[tilespmem:$0x11100] =	vst v63  }
0x236: {  	s29 =	simm.s32 $0x3100  }
0x237: {  	[tilespmem:s29], [sflag:$0x1] =	stream.indirect_vreg.gather [hbm4b:s1+s3], $0x80, v4, vm0, $0xb8;
	[tilespmem:$0x11100] =	vst v63  }
0x238: {  	s16 =	simm.s32 $0x3900  }
0x239: {  	[tilespmem:s16], [sflag:$0x1] =	stream.indirect_vreg.gather [hbm4b:s6+s3], $0x80, v4, vm0, $0xb8;
	[tilespmem:$0x11100] =	vst v63  }
0x23a: {  	s19 =	simm.s32 $0x4100  }
0x23b: {  	[tilespmem:s19], [sflag:$0x1] =	stream.indirect_vreg.gather [hbm4b:s7+s3], $0x80, v4, vm0, $0xb8;
	[tilespmem:$0x11100] =	vst v63  }
0x23c: {  	s21 =	simm.s32 $0x4900  }
0x23d: {  	[tilespmem:s21], [sflag:$0x1] =	stream.indirect_vreg.gather [hbm4b:s8+s3], $0x80, v4, vm0, $0xb8;
	[tilespmem:$0x11100] =	vst v63  }
0x23e: {  	_ =	swait.ge [sflag:s17], $0x4000  }
0x23f: {  	[sflag:s17] =	ssyncset.done $0x0  }
0x240: {  	s26 =	simm.s32 $0x9100;
	s25 =	rddreg [dreg:$0x12];
	[sflag:s17] =	ssyncadd.s32 $0xFFFFC000  }
0x241: {  	[hbm4b:s25+s3] =	stream.linear.scatter [tilespmem:s26], [sflag:$0x2], $0x4000, $0x38;
	[tilespmem:$0x11100] =	vst v63  }
0x242: {  	_ =	swait.ge [sflag:s28], $0x4000  }
0x243: {  	[sflag:s28] =	ssyncset.done $0x0  }
0x244: {  	[sflag:s28] =	ssyncadd.s32 $0xFFFFC000  }
0x245: {  	v4 =	vld [tilespmem:$0x10D0];
	_ =	sdelay $0x4  }
0x246: {  	v5 =	vshll.u32 v4, $0x3  }
0x247: {  	v4 =	vand.u32 $0x7, v4;
	v5 =	vand.u32 $0xFFFFFFC0, v5  }
0x248: {  	v4 =	vor.u32 v4, v5  }
0x249: {  	v5 =	vperm.xlane v4, v1;
	_ =	sdelay $0x1  }
0x24a: {  	v5 =	vadd.s32 v2, v5;
	_ =	sdelay $0x4  }
0x24b: {  	[tilespmem:s15], [sflag:$0x1] =	stream.indirect_vreg.gather [hbm4b:s1+s3], $0x80, v5, vm0, $0xb8;
	[tilespmem:$0x11100] =	vst v63  }
0x24c: {  	s18 =	simm.s32 $0x5900;
	v4 =	vperm.xlane v4, v3  }
0x24d: {  	[tilespmem:s18], [sflag:$0x1] =	stream.indirect_vreg.gather [hbm4b:s6+s3], $0x80, v5, vm0, $0xb8;
	[tilespmem:$0x11100] =	vst v63  }
0x24e: {  	s23 =	simm.s32 $0x6100;
	v4 =	vadd.s32 v2, v4  }
0x24f: {  	[tilespmem:s23], [sflag:$0x1] =	stream.indirect_vreg.gather [hbm4b:s7+s3], $0x80, v5, vm0, $0xb8;
	[tilespmem:$0x11100] =	vst v63  }
0x250: {  	s24 =	simm.s32 $0x6900  }
0x251: {  	[tilespmem:s24], [sflag:$0x1] =	stream.indirect_vreg.gather [hbm4b:s8+s3], $0x80, v5, vm0, $0xb8;
	[tilespmem:$0x11100] =	vst v63  }
0x252: {  	s29 =	simm.s32 $0x7100  }
0x253: {  	[tilespmem:s29], [sflag:$0x1] =	stream.indirect_vreg.gather [hbm4b:s1+s3], $0x80, v4, vm0, $0xb8;
	[tilespmem:$0x11100] =	vst v63  }
0x254: {  	s11 =	simm.s32 $0x7900  }
0x255: {  	[tilespmem:s11], [sflag:$0x1] =	stream.indirect_vreg.gather [hbm4b:s6+s3], $0x80, v4, vm0, $0xb8;
	[tilespmem:$0x11100] =	vst v63  }
0x256: {  	s14 =	simm.s32 $0x8100  }
0x257: {  	[tilespmem:s14], [sflag:$0x1] =	stream.indirect_vreg.gather [hbm4b:s7+s3], $0x80, v4, vm0, $0xb8;
	[tilespmem:$0x11100] =	vst v63  }
0x258: {  	s22 =	simm.s32 $0x8900  }
0x259: {  	[tilespmem:s22], [sflag:$0x1] =	stream.indirect_vreg.gather [hbm4b:s8+s3], $0x80, v4, vm0, $0xb8;
	[tilespmem:$0x11100] =	vst v63  }
0x25a: {  	_ =	swait.ge [sflag:s17], $0x4000  }
0x25b: {  	[sflag:s17] =	ssyncset.done $0x0  }
0x25c: {  	s11 =	rddreg [dreg:$0x13];
	[sflag:s17] =	ssyncadd.s32 $0xFFFFC000  }
0x25d: {  	[hbm4b:s11+s3] =	stream.linear.scatter [tilespmem:s12], [sflag:$0x2], $0x4000, $0x38;
	[tilespmem:$0x11100] =	vst v63  }
0x25e: {  	_ =	swait.ge [sflag:s28], $0x4000  }
0x25f: {  	[sflag:s28] =	ssyncset.done $0x0  }
0x260: {  	[sflag:s28] =	ssyncadd.s32 $0xFFFFC000  }
0x261: {  	v4 =	vld [tilespmem:$0x10E0];
	_ =	sdelay $0x4  }
0x262: {  	v5 =	vshll.u32 v4, $0x3  }
0x263: {  	v4 =	vand.u32 $0x7, v4;
	v5 =	vand.u32 $0xFFFFFFC0, v5  }
0x264: {  	v4 =	vor.u32 v4, v5  }
0x265: {  	v5 =	vperm.xlane v4, v1;
	_ =	sdelay $0x1  }
0x266: {  	v5 =	vadd.s32 v2, v5;
	_ =	sdelay $0x4  }
0x267: {  	[tilespmem:s26], [sflag:$0x1] =	stream.indirect_vreg.gather [hbm4b:s1+s3], $0x80, v5, vm0, $0xb8;
	[tilespmem:$0x11100] =	vst v63  }
0x268: {  	s10 =	simm.s32 $0x9900;
	v4 =	vperm.xlane v4, v3  }
0x269: {  	[tilespmem:s10], [sflag:$0x1] =	stream.indirect_vreg.gather [hbm4b:s6+s3], $0x80, v5, vm0, $0xb8;
	[tilespmem:$0x11100] =	vst v63  }
0x26a: {  	s31 =	simm.s32 $0xA100;
	v4 =	vadd.s32 v2, v4  }
0x26b: {  	[tilespmem:s31], [sflag:$0x1] =	stream.indirect_vreg.gather [hbm4b:s7+s3], $0x80, v5, vm0, $0xb8;
	[tilespmem:$0x11100] =	vst v63  }
0x26c: {  	s13 =	simm.s32 $0xA900  }
0x26d: {  	[tilespmem:s13], [sflag:$0x1] =	stream.indirect_vreg.gather [hbm4b:s8+s3], $0x80, v5, vm0, $0xb8;
	[tilespmem:$0x11100] =	vst v63  }
0x26e: {  	s2 =	simm.s32 $0xB100  }
0x26f: {  	[tilespmem:s2], [sflag:$0x1] =	stream.indirect_vreg.gather [hbm4b:s1+s3], $0x80, v4, vm0, $0xb8;
	[tilespmem:$0x11100] =	vst v63  }
0x270: {  	s4 =	simm.s32 $0xB900  }
0x271: {  	[tilespmem:s4], [sflag:$0x1] =	stream.indirect_vreg.gather [hbm4b:s6+s3], $0x80, v4, vm0, $0xb8;
	[tilespmem:$0x11100] =	vst v63  }
0x272: {  	s9 =	simm.s32 $0xC100  }
0x273: {  	[tilespmem:s9], [sflag:$0x1] =	stream.indirect_vreg.gather [hbm4b:s7+s3], $0x80, v4, vm0, $0xb8;
	[tilespmem:$0x11100] =	vst v63  }
0x274: {  	s30 =	simm.s32 $0xC900  }
0x275: {  	[tilespmem:s30], [sflag:$0x1] =	stream.indirect_vreg.gather [hbm4b:s8+s3], $0x80, v4, vm0, $0xb8;
	[tilespmem:$0x11100] =	vst v63  }
0x276: {  	_ =	swait.ge [sflag:s17], $0x4000  }
0x277: {  	[sflag:s17] =	ssyncset.done $0x0  }
0x278: {  	s0 =	simm.s32 $0x1100;
	s16 =	rddreg [dreg:$0x14];
	[sflag:s17] =	ssyncadd.s32 $0xFFFFC000  }
0x279: {  	[hbm4b:s16+s3] =	stream.linear.scatter [tilespmem:s0], [sflag:$0x2], $0x4000, $0x38;
	[tilespmem:$0x11100] =	vst v63  }
0x27a: {  	s18 =	rddreg [dreg:$0x1a];
	_ =	swait.ge [sflag:s28], $0x4000  }
0x27b: {  	[sflag:s28] =	ssyncset.done $0x0  }
0x27c: {  	[sflag:s28] =	ssyncadd.s32 $0xFFFFC000  }
0x27d: {  	v4 =	vld [tilespmem:$0x10F0];
	_ =	sdelay $0x4  }
0x27e: {  	v5 =	vshll.u32 v4, $0x3  }
0x27f: {  	v4 =	vand.u32 $0x7, v4;
	v5 =	vand.u32 $0xFFFFFFC0, v5  }
0x280: {  	v4 =	vor.u32 v4, v5  }
0x281: {  	v5 =	vperm.xlane v4, v1;
	_ =	sdelay $0x1  }
0x282: {  	v5 =	vadd.s32 v2, v5;
	_ =	sdelay $0x4  }
0x283: {  	[tilespmem:s12], [sflag:$0x1] =	stream.indirect_vreg.gather [hbm4b:s1+s3], $0x80, v5, vm0, $0xb8;
	[tilespmem:$0x11100] =	vst v63  }
0x284: {  	s19 =	simm.s32 $0xD900;
	v4 =	vperm.xlane v4, v3  }
0x285: {  	[tilespmem:s19], [sflag:$0x1] =	stream.indirect_vreg.gather [hbm4b:s6+s3], $0x80, v5, vm0, $0xb8;
	[tilespmem:$0x11100] =	vst v63  }
0x286: {  	s20 =	simm.s32 $0xE100;
	v4 =	vadd.s32 v2, v4  }
0x287: {  	[tilespmem:s20], [sflag:$0x1] =	stream.indirect_vreg.gather [hbm4b:s7+s3], $0x80, v5, vm0, $0xb8;
	[tilespmem:$0x11100] =	vst v63  }
0x288: {  	s21 =	simm.s32 $0xE900  }
0x289: {  	[tilespmem:s21], [sflag:$0x1] =	stream.indirect_vreg.gather [hbm4b:s8+s3], $0x80, v5, vm0, $0xb8;
	[tilespmem:$0x11100] =	vst v63  }
0x28a: {  	s22 =	simm.s32 $0xF100  }
0x28b: {  	[tilespmem:s22], [sflag:$0x1] =	stream.indirect_vreg.gather [hbm4b:s1+s3], $0x80, v4, vm0, $0xb8;
	[tilespmem:$0x11100] =	vst v63  }
0x28c: {  	s23 =	simm.s32 $0xF900  }
0x28d: {  	[tilespmem:s23], [sflag:$0x1] =	stream.indirect_vreg.gather [hbm4b:s6+s3], $0x80, v4, vm0, $0xb8;
	[tilespmem:$0x11100] =	vst v63  }
0x28e: {  	s24 =	simm.s32 $0x10100  }
0x28f: {  	[tilespmem:s24], [sflag:$0x1] =	stream.indirect_vreg.gather [hbm4b:s7+s3], $0x80, v4, vm0, $0xb8;
	[tilespmem:$0x11100] =	vst v63  }
0x290: {  	s25 =	simm.s32 $0x10900  }
0x291: {  	[tilespmem:s25], [sflag:$0x1] =	stream.indirect_vreg.gather [hbm4b:s8+s3], $0x80, v4, vm0, $0xb8;
	[tilespmem:$0x11100] =	vst v63  }
0x292: {  	_ =	swait.ge [sflag:s17], $0x4000  }
0x293: {  	[sflag:s17] =	ssyncset.done $0x0  }
0x294: {  	s26 =	rddreg [dreg:$0x15];
	[sflag:s17] =	ssyncadd.s32 $0xFFFFC000  }
0x295: {  	[hbm4b:s26+s3] =	stream.linear.scatter [tilespmem:s15], [sflag:$0x2], $0x4000, $0x38;
	[tilespmem:$0x11100] =	vst v63  }
0x296: {  	_ =	swait.ge [sflag:s17], $0x4000  }
0x297: {  	[sflag:s17] =	ssyncset.done $0x0  }
0x298: {  	s14 =	simm.s32 $0x9100;
	s30 =	rddreg [dreg:$0x16];
	[sflag:s17] =	ssyncadd.s32 $0xFFFFC000  }
0x299: {  	[hbm4b:s30+s3] =	stream.linear.scatter [tilespmem:s14], [sflag:$0x2], $0x4000, $0x38;
	[tilespmem:$0x11100] =	vst v63  }
0x29a: {  	_ =	swait.ge [sflag:s17], $0x4000  }
0x29b: {  	[sflag:s17] =	ssyncset.done $0x0  }
0x29c: {  	s31 =	rddreg [dreg:$0x17];
	[sflag:s17] =	ssyncadd.s32 $0xFFFFC000  }
0x29d: {  	[hbm4b:s31+s3] =	stream.linear.scatter [tilespmem:s12], [sflag:$0x2], $0x4000, $0x38;
	[tilespmem:$0x11100] =	vst v63  }
0x29e: {  	_ =	swait.ge [sflag:s28], $0x4000  }
0x29f: {  	[sflag:s28] =	ssyncset.done $0x0  }
0x2a0: {  	[sflag:s28] =	ssyncadd.s32 $0xFFFFC000  }
0x2a1: {  	_ =	swait.ge [sflag:s28], $0x4000  }
0x2a2: {  	[sflag:s28] =	ssyncset.done $0x0  }
0x2a3: {  	[sflag:s28] =	ssyncadd.s32 $0xFFFFC000  }
0x2a4: {  	p0 =	sne.s32 s18, $0x1;
	_ =	swait.ge [sflag:s28], $0x4000  }
.Ltmp0:
0x2a5: {  	[sflag:s28] =	ssyncset.done $0x0;
	(pc) =	sbr.rel @p0 .LBB2_1-.Ltmp0, $4  }
0x2a6: {  	[sflag:s28] =	ssyncadd.s32 $0xFFFFC000  }
0x2a7: {  	_ =	swait.ge [sflag:s28], $0x4000  }
0x2a8: {  	[sflag:s28] =	ssyncset.done $0x0  }
0x2a9: {  	s2 =	sadd.s32 $0xFFFFFFFF, s18;
	[sflag:s28] =	ssyncadd.s32 $0xFFFFC000  }
0x2aa: {  	_ =	sfence.sel $0x180000  }
0x2ab: {  	[bflag:$0x0] =	sbarrier.arrive $0xFFFF  }
0x2ac: {  	_ =	strace $0x90000047  }
0x2ad: {  	s0 =	stileid.u32;
	[bflag:$0x2] =	sbarrier.arrive $0xFFFF  }
0x2ae: {  	p0 =	sne.s32 s0, $0x0;
	s0 =	rddreg [dreg:$0x5]  }
0x2af: {  	s0 =	sadd.s32 @!p0 $0x100000, s0  }
0x2b0: {  	[sflag:s0] =	ssyncadd.tile.s32 @!p0 $0x1;
	_ =	shalt  }
.Lfunc_end2:
_tile_overlayer_lowered:
.L_overlay_start_2:
0x2b1: {  	(tag) =	ssettag $0x2  }
0x2b2: {  	s0 =	rddreg [dreg:$0x0];
	s2 =	stileid.u32  }
0x2b3: {  	s1 =	rddreg [dreg:$0x1];
	p0 =	sne.s32 s2, $0x0  }
0x2b4: {  	s3 =	rddreg [dreg:$0x2];
	[bflag:$0x3] =	sbarrier.arrive $0xFFFF;
	s2 =	simm.s32 @!p0 $0x1C03  }
0x2b5: {  	[timem:s3], [sflag:s2] =	dma.local @!p0 [hbm:s0], s1  }
0x2b6: {  	s0 =	simm.s32 @!p0 $0x3  }
0x2b7: {  	_ =	swait.ge @!p0 [sflag:s0], s1  }
0x2b8: {  	s1 =	ssub.s32 @!p0 $0x0, s1;
	[sflag:s0] =	ssyncset.done @!p0 $0x0  }
0x2b9: {  	[sflag:s0] =	ssyncadd.s32 @!p0 s1  }
0x2ba: {  	[bflag:$0x3] =	sbarrier.arrive $0xFFFF  }
0x2bb: {  	_ =	shalt  }

</sc_bundles>
